<compile_context>
chip_gen: v7x
topology: tpu7x:2x2x1
jax: 0.10.2.dev20260603
libtpu: 0.0.44.dev20260713+nightly
codegen_flags: <defaults>
</compile_context>

<pallas_src>
import functools

import jax
import jax.numpy as jnp
from jax import lax
from jax.experimental import pallas as pl
from jax.experimental.pallas import tpu as pltpu
from jax.experimental.pallas import tpu_sc as plsc

T = 2048
D = 768
F = 1024
E = 16
NW = 32
RPW = T // NW
BM = 128
NC = T // BM
CH = 512


def _silu(v):
    return v * (1.0 / (1.0 + jnp.exp(-v)))


def _gate_meta_body(x_ref, gw_ref, sw1_ref, sb1_ref, sw2_ref, sb2_ref,
                    sw3_ref, sb3_ref, pos_ref, offs_ref, wrow_ref, z_ref):
    x = x_ref[...]
    logits = jnp.dot(x, gw_ref[...].T, preferred_element_type=jnp.float32)
    m = jnp.max(logits, axis=1, keepdims=True)
    p = jnp.exp(logits - m)
    scores = p / jnp.sum(p, axis=1, keepdims=True)
    eidx = lax.broadcasted_iota(jnp.int32, (T, E), 1)
    first = jnp.min(jnp.where(logits == m, eidx, E), axis=1, keepdims=True)
    one_hot = (eidx == first).astype(jnp.float32)
    w = jnp.sum(scores * one_hot, axis=1, keepdims=True)
    wrow_ref[...] = jnp.broadcast_to(w, (T, 128))

    counts = jnp.sum(one_hot, axis=0, keepdims=True)
    iE = lax.broadcasted_iota(jnp.int32, (E, E), 0)
    jE = lax.broadcasted_iota(jnp.int32, (E, E), 1)
    Ue = (iE < jE).astype(jnp.float32)
    offs_row = jnp.dot(jnp.broadcast_to(counts, (8, E)), Ue,
                       preferred_element_type=jnp.float32)[0:1, :]
    Lc = (jE < iE).astype(jnp.float32)
    chunk_tot = jnp.sum(one_hot.reshape(NC, BM, E), axis=1)
    chunk_excl = jnp.dot(Lc, chunk_tot, preferred_element_type=jnp.float32)
    iB = lax.broadcasted_iota(jnp.int32, (BM, BM), 0)
    jB = lax.broadcasted_iota(jnp.int32, (BM, BM), 1)
    Lb = (jB < iB).astype(jnp.float32)
    for c in range(NC):
        oh_c = one_hot.reshape(NC, BM, E)[c]
        within = jnp.dot(Lb, oh_c, preferred_element_type=jnp.float32)
        rank = jnp.sum((within + chunk_excl[c:c + 1, :]) * oh_c, axis=1,
                       keepdims=True)
        base = jnp.sum(offs_row * oh_c, axis=1, keepdims=True)
        pos_c = (rank + base).astype(jnp.int32)
        rows_per_chunk = BM // RPW
        pos_ref[pl.ds(c * rows_per_chunk, rows_per_chunk), :] = (
            pos_c.reshape(rows_per_chunk, RPW))

    offs_pad = jnp.concatenate(
        [offs_row, jnp.full((1, E), float(T), jnp.float32)], axis=1)
    offs_ref[...] = offs_pad.astype(jnp.int32)

    for c in range(T // CH):
        xs = x_ref[pl.ds(c * CH, CH), :]
        h1 = jnp.dot(xs, sw1_ref[...].T, preferred_element_type=jnp.float32) + sb1_ref[...]
        h3 = jnp.dot(xs, sw3_ref[...].T, preferred_element_type=jnp.float32) + sb3_ref[...]
        z_ref[pl.ds(c * CH, CH), :] = (
            jnp.dot(_silu(h1) * h3, sw2_ref[...].T,
                    preferred_element_type=jnp.float32) + sb2_ref[...])


def _gate_meta(x, gate_w, SW1, SB1, SW2, SB2, SW3, SB3):
    return pl.pallas_call(
        _gate_meta_body,
        out_shape=(jax.ShapeDtypeStruct((NW, RPW), jnp.int32),
                   jax.ShapeDtypeStruct((1, 2 * E), jnp.int32),
                   jax.ShapeDtypeStruct((T, 128), jnp.float32),
                   jax.ShapeDtypeStruct((T, D), jnp.float32)),
    )(x, gate_w, SW1, SB1.reshape(1, F), SW2, SB2.reshape(1, D), SW3,
      SB3.reshape(1, F))


@functools.cache
def _sc_kernels():
    mesh = plsc.VectorSubcoreMesh(core_axis_name="c", subcore_axis_name="s")

    @functools.partial(
        pl.kernel,
        out_type=(jax.ShapeDtypeStruct((T, D), jnp.float32),
                  jax.ShapeDtypeStruct((T, D), jnp.float32),
                  jax.ShapeDtypeStruct((T, 128), jnp.float32)),
        mesh=mesh,
        scratch_types=[
            pltpu.VMEM((RPW,), jnp.int32),
            pltpu.VMEM((RPW, D), jnp.float32),
            pltpu.VMEM((RPW, D), jnp.float32),
            pltpu.VMEM((RPW, 128), jnp.float32),
            pltpu.SemaphoreType.DMA,
            pltpu.SemaphoreType.DMA,
            pltpu.SemaphoreType.DMA,
        ],
    )
    def _sc_scatter(x_hbm, z_hbm, w_hbm, pos_hbm, sx_hbm, sz_hbm, sw_hbm,
                    idx_v, x_v, z_v, w_v, s1, s2, s3):
        wid = lax.axis_index("s") * 2 + lax.axis_index("c")
        base = wid * RPW
        pltpu.sync_copy(pos_hbm.at[wid], idx_v)
        pltpu.sync_copy(x_hbm.at[pl.ds(base, RPW)], x_v)
        pltpu.sync_copy(z_hbm.at[pl.ds(base, RPW)], z_v)
        pltpu.sync_copy(w_hbm.at[pl.ds(base, RPW)], w_v)
        c1 = pltpu.async_copy(x_v, sx_hbm.at[idx_v], s1)
        c2 = pltpu.async_copy(z_v, sz_hbm.at[idx_v], s2)
        c3 = pltpu.async_copy(w_v, sw_hbm.at[idx_v], s3)
        c1.wait()
        c2.wait()
        c3.wait()

    @functools.partial(
        pl.kernel,
        out_type=jax.ShapeDtypeStruct((T, D), jnp.float32),
        mesh=mesh,
        scratch_types=[
            pltpu.VMEM((RPW,), jnp.int32),
            pltpu.VMEM((RPW, D), jnp.float32),
            pltpu.SemaphoreType.DMA,
        ],
    )
    def _sc_gather(sy_hbm, pos_hbm, out_hbm, idx_v, y_v, sem):
        wid = lax.axis_index("s") * 2 + lax.axis_index("c")
        base = wid * RPW
        pltpu.sync_copy(pos_hbm.at[wid], idx_v)
        pltpu.async_copy(sy_hbm.at[idx_v], y_v, sem).wait()
        pltpu.sync_copy(y_v, out_hbm.at[pl.ds(base, RPW)])

    return _sc_scatter, _sc_gather


def _ffn_body(offs_ref, sx_ref, sw_ref, sz_ref, w1_ref, b1_ref, w2_ref,
              b2_ref, w3_ref, b3_ref, out_ref):
    e = pl.program_id(0)

    @pl.when(e == 0)
    def _init():
        out_ref[...] = sz_ref[...]

    start = offs_ref[e]
    end = offs_ref[e + 1]
    for c in range(NC):
        c0 = c * BM

        @pl.when((end > c0) & (start < c0 + BM))
        def _chunk(c0=c0):
            xs = sx_ref[pl.ds(c0, BM), :]
            h1 = jnp.dot(xs, w1_ref[0].T, preferred_element_type=jnp.float32) + b1_ref[0]
            h3 = jnp.dot(xs, w3_ref[0].T, preferred_element_type=jnp.float32) + b3_ref[0]
            h = _silu(h1) * h3
            eo = jnp.dot(h, w2_ref[0].T, preferred_element_type=jnp.float32) + b2_ref[0]
            rows = c0 + lax.broadcasted_iota(jnp.int32, (BM, 1), 0)
            msk = (rows >= start) & (rows < end)
            wcol = sw_ref[pl.ds(c0, BM), 0:1]
            out_ref[pl.ds(c0, BM), :] += jnp.where(msk, wcol * eo, 0.0)


def _grouped_ffn(offs, sx, sw, sz, W1, B1, W2, B2, W3, B3):
    full = lambda shape: pl.BlockSpec(shape, lambda e, offs_ref: (0,) * len(shape))
    per_e3 = lambda shape: pl.BlockSpec(shape, lambda e, offs_ref: (e, 0, 0))
    grid_spec = pltpu.PrefetchScalarGridSpec(
        num_scalar_prefetch=1,
        grid=(E,),
        in_specs=[
            full((T, D)),
            full((T, 128)),
            full((T, D)),
            per_e3((1, F, D)),
            per_e3((1, 1, F)),
            per_e3((1, D, F)),
            per_e3((1, 1, D)),
            per_e3((1, F, D)),
            per_e3((1, 1, F)),
        ],
        out_specs=full((T, D)),
    )
    return pl.pallas_call(
        _ffn_body,
        grid_spec=grid_spec,
        out_shape=jax.ShapeDtypeStruct((T, D), jnp.float32),
    )(offs, sx, sw, sz, W1, B1.reshape(E, 1, F), W2, B2.reshape(E, 1, D),
      W3, B3.reshape(E, 1, F))


@jax.jit
def kernel(x, gate_w, W1, B1, W2, B2, W3, B3, SW1, SB1, SW2, SB2, SW3, SB3):
    sc_scatter, sc_gather = _sc_kernels()
    pos, offs2d, wrow, z = _gate_meta(x, gate_w, SW1, SB1, SW2, SB2, SW3, SB3)
    sx, sz, sw = sc_scatter(x, z, wrow, pos)
    sy = _grouped_ffn(offs2d.reshape(2 * E), sx, sw, sz, W1, B1, W2, B2, W3, B3)
    return sc_gather(sy, pos)

# --- scband reference (transcript-rebuilt; emitter-appended) ---
"""Pipeline reference for scband-mortmencoder-17712445128832 (READ-ONLY COPY).

The authoritative reference and input builder live on the scoring server;
editing this copy changes nothing except your own understanding.
"""

import jax, jax.numpy as jnp
import numpy as np

T = 2048
D_MODEL = 768
D_FF = 1024
N_EXPERTS = 16
TOP_K = 1


def setup_inputs(seed: int = 0) -> dict:
    key = jax.random.key(seed)
    ks = jax.random.split(key, 12)
    s = 0.02
    inp = {
        "x": jax.random.normal(ks[0], (T, D_MODEL), dtype=jnp.float32),
        "gate_w": jax.random.normal(ks[1], (N_EXPERTS, D_MODEL), dtype=jnp.float32) * s,
        "W1": jax.random.normal(ks[2], (N_EXPERTS, D_FF, D_MODEL), dtype=jnp.float32) * s,
        "B1": jnp.zeros((N_EXPERTS, D_FF), dtype=jnp.float32),
        "W2": jax.random.normal(ks[3], (N_EXPERTS, D_MODEL, D_FF), dtype=jnp.float32) * s,
        "B2": jnp.zeros((N_EXPERTS, D_MODEL), dtype=jnp.float32),
        "W3": jax.random.normal(ks[4], (N_EXPERTS, D_FF, D_MODEL), dtype=jnp.float32) * s,
        "B3": jnp.zeros((N_EXPERTS, D_FF), dtype=jnp.float32),
        "SW1": jax.random.normal(ks[5], (D_FF, D_MODEL), dtype=jnp.float32) * s,
        "SB1": jnp.zeros((D_FF,), dtype=jnp.float32),
        "SW2": jax.random.normal(ks[6], (D_MODEL, D_FF), dtype=jnp.float32) * s,
        "SB2": jnp.zeros((D_MODEL,), dtype=jnp.float32),
        "SW3": jax.random.normal(ks[7], (D_FF, D_MODEL), dtype=jnp.float32) * s,
        "SB3": jnp.zeros((D_FF,), dtype=jnp.float32),
    }
    return inp


def reference(x, gate_w, W1, B1, W2, B2, W3, B3, SW1, SB1, SW2, SB2, SW3, SB3):
    # ---- Gate (score_func='softmax', n_groups=1, bias=None since d_model != 7168) ----
    logits = x @ gate_w.T                      # [T, E]  (F.linear(x, weight))
    scores = jax.nn.softmax(logits, axis=-1)
    original_scores = scores
    _, top_idx = jax.lax.top_k(scores, TOP_K)  # [T, TOP_K]
    weights = jnp.take_along_axis(original_scores, top_idx, axis=-1)  # gather, route_scale=1

    # ---- Dispatch/combine: y[idx] += expert_i(x[idx]) * weights[idx, top] ----
    combine = jnp.zeros((x.shape[0], N_EXPERTS), dtype=x.dtype)
    combine = combine.at[jnp.arange(x.shape[0])[:, None], top_idx].add(weights)  # scatter-add

    # ---- Routed experts: w2(silu(w1 x) * w3 x) ----
    h1 = jnp.einsum('td,efd->etf', x, W1) + B1[:, None, :]
    h3 = jnp.einsum('td,efd->etf', x, W3) + B3[:, None, :]
    h = jax.nn.silu(h1) * h3
    expert_out = jnp.einsum('etf,edf->etd', h, W2) + B2[:, None, :]   # [E, T, D]
    y = jnp.einsum('te,etd->td', combine, expert_out)

    # ---- Shared expert (MLP): w2(silu(w1 x) * w3 x) ----
    z = (jax.nn.silu(x @ SW1.T + SB1) * (x @ SW3.T + SB3)) @ SW2.T + SB2
    return y + z

if __name__ == "__main__":
    import jax
    _d = setup_inputs()
    print(jax.jit(kernel)(*tuple(_d.values())))

</pallas_src>

<mosaic_0001>
#map = affine_map<(d0, d1) -> (0, 0)>
module attributes {stable_mosaic.version = 14 : i64} {
  func.func @_sc_scatter(%arg0: i32, %arg1: i32, %arg2: memref<2048x768xf32, #tpu.memory_space<hbm>>, %arg3: memref<2048x768xf32, #tpu.memory_space<hbm>>, %arg4: memref<2048x128xf32, #tpu.memory_space<hbm>>, %arg5: memref<32x64xi32, #tpu.memory_space<hbm>>, %arg6: memref<2048x768xf32, #tpu.memory_space<hbm>>, %arg7: memref<2048x768xf32, #tpu.memory_space<hbm>>, %arg8: memref<2048x128xf32, #tpu.memory_space<hbm>>, %arg9: memref<64xi32, #tpu.memory_space<vmem>>, %arg10: memref<64x768xf32, #tpu.memory_space<vmem>>, %arg11: memref<64x768xf32, #tpu.memory_space<vmem>>, %arg12: memref<64x128xf32, #tpu.memory_space<vmem>>, %arg13: memref<!tpu.dma_semaphore, #tpu.memory_space<semaphore_mem>>, %arg14: memref<!tpu.dma_semaphore, #tpu.memory_space<semaphore_mem>>, %arg15: memref<!tpu.dma_semaphore, #tpu.memory_space<semaphore_mem>>) attributes {dimension_semantics = [#tpu.dimension_semantics<core_parallel>, #tpu.dimension_semantics<subcore_parallel>], iteration_bounds = array<i64: 2, 16>, scalar_prefetch = 0 : i64, scratch_operands = 7 : i64, tpu.core_type = #tpu.core_type<sc_vector_subcore>, window_params = [{transform_indices = #map}, {transform_indices = #map}, {transform_indices = #map}, {transform_indices = #map}, {transform_indices = #map}, {transform_indices = #map}, {transform_indices = #map}]} {
    %mul3A = arith.constant 2 : i32
    %mul3A_0 = arith.muli %arg1, %mul3A : i32
    %add3A = arith.addi %mul3A_0, %arg0 : i32
    %mul3A_1 = arith.constant 64 : i32
    %mul3A_2 = arith.muli %add3A, %mul3A_1 : i32
    "tpu.region"() ({
      %run_scoped3A = tpu.sem_alloc : memref<!tpu.dma_semaphore, #tpu.memory_space<semaphore_mem>>
      %dma_start3A_19 = arith.constant 0 : i32
      %dma_start3A_20 = tpu.memref_slice %arg5[%add3A, %dma_start3A_19] : memref<32x64xi32, #tpu.memory_space<hbm>> -> memref<1x64xi32, #tpu.memory_space<hbm>>
      %dma_start3A_21 = tpu.memref_squeeze %dma_start3A_20 : memref<1x64xi32, #tpu.memory_space<hbm>> -> memref<64xi32, #tpu.memory_space<hbm>>
      %dma_start3A_22 = arith.constant 0 : i32
      %dma_start3A_23 = tpu.memref_slice %arg5[%add3A, %dma_start3A_22] : memref<32x64xi32, #tpu.memory_space<hbm>> -> memref<1x64xi32, #tpu.memory_space<hbm>>
      %dma_start3A_24 = tpu.memref_squeeze %dma_start3A_23 : memref<1x64xi32, #tpu.memory_space<hbm>> -> memref<64xi32, #tpu.memory_space<hbm>>
      tpu.enqueue_dma source(%dma_start3A_24 : memref<64xi32, #tpu.memory_space<hbm>>) target(%arg9 : memref<64xi32, #tpu.memory_space<vmem>>) target_semaphore(%run_scoped3A : memref<!tpu.dma_semaphore, #tpu.memory_space<semaphore_mem>>)
      %dma_wait3A_25 = arith.constant 0 : i32
      %dma_wait3A_26 = tpu.memref_slice %arg5[%add3A, %dma_wait3A_25] : memref<32x64xi32, #tpu.memory_space<hbm>> -> memref<1x64xi32, #tpu.memory_space<hbm>>
      %dma_wait3A_27 = tpu.memref_squeeze %dma_wait3A_26 : memref<1x64xi32, #tpu.memory_space<hbm>> -> memref<64xi32, #tpu.memory_space<hbm>>
      %dma_wait3A_28 = arith.constant 0 : i32
      %dma_wait3A_29 = tpu.memref_slice %arg5[%add3A, %dma_wait3A_28] : memref<32x64xi32, #tpu.memory_space<hbm>> -> memref<1x64xi32, #tpu.memory_space<hbm>>
      %dma_wait3A_30 = tpu.memref_squeeze %dma_wait3A_29 : memref<1x64xi32, #tpu.memory_space<hbm>> -> memref<64xi32, #tpu.memory_space<hbm>>
      tpu.wait_dma2 semaphore(%run_scoped3A : memref<!tpu.dma_semaphore, #tpu.memory_space<semaphore_mem>>) src(%dma_wait3A_30 : memref<64xi32, #tpu.memory_space<hbm>>) dst(%arg9 : memref<64xi32, #tpu.memory_space<vmem>>)
      tpu.yield
    }) : () -> ()
    "tpu.region"() ({
      %run_scoped3A = tpu.sem_alloc : memref<!tpu.dma_semaphore, #tpu.memory_space<semaphore_mem>>
      %dma_start3A_19 = arith.constant 0 : i32
      %dma_start3A_20 = tpu.memref_slice %arg2[%mul3A_2, %dma_start3A_19] : memref<2048x768xf32, #tpu.memory_space<hbm>> -> memref<64x768xf32, #tpu.memory_space<hbm>>
      %dma_start3A_21 = arith.constant 0 : i32
      %dma_start3A_22 = tpu.memref_slice %arg2[%mul3A_2, %dma_start3A_21] : memref<2048x768xf32, #tpu.memory_space<hbm>> -> memref<64x768xf32, #tpu.memory_space<hbm>>
      tpu.enqueue_dma source(%dma_start3A_22 : memref<64x768xf32, #tpu.memory_space<hbm>>) target(%arg10 : memref<64x768xf32, #tpu.memory_space<vmem>>) target_semaphore(%run_scoped3A : memref<!tpu.dma_semaphore, #tpu.memory_space<semaphore_mem>>)
      %dma_wait3A_23 = arith.constant 0 : i32
      %dma_wait3A_24 = tpu.memref_slice %arg2[%mul3A_2, %dma_wait3A_23] : memref<2048x768xf32, #tpu.memory_space<hbm>> -> memref<64x768xf32, #tpu.memory_space<hbm>>
      %dma_wait3A_25 = arith.constant 0 : i32
      %dma_wait3A_26 = tpu.memref_slice %arg2[%mul3A_2, %dma_wait3A_25] : memref<2048x768xf32, #tpu.memory_space<hbm>> -> memref<64x768xf32, #tpu.memory_space<hbm>>
      tpu.wait_dma2 semaphore(%run_scoped3A : memref<!tpu.dma_semaphore, #tpu.memory_space<semaphore_mem>>) src(%dma_wait3A_26 : memref<64x768xf32, #tpu.memory_space<hbm>>) dst(%arg10 : memref<64x768xf32, #tpu.memory_space<vmem>>)
      tpu.yield
    }) : () -> ()
    "tpu.region"() ({
      %run_scoped3A = tpu.sem_alloc : memref<!tpu.dma_semaphore, #tpu.memory_space<semaphore_mem>>
      %dma_start3A_19 = arith.constant 0 : i32
      %dma_start3A_20 = tpu.memref_slice %arg3[%mul3A_2, %dma_start3A_19] : memref<2048x768xf32, #tpu.memory_space<hbm>> -> memref<64x768xf32, #tpu.memory_space<hbm>>
      %dma_start3A_21 = arith.constant 0 : i32
      %dma_start3A_22 = tpu.memref_slice %arg3[%mul3A_2, %dma_start3A_21] : memref<2048x768xf32, #tpu.memory_space<hbm>> -> memref<64x768xf32, #tpu.memory_space<hbm>>
      tpu.enqueue_dma source(%dma_start3A_22 : memref<64x768xf32, #tpu.memory_space<hbm>>) target(%arg11 : memref<64x768xf32, #tpu.memory_space<vmem>>) target_semaphore(%run_scoped3A : memref<!tpu.dma_semaphore, #tpu.memory_space<semaphore_mem>>)
      %dma_wait3A_23 = arith.constant 0 : i32
      %dma_wait3A_24 = tpu.memref_slice %arg3[%mul3A_2, %dma_wait3A_23] : memref<2048x768xf32, #tpu.memory_space<hbm>> -> memref<64x768xf32, #tpu.memory_space<hbm>>
      %dma_wait3A_25 = arith.constant 0 : i32
      %dma_wait3A_26 = tpu.memref_slice %arg3[%mul3A_2, %dma_wait3A_25] : memref<2048x768xf32, #tpu.memory_space<hbm>> -> memref<64x768xf32, #tpu.memory_space<hbm>>
      tpu.wait_dma2 semaphore(%run_scoped3A : memref<!tpu.dma_semaphore, #tpu.memory_space<semaphore_mem>>) src(%dma_wait3A_26 : memref<64x768xf32, #tpu.memory_space<hbm>>) dst(%arg11 : memref<64x768xf32, #tpu.memory_space<vmem>>)
      tpu.yield
    }) : () -> ()
    "tpu.region"() ({
      %run_scoped3A = tpu.sem_alloc : memref<!tpu.dma_semaphore, #tpu.memory_space<semaphore_mem>>
      %dma_start3A_19 = arith.constant 0 : i32
      %dma_start3A_20 = tpu.memref_slice %arg4[%mul3A_2, %dma_start3A_19] : memref<2048x128xf32, #tpu.memory_space<hbm>> -> memref<64x128xf32, #tpu.memory_space<hbm>>
      %dma_start3A_21 = arith.constant 0 : i32
      %dma_start3A_22 = tpu.memref_slice %arg4[%mul3A_2, %dma_start3A_21] : memref<2048x128xf32, #tpu.memory_space<hbm>> -> memref<64x128xf32, #tpu.memory_space<hbm>>
      tpu.enqueue_dma source(%dma_start3A_22 : memref<64x128xf32, #tpu.memory_space<hbm>>) target(%arg12 : memref<64x128xf32, #tpu.memory_space<vmem>>) target_semaphore(%run_scoped3A : memref<!tpu.dma_semaphore, #tpu.memory_space<semaphore_mem>>)
      %dma_wait3A_23 = arith.constant 0 : i32
      %dma_wait3A_24 = tpu.memref_slice %arg4[%mul3A_2, %dma_wait3A_23] : memref<2048x128xf32, #tpu.memory_space<hbm>> -> memref<64x128xf32, #tpu.memory_space<hbm>>
      %dma_wait3A_25 = arith.constant 0 : i32
      %dma_wait3A_26 = tpu.memref_slice %arg4[%mul3A_2, %dma_wait3A_25] : memref<2048x128xf32, #tpu.memory_space<hbm>> -> memref<64x128xf32, #tpu.memory_space<hbm>>
      tpu.wait_dma2 semaphore(%run_scoped3A : memref<!tpu.dma_semaphore, #tpu.memory_space<semaphore_mem>>) src(%dma_wait3A_26 : memref<64x128xf32, #tpu.memory_space<hbm>>) dst(%arg12 : memref<64x128xf32, #tpu.memory_space<vmem>>)
      tpu.yield
    }) : () -> ()
    %dma_start3A = arith.constant 0 : i32
    %dma_start3A_3 = arith.constant 0 : i32
    %dma_start3A_4 = tpu.memref_slice %arg6[%dma_start3A, %dma_start3A_3] : memref<2048x768xf32, #tpu.memory_space<hbm>> -> memref<2048x768xf32, #tpu.memory_space<hbm>>
    tpu.enqueue_indirect_dma source(%arg10 : memref<64x768xf32, #tpu.memory_space<vmem>>) target(%dma_start3A_4 : memref<2048x768xf32, #tpu.memory_space<hbm>>) offsets(%arg9 : memref<64xi32, #tpu.memory_space<vmem>>) semaphore(%arg13 : memref<!tpu.dma_semaphore, #tpu.memory_space<semaphore_mem>>)
    %dma_start3A_5 = arith.constant 0 : i32
    %dma_start3A_6 = arith.constant 0 : i32
    %dma_start3A_7 = tpu.memref_slice %arg7[%dma_start3A_5, %dma_start3A_6] : memref<2048x768xf32, #tpu.memory_space<hbm>> -> memref<2048x768xf32, #tpu.memory_space<hbm>>
    tpu.enqueue_indirect_dma source(%arg11 : memref<64x768xf32, #tpu.memory_space<vmem>>) target(%dma_start3A_7 : memref<2048x768xf32, #tpu.memory_space<hbm>>) offsets(%arg9 : memref<64xi32, #tpu.memory_space<vmem>>) semaphore(%arg14 : memref<!tpu.dma_semaphore, #tpu.memory_space<semaphore_mem>>)
    %dma_start3A_8 = arith.constant 0 : i32
    %dma_start3A_9 = arith.constant 0 : i32
    %dma_start3A_10 = tpu.memref_slice %arg8[%dma_start3A_8, %dma_start3A_9] : memref<2048x128xf32, #tpu.memory_space<hbm>> -> memref<2048x128xf32, #tpu.memory_space<hbm>>
    tpu.enqueue_indirect_dma source(%arg12 : memref<64x128xf32, #tpu.memory_space<vmem>>) target(%dma_start3A_10 : memref<2048x128xf32, #tpu.memory_space<hbm>>) offsets(%arg9 : memref<64xi32, #tpu.memory_space<vmem>>) semaphore(%arg15 : memref<!tpu.dma_semaphore, #tpu.memory_space<semaphore_mem>>)
    %dma_wait3A = arith.constant 0 : i32
    %dma_wait3A_11 = arith.constant 0 : i32
    %dma_wait3A_12 = tpu.memref_slice %arg6[%dma_wait3A, %dma_wait3A_11] : memref<2048x768xf32, #tpu.memory_space<hbm>> -> memref<2048x768xf32, #tpu.memory_space<hbm>>
    tpu.wait_indirect_dma semaphore(%arg13 : memref<!tpu.dma_semaphore, #tpu.memory_space<semaphore_mem>>) src(%arg10 : memref<64x768xf32, #tpu.memory_space<vmem>>) dst(%dma_wait3A_12 : memref<2048x768xf32, #tpu.memory_space<hbm>>)
    %dma_wait3A_13 = arith.constant 0 : i32
    %dma_wait3A_14 = arith.constant 0 : i32
    %dma_wait3A_15 = tpu.memref_slice %arg7[%dma_wait3A_13, %dma_wait3A_14] : memref<2048x768xf32, #tpu.memory_space<hbm>> -> memref<2048x768xf32, #tpu.memory_space<hbm>>
    tpu.wait_indirect_dma semaphore(%arg14 : memref<!tpu.dma_semaphore, #tpu.memory_space<semaphore_mem>>) src(%arg11 : memref<64x768xf32, #tpu.memory_space<vmem>>) dst(%dma_wait3A_15 : memref<2048x768xf32, #tpu.memory_space<hbm>>)
    %dma_wait3A_16 = arith.constant 0 : i32
    %dma_wait3A_17 = arith.constant 0 : i32
    %dma_wait3A_18 = tpu.memref_slice %arg8[%dma_wait3A_16, %dma_wait3A_17] : memref<2048x128xf32, #tpu.memory_space<hbm>> -> memref<2048x128xf32, #tpu.memory_space<hbm>>
    tpu.wait_indirect_dma semaphore(%arg15 : memref<!tpu.dma_semaphore, #tpu.memory_space<semaphore_mem>>) src(%arg12 : memref<64x128xf32, #tpu.memory_space<vmem>>) dst(%dma_wait3A_18 : memref<2048x128xf32, #tpu.memory_space<hbm>>)
    return
  }
}

#map = affine_map<(d0, d1) -> (0, 0)>
module attributes {stable_mosaic.version = 14 : i64} {
  func.func @_sc_gather(%arg0: i32, %arg1: i32, %arg2: memref<2048x768xf32, #tpu.memory_space<hbm>>, %arg3: memref<32x64xi32, #tpu.memory_space<hbm>>, %arg4: memref<2048x768xf32, #tpu.memory_space<hbm>>, %arg5: memref<64xi32, #tpu.memory_space<vmem>>, %arg6: memref<64x768xf32, #tpu.memory_space<vmem>>, %arg7: memref<!tpu.dma_semaphore, #tpu.memory_space<semaphore_mem>>) attributes {dimension_semantics = [#tpu.dimension_semantics<core_parallel>, #tpu.dimension_semantics<subcore_parallel>], iteration_bounds = array<i64: 2, 16>, scalar_prefetch = 0 : i64, scratch_operands = 3 : i64, tpu.core_type = #tpu.core_type<sc_vector_subcore>, window_params = [{transform_indices = #map}, {transform_indices = #map}, {transform_indices = #map}]} {
    %mul3A = arith.constant 2 : i32
    %mul3A_0 = arith.muli %arg1, %mul3A : i32
    %add3A = arith.addi %mul3A_0, %arg0 : i32
    %mul3A_1 = arith.constant 64 : i32
    %mul3A_2 = arith.muli %add3A, %mul3A_1 : i32
    "tpu.region"() ({
      %run_scoped3A = tpu.sem_alloc : memref<!tpu.dma_semaphore, #tpu.memory_space<semaphore_mem>>
      %dma_start3A_7 = arith.constant 0 : i32
      %dma_start3A_8 = tpu.memref_slice %arg3[%add3A, %dma_start3A_7] : memref<32x64xi32, #tpu.memory_space<hbm>> -> memref<1x64xi32, #tpu.memory_space<hbm>>
      %dma_start3A_9 = tpu.memref_squeeze %dma_start3A_8 : memref<1x64xi32, #tpu.memory_space<hbm>> -> memref<64xi32, #tpu.memory_space<hbm>>
      %dma_start3A_10 = arith.constant 0 : i32
      %dma_start3A_11 = tpu.memref_slice %arg3[%add3A, %dma_start3A_10] : memref<32x64xi32, #tpu.memory_space<hbm>> -> memref<1x64xi32, #tpu.memory_space<hbm>>
      %dma_start3A_12 = tpu.memref_squeeze %dma_start3A_11 : memref<1x64xi32, #tpu.memory_space<hbm>> -> memref<64xi32, #tpu.memory_space<hbm>>
      tpu.enqueue_dma source(%dma_start3A_12 : memref<64xi32, #tpu.memory_space<hbm>>) target(%arg5 : memref<64xi32, #tpu.memory_space<vmem>>) target_semaphore(%run_scoped3A : memref<!tpu.dma_semaphore, #tpu.memory_space<semaphore_mem>>)
      %dma_wait3A_13 = arith.constant 0 : i32
      %dma_wait3A_14 = tpu.memref_slice %arg3[%add3A, %dma_wait3A_13] : memref<32x64xi32, #tpu.memory_space<hbm>> -> memref<1x64xi32, #tpu.memory_space<hbm>>
      %dma_wait3A_15 = tpu.memref_squeeze %dma_wait3A_14 : memref<1x64xi32, #tpu.memory_space<hbm>> -> memref<64xi32, #tpu.memory_space<hbm>>
      %dma_wait3A_16 = arith.constant 0 : i32
      %dma_wait3A_17 = tpu.memref_slice %arg3[%add3A, %dma_wait3A_16] : memref<32x64xi32, #tpu.memory_space<hbm>> -> memref<1x64xi32, #tpu.memory_space<hbm>>
      %dma_wait3A_18 = tpu.memref_squeeze %dma_wait3A_17 : memref<1x64xi32, #tpu.memory_space<hbm>> -> memref<64xi32, #tpu.memory_space<hbm>>
      tpu.wait_dma2 semaphore(%run_scoped3A : memref<!tpu.dma_semaphore, #tpu.memory_space<semaphore_mem>>) src(%dma_wait3A_18 : memref<64xi32, #tpu.memory_space<hbm>>) dst(%arg5 : memref<64xi32, #tpu.memory_space<vmem>>)
      tpu.yield
    }) : () -> ()
    %dma_start3A = arith.constant 0 : i32
    %dma_start3A_3 = arith.constant 0 : i32
    %dma_start3A_4 = tpu.memref_slice %arg2[%dma_start3A, %dma_start3A_3] : memref<2048x768xf32, #tpu.memory_space<hbm>> -> memref<2048x768xf32, #tpu.memory_space<hbm>>
    tpu.enqueue_indirect_dma source(%dma_start3A_4 : memref<2048x768xf32, #tpu.memory_space<hbm>>) target(%arg6 : memref<64x768xf32, #tpu.memory_space<vmem>>) offsets(%arg5 : memref<64xi32, #tpu.memory_space<vmem>>) semaphore(%arg7 : memref<!tpu.dma_semaphore, #tpu.memory_space<semaphore_mem>>)
    %dma_wait3A = arith.constant 0 : i32
    %dma_wait3A_5 = arith.constant 0 : i32
    %dma_wait3A_6 = tpu.memref_slice %arg2[%dma_wait3A, %dma_wait3A_5] : memref<2048x768xf32, #tpu.memory_space<hbm>> -> memref<2048x768xf32, #tpu.memory_space<hbm>>
    tpu.wait_indirect_dma semaphore(%arg7 : memref<!tpu.dma_semaphore, #tpu.memory_space<semaphore_mem>>) src(%dma_wait3A_6 : memref<2048x768xf32, #tpu.memory_space<hbm>>) dst(%arg6 : memref<64x768xf32, #tpu.memory_space<vmem>>)
    "tpu.region"() ({
      %run_scoped3A = tpu.sem_alloc : memref<!tpu.dma_semaphore, #tpu.memory_space<semaphore_mem>>
      %dma_start3A_7 = arith.constant 0 : i32
      %dma_start3A_8 = tpu.memref_slice %arg4[%mul3A_2, %dma_start3A_7] : memref<2048x768xf32, #tpu.memory_space<hbm>> -> memref<64x768xf32, #tpu.memory_space<hbm>>
      %dma_start3A_9 = arith.constant 0 : i32
      %dma_start3A_10 = tpu.memref_slice %arg4[%mul3A_2, %dma_start3A_9] : memref<2048x768xf32, #tpu.memory_space<hbm>> -> memref<64x768xf32, #tpu.memory_space<hbm>>
      tpu.enqueue_dma source(%arg6 : memref<64x768xf32, #tpu.memory_space<vmem>>) target(%dma_start3A_10 : memref<64x768xf32, #tpu.memory_space<hbm>>) target_semaphore(%run_scoped3A : memref<!tpu.dma_semaphore, #tpu.memory_space<semaphore_mem>>)
      %dma_wait3A_11 = arith.constant 0 : i32
      %dma_wait3A_12 = tpu.memref_slice %arg4[%mul3A_2, %dma_wait3A_11] : memref<2048x768xf32, #tpu.memory_space<hbm>> -> memref<64x768xf32, #tpu.memory_space<hbm>>
      %dma_wait3A_13 = arith.constant 0 : i32
      %dma_wait3A_14 = tpu.memref_slice %arg4[%mul3A_2, %dma_wait3A_13] : memref<2048x768xf32, #tpu.memory_space<hbm>> -> memref<64x768xf32, #tpu.memory_space<hbm>>
      tpu.wait_dma2 semaphore(%run_scoped3A : memref<!tpu.dma_semaphore, #tpu.memory_space<semaphore_mem>>) src(%arg6 : memref<64x768xf32, #tpu.memory_space<vmem>>) dst(%dma_wait3A_14 : memref<64x768xf32, #tpu.memory_space<hbm>>)
      tpu.yield
    }) : () -> ()
    return
  }
}

module attributes {stable_mosaic.version = 14 : i64} {
  func.func @_ffn_body(%arg0: i32, %arg1: memref<32xi32, #tpu.memory_space<smem>>, %arg2: memref<2048x768xf32, #tpu.memory_space<vmem>>, %arg3: memref<2048x128xf32, #tpu.memory_space<vmem>>, %arg4: memref<2048x768xf32, #tpu.memory_space<vmem>>, %arg5: memref<1x1024x768xf32, #tpu.memory_space<vmem>>, %arg6: memref<1x1x1024xf32, #tpu.memory_space<vmem>>, %arg7: memref<1x768x1024xf32, #tpu.memory_space<vmem>>, %arg8: memref<1x1x768xf32, #tpu.memory_space<vmem>>, %arg9: memref<1x1024x768xf32, #tpu.memory_space<vmem>>, %arg10: memref<1x1x1024xf32, #tpu.memory_space<vmem>>, %arg11: memref<2048x768xf32, #tpu.memory_space<vmem>>) attributes {dimension_semantics = [#tpu.dimension_semantics<arbitrary>], iteration_bounds = array<i64: 16>, scalar_prefetch = 1 : i64, scratch_operands = 0 : i64, tpu.core_type = #tpu.core_type<tc>, window_params = [{pipeline_mode = #tpu.pipeline_mode<synchronous>, transform_indices = @transform_0, window_bounds = array<i64: 2048, 768>}, {pipeline_mode = #tpu.pipeline_mode<synchronous>, transform_indices = @transform_1, window_bounds = array<i64: 2048, 128>}, {pipeline_mode = #tpu.pipeline_mode<synchronous>, transform_indices = @transform_2, window_bounds = array<i64: 2048, 768>}, {transform_indices = @transform_3, window_bounds = array<i64: 1, 1024, 768>}, {transform_indices = @transform_4, window_bounds = array<i64: 1, 1, 1024>}, {transform_indices = @transform_5, window_bounds = array<i64: 1, 768, 1024>}, {transform_indices = @transform_6, window_bounds = array<i64: 1, 1, 768>}, {transform_indices = @transform_7, window_bounds = array<i64: 1, 1024, 768>}, {transform_indices = @transform_8, window_bounds = array<i64: 1, 1, 1024>}, {pipeline_mode = #tpu.pipeline_mode<synchronous>, transform_indices = @transform_9, window_bounds = array<i64: 2048, 768>}]} {
    %eq3A = arith.constant 0 : i32
    %eq3A_0 = arith.cmpi eq, %arg0, %eq3A : i32
    %convert_element_type3A = arith.extui %eq3A_0 : i1 to i32
    %cond3A = arith.constant 0 : i32
    %cond3A_1 = arith.cmpi ne, %convert_element_type3A, %cond3A : i32
    scf.if %cond3A_1 {
      %get3A_131 = arith.constant 0 : index
      %get3A_132 = arith.constant 0 : index
      %get3A_133 = vector.load %arg4[%get3A_131, %get3A_132] : memref<2048x768xf32, #tpu.memory_space<vmem>>, vector<2048x768xf32>
      %swap3A = arith.constant 0 : index
      %swap3A_134 = arith.constant 0 : index
      %swap3A_135 = vector.load %arg11[%swap3A, %swap3A_134] : memref<2048x768xf32, #tpu.memory_space<vmem>>, vector<2048x768xf32>
      tpu.vector_store %arg11[%swap3A, %swap3A_134], %get3A_133 {strides = array<i32>} : memref<2048x768xf32, #tpu.memory_space<vmem>>, vector<2048x768xf32>,
    } else {
    }
    %get3A = arith.index_cast %arg0 : i32 to index
    %get3A_2 = memref.load %arg1[%get3A] : memref<32xi32, #tpu.memory_space<smem>>
    %add3A = arith.constant 1 : i32
    %add3A_3 = arith.addi %arg0, %add3A : i32
    %get3A_4 = arith.index_cast %add3A_3 : i32 to index
    %get3A_5 = memref.load %arg1[%get3A_4] : memref<32xi32, #tpu.memory_space<smem>>
    %gt3A = arith.constant 0 : i32
    %gt3A_6 = arith.cmpi sgt, %get3A_5, %gt3A : i32
    %lt3A = arith.constant 128 : i32
    %lt3A_7 = arith.cmpi slt, %get3A_2, %lt3A : i32
    %and3A = arith.andi %gt3A_6, %lt3A_7 : i1
    %convert_element_type3A_8 = arith.extui %and3A : i1 to i32
    %cond3A_9 = arith.constant 0 : i32
    %cond3A_10 = arith.cmpi ne, %convert_element_type3A_8, %cond3A_9 : i32
    scf.if %cond3A_10 {
      %get3A_131 = arith.constant 0 : index
      %get3A_132 = arith.constant 0 : index
      %get3A_133 = vector.load %arg2[%get3A_131, %get3A_132] : memref<2048x768xf32, #tpu.memory_space<vmem>>, vector<128x768xf32>
      %get3A_134 = arith.constant 0 : index
      %get3A_135 = arith.constant 0 : index
      %get3A_136 = arith.constant 0 : index
      %get3A_137 = vector.load %arg5[%get3A_134, %get3A_135, %get3A_136] : memref<1x1024x768xf32, #tpu.memory_space<vmem>>, vector<1x1024x768xf32>
      %get3A_138 = vector.shape_cast %get3A_137 : vector<1x1024x768xf32> to vector<1024x768xf32>
      %transpose3A = tpu.transpose %get3A_138, [1, 0] : vector<1024x768xf32> -> vector<768x1024xf32>
      %dot_general3A = arith.constant dense<0.000000e+00> : vector<128x1024xf32>
      %dot_general3A_139 = tpu.matmul %get3A_133, %transpose3A, %dot_general3A {dimension_numbers = #tpu.dot_dimension_numbers<[1], [0], [0], [1], [0, 0, 1, 1], [], []>, transpose_lhs_hint = false} : vector<128x768xf32>, vector<768x1024xf32>, vector<128x1024xf32> -> vector<128x1024xf32>
      %get3A_140 = arith.constant 0 : index
      %get3A_141 = arith.constant 0 : index
      %get3A_142 = arith.constant 0 : index
      %get3A_143 = vector.load %arg6[%get3A_140, %get3A_141, %get3A_142] : memref<1x1x1024xf32, #tpu.memory_space<vmem>>, vector<1x1x1024xf32>
      %get3A_144 = vector.shape_cast %get3A_143 : vector<1x1x1024xf32> to vector<1x1024xf32>
      %add3A_145 = vector.broadcast %get3A_144 : vector<1x1024xf32> to vector<128x1024xf32>
      %add3A_146 = arith.addf %dot_general3A_139, %add3A_145 : vector<128x1024xf32>
      %get3A_147 = arith.constant 0 : index
      %get3A_148 = arith.constant 0 : index
      %get3A_149 = arith.constant 0 : index
      %get3A_150 = vector.load %arg9[%get3A_147, %get3A_148, %get3A_149] : memref<1x1024x768xf32, #tpu.memory_space<vmem>>, vector<1x1024x768xf32>
      %get3A_151 = vector.shape_cast %get3A_150 : vector<1x1024x768xf32> to vector<1024x768xf32>
      %transpose3A_152 = tpu.transpose %get3A_151, [1, 0] : vector<1024x768xf32> -> vector<768x1024xf32>
      %dot_general3A_153 = arith.constant dense<0.000000e+00> : vector<128x1024xf32>
      %dot_general3A_154 = tpu.matmul %get3A_133, %transpose3A_152, %dot_general3A_153 {dimension_numbers = #tpu.dot_dimension_numbers<[1], [0], [0], [1], [0, 0, 1, 1], [], []>, transpose_lhs_hint = false} : vector<128x768xf32>, vector<768x1024xf32>, vector<128x1024xf32> -> vector<128x1024xf32>
      %get3A_155 = arith.constant 0 : index
      %get3A_156 = arith.constant 0 : index
      %get3A_157 = arith.constant 0 : index
      %get3A_158 = vector.load %arg10[%get3A_155, %get3A_156, %get3A_157] : memref<1x1x1024xf32, #tpu.memory_space<vmem>>, vector<1x1x1024xf32>
      %get3A_159 = vector.shape_cast %get3A_158 : vector<1x1x1024xf32> to vector<1x1024xf32>
      %add3A_160 = vector.broadcast %get3A_159 : vector<1x1024xf32> to vector<128x1024xf32>
      %add3A_161 = arith.addf %dot_general3A_154, %add3A_160 : vector<128x1024xf32>
      %neg3A = arith.constant 0.000000e+00 : f32
      %neg3A_162 = vector.broadcast %neg3A : f32 to vector<128x1024xf32>
      %neg3A_163 = arith.subf %neg3A_162, %add3A_146 : vector<128x1024xf32>
      %exp3A = math.exp %neg3A_163 : vector<128x1024xf32>
      %add3A_164 = arith.constant 1.000000e+00 : f32
      %add3A_165 = vector.broadcast %add3A_164 : f32 to vector<128x1024xf32>
      %add3A_166 = arith.addf %add3A_165, %exp3A : vector<128x1024xf32>
      %div3A = arith.constant 1.000000e+00 : f32
      %div3A_167 = vector.broadcast %div3A : f32 to vector<128x1024xf32>
      %div3A_168 = arith.divf %div3A_167, %add3A_166 : vector<128x1024xf32>
      %mul3A = arith.mulf %add3A_146, %div3A_168 : vector<128x1024xf32>
      %mul3A_169 = arith.mulf %mul3A, %add3A_161 : vector<128x1024xf32>
      %get3A_170 = arith.constant 0 : index
      %get3A_171 = arith.constant 0 : index
      %get3A_172 = arith.constant 0 : index
      %get3A_173 = vector.load %arg7[%get3A_170, %get3A_171, %get3A_172] : memref<1x768x1024xf32, #tpu.memory_space<vmem>>, vector<1x768x1024xf32>
      %get3A_174 = vector.shape_cast %get3A_173 : vector<1x768x1024xf32> to vector<768x1024xf32>
      %transpose3A_175 = tpu.transpose %get3A_174, [1, 0] : vector<768x1024xf32> -> vector<1024x768xf32>
      %dot_general3A_176 = arith.constant dense<0.000000e+00> : vector<128x768xf32>
      %dot_general3A_177 = tpu.matmul %mul3A_169, %transpose3A_175, %dot_general3A_176 {dimension_numbers = #tpu.dot_dimension_numbers<[1], [0], [0], [1], [0, 0, 1, 1], [], []>, transpose_lhs_hint = false} : vector<128x1024xf32>, vector<1024x768xf32>, vector<128x768xf32> -> vector<128x768xf32>
      %get3A_178 = arith.constant 0 : index
      %get3A_179 = arith.constant 0 : index
      %get3A_180 = arith.constant 0 : index
      %get3A_181 = vector.load %arg8[%get3A_178, %get3A_179, %get3A_180] : memref<1x1x768xf32, #tpu.memory_space<vmem>>, vector<1x1x768xf32>
      %get3A_182 = vector.shape_cast %get3A_181 : vector<1x1x768xf32> to vector<1x768xf32>
      %add3A_183 = vector.broadcast %get3A_182 : vector<1x768xf32> to vector<128x768xf32>
      %add3A_184 = arith.addf %dot_general3A_177, %add3A_183 : vector<128x768xf32>
      %iota3A = tpu.iota {dimensions = array<i32: 0>} : vector<128x1xi32>
      %add3A_185 = arith.constant 0 : i32
      %add3A_186 = vector.broadcast %add3A_185 : i32 to vector<128x1xi32>
      %add3A_187 = arith.addi %add3A_186, %iota3A : vector<128x1xi32>
      %ge3A = vector.broadcast %get3A_2 : i32 to vector<128x1xi32>
      %ge3A_188 = arith.cmpi sge, %add3A_187, %ge3A : vector<128x1xi32>
      %lt3A_189 = vector.broadcast %get3A_5 : i32 to vector<128x1xi32>
      %lt3A_190 = arith.cmpi slt, %add3A_187, %lt3A_189 : vector<128x1xi32>
      %and3A_191 = arith.andi %ge3A_188, %lt3A_190 : vector<128x1xi1>
      %get3A_192 = arith.constant 0 : index
      %get3A_193 = arith.constant 0 : index
      %get3A_194 = vector.load %arg3[%get3A_192, %get3A_193] : memref<2048x128xf32, #tpu.memory_space<vmem>>, vector<128x1xf32>
      %get3A_195 = arith.constant 0 : index
      %get3A_196 = arith.constant 0 : index
      %get3A_197 = vector.load %arg11[%get3A_195, %get3A_196] : memref<2048x768xf32, #tpu.memory_space<vmem>>, vector<128x768xf32>
      %mul3A_198 = vector.broadcast %get3A_194 : vector<128x1xf32> to vector<128x768xf32>
      %mul3A_199 = arith.mulf %mul3A_198, %add3A_184 : vector<128x768xf32>
      %jit3A = arith.constant 0.000000e+00 : f32
      %broadcast_in_dim3A = vector.shape_cast %and3A_191 : vector<128x1xi1> to vector<128x1xi1>
      %broadcast_in_dim3A_200 = vector.broadcast %broadcast_in_dim3A : vector<128x1xi1> to vector<128x768xi1>
      %broadcast_in_dim3A_201 = vector.broadcast %jit3A : f32 to vector<128x768xf32>
      %select_n3A = arith.select %broadcast_in_dim3A_200, %mul3A_199, %broadcast_in_dim3A_201 : vector<128x768xi1>, vector<128x768xf32>
      %add3A_202 = arith.addf %get3A_197, %select_n3A : vector<128x768xf32>
      %swap3A = arith.constant 0 : index
      %swap3A_203 = arith.constant 0 : index
      %swap3A_204 = vector.load %arg11[%swap3A, %swap3A_203] : memref<2048x768xf32, #tpu.memory_space<vmem>>, vector<128x768xf32>
      tpu.vector_store %arg11[%swap3A, %swap3A_203], %add3A_202 {strides = array<i32>} : memref<2048x768xf32, #tpu.memory_space<vmem>>, vector<128x768xf32>,
    } else {
    }
    %gt3A_11 = arith.constant 128 : i32
    %gt3A_12 = arith.cmpi sgt, %get3A_5, %gt3A_11 : i32
    %lt3A_13 = arith.constant 256 : i32
    %lt3A_14 = arith.cmpi slt, %get3A_2, %lt3A_13 : i32
    %and3A_15 = arith.andi %gt3A_12, %lt3A_14 : i1
    %convert_element_type3A_16 = arith.extui %and3A_15 : i1 to i32
    %cond3A_17 = arith.constant 0 : i32
    %cond3A_18 = arith.cmpi ne, %convert_element_type3A_16, %cond3A_17 : i32
    scf.if %cond3A_18 {
      %get3A_131 = arith.constant 128 : index
      %get3A_132 = arith.constant 0 : index
      %get3A_133 = vector.load %arg2[%get3A_131, %get3A_132] : memref<2048x768xf32, #tpu.memory_space<vmem>>, vector<128x768xf32>
      %get3A_134 = arith.constant 0 : index
      %get3A_135 = arith.constant 0 : index
      %get3A_136 = arith.constant 0 : index
      %get3A_137 = vector.load %arg5[%get3A_134, %get3A_135, %get3A_136] : memref<1x1024x768xf32, #tpu.memory_space<vmem>>, vector<1x1024x768xf32>
      %get3A_138 = vector.shape_cast %get3A_137 : vector<1x1024x768xf32> to vector<1024x768xf32>
      %transpose3A = tpu.transpose %get3A_138, [1, 0] : vector<1024x768xf32> -> vector<768x1024xf32>
      %dot_general3A = arith.constant dense<0.000000e+00> : vector<128x1024xf32>
      %dot_general3A_139 = tpu.matmul %get3A_133, %transpose3A, %dot_general3A {dimension_numbers = #tpu.dot_dimension_numbers<[1], [0], [0], [1], [0, 0, 1, 1], [], []>, transpose_lhs_hint = false} : vector<128x768xf32>, vector<768x1024xf32>, vector<128x1024xf32> -> vector<128x1024xf32>
      %get3A_140 = arith.constant 0 : index
      %get3A_141 = arith.constant 0 : index
      %get3A_142 = arith.constant 0 : index
      %get3A_143 = vector.load %arg6[%get3A_140, %get3A_141, %get3A_142] : memref<1x1x1024xf32, #tpu.memory_space<vmem>>, vector<1x1x1024xf32>
      %get3A_144 = vector.shape_cast %get3A_143 : vector<1x1x1024xf32> to vector<1x1024xf32>
      %add3A_145 = vector.broadcast %get3A_144 : vector<1x1024xf32> to vector<128x1024xf32>
      %add3A_146 = arith.addf %dot_general3A_139, %add3A_145 : vector<128x1024xf32>
      %get3A_147 = arith.constant 0 : index
      %get3A_148 = arith.constant 0 : index
      %get3A_149 = arith.constant 0 : index
      %get3A_150 = vector.load %arg9[%get3A_147, %get3A_148, %get3A_149] : memref<1x1024x768xf32, #tpu.memory_space<vmem>>, vector<1x1024x768xf32>
      %get3A_151 = vector.shape_cast %get3A_150 : vector<1x1024x768xf32> to vector<1024x768xf32>
      %transpose3A_152 = tpu.transpose %get3A_151, [1, 0] : vector<1024x768xf32> -> vector<768x1024xf32>
      %dot_general3A_153 = arith.constant dense<0.000000e+00> : vector<128x1024xf32>
      %dot_general3A_154 = tpu.matmul %get3A_133, %transpose3A_152, %dot_general3A_153 {dimension_numbers = #tpu.dot_dimension_numbers<[1], [0], [0], [1], [0, 0, 1, 1], [], []>, transpose_lhs_hint = false} : vector<128x768xf32>, vector<768x1024xf32>, vector<128x1024xf32> -> vector<128x1024xf32>
      %get3A_155 = arith.constant 0 : index
      %get3A_156 = arith.constant 0 : index
      %get3A_157 = arith.constant 0 : index
      %get3A_158 = vector.load %arg10[%get3A_155, %get3A_156, %get3A_157] : memref<1x1x1024xf32, #tpu.memory_space<vmem>>, vector<1x1x1024xf32>
      %get3A_159 = vector.shape_cast %get3A_158 : vector<1x1x1024xf32> to vector<1x1024xf32>
      %add3A_160 = vector.broadcast %get3A_159 : vector<1x1024xf32> to vector<128x1024xf32>
      %add3A_161 = arith.addf %dot_general3A_154, %add3A_160 : vector<128x1024xf32>
      %neg3A = arith.constant 0.000000e+00 : f32
      %neg3A_162 = vector.broadcast %neg3A : f32 to vector<128x1024xf32>
      %neg3A_163 = arith.subf %neg3A_162, %add3A_146 : vector<128x1024xf32>
      %exp3A = math.exp %neg3A_163 : vector<128x1024xf32>
      %add3A_164 = arith.constant 1.000000e+00 : f32
      %add3A_165 = vector.broadcast %add3A_164 : f32 to vector<128x1024xf32>
      %add3A_166 = arith.addf %add3A_165, %exp3A : vector<128x1024xf32>
      %div3A = arith.constant 1.000000e+00 : f32
      %div3A_167 = vector.broadcast %div3A : f32 to vector<128x1024xf32>
      %div3A_168 = arith.divf %div3A_167, %add3A_166 : vector<128x1024xf32>
      %mul3A = arith.mulf %add3A_146, %div3A_168 : vector<128x1024xf32>
      %mul3A_169 = arith.mulf %mul3A, %add3A_161 : vector<128x1024xf32>
      %get3A_170 = arith.constant 0 : index
      %get3A_171 = arith.constant 0 : index
      %get3A_172 = arith.constant 0 : index
      %get3A_173 = vector.load %arg7[%get3A_170, %get3A_171, %get3A_172] : memref<1x768x1024xf32, #tpu.memory_space<vmem>>, vector<1x768x1024xf32>
      %get3A_174 = vector.shape_cast %get3A_173 : vector<1x768x1024xf32> to vector<768x1024xf32>
      %transpose3A_175 = tpu.transpose %get3A_174, [1, 0] : vector<768x1024xf32> -> vector<1024x768xf32>
      %dot_general3A_176 = arith.constant dense<0.000000e+00> : vector<128x768xf32>
      %dot_general3A_177 = tpu.matmul %mul3A_169, %transpose3A_175, %dot_general3A_176 {dimension_numbers = #tpu.dot_dimension_numbers<[1], [0], [0], [1], [0, 0, 1, 1], [], []>, transpose_lhs_hint = false} : vector<128x1024xf32>, vector<1024x768xf32>, vector<128x768xf32> -> vector<128x768xf32>
      %get3A_178 = arith.constant 0 : index
      %get3A_179 = arith.constant 0 : index
      %get3A_180 = arith.constant 0 : index
      %get3A_181 = vector.load %arg8[%get3A_178, %get3A_179, %get3A_180] : memref<1x1x768xf32, #tpu.memory_space<vmem>>, vector<1x1x768xf32>
      %get3A_182 = vector.shape_cast %get3A_181 : vector<1x1x768xf32> to vector<1x768xf32>
      %add3A_183 = vector.broadcast %get3A_182 : vector<1x768xf32> to vector<128x768xf32>
      %add3A_184 = arith.addf %dot_general3A_177, %add3A_183 : vector<128x768xf32>
      %iota3A = tpu.iota {dimensions = array<i32: 0>} : vector<128x1xi32>
      %add3A_185 = arith.constant 128 : i32
      %add3A_186 = vector.broadcast %add3A_185 : i32 to vector<128x1xi32>
      %add3A_187 = arith.addi %add3A_186, %iota3A : vector<128x1xi32>
      %ge3A = vector.broadcast %get3A_2 : i32 to vector<128x1xi32>
      %ge3A_188 = arith.cmpi sge, %add3A_187, %ge3A : vector<128x1xi32>
      %lt3A_189 = vector.broadcast %get3A_5 : i32 to vector<128x1xi32>
      %lt3A_190 = arith.cmpi slt, %add3A_187, %lt3A_189 : vector<128x1xi32>
      %and3A_191 = arith.andi %ge3A_188, %lt3A_190 : vector<128x1xi1>
      %get3A_192 = arith.constant 128 : index
      %get3A_193 = arith.constant 0 : index
      %get3A_194 = vector.load %arg3[%get3A_192, %get3A_193] : memref<2048x128xf32, #tpu.memory_space<vmem>>, vector<128x1xf32>
      %get3A_195 = arith.constant 128 : index
      %get3A_196 = arith.constant 0 : index
      %get3A_197 = vector.load %arg11[%get3A_195, %get3A_196] : memref<2048x768xf32, #tpu.memory_space<vmem>>, vector<128x768xf32>
      %mul3A_198 = vector.broadcast %get3A_194 : vector<128x1xf32> to vector<128x768xf32>
      %mul3A_199 = arith.mulf %mul3A_198, %add3A_184 : vector<128x768xf32>
      %jit3A = arith.constant 0.000000e+00 : f32
      %broadcast_in_dim3A = vector.shape_cast %and3A_191 : vector<128x1xi1> to vector<128x1xi1>
      %broadcast_in_dim3A_200 = vector.broadcast %broadcast_in_dim3A : vector<128x1xi1> to vector<128x768xi1>
      %broadcast_in_dim3A_201 = vector.broadcast %jit3A : f32 to vector<128x768xf32>
      %select_n3A = arith.select %broadcast_in_dim3A_200, %mul3A_199, %broadcast_in_dim3A_201 : vector<128x768xi1>, vector<128x768xf32>
      %add3A_202 = arith.addf %get3A_197, %select_n3A : vector<128x768xf32>
      %swap3A = arith.constant 128 : index
      %swap3A_203 = arith.constant 0 : index
      %swap3A_204 = vector.load %arg11[%swap3A, %swap3A_203] : memref<2048x768xf32, #tpu.memory_space<vmem>>, vector<128x768xf32>
      tpu.vector_store %arg11[%swap3A, %swap3A_203], %add3A_202 {strides = array<i32>} : memref<2048x768xf32, #tpu.memory_space<vmem>>, vector<128x768xf32>,
    } else {
    }
    %gt3A_19 = arith.constant 256 : i32
    %gt3A_20 = arith.cmpi sgt, %get3A_5, %gt3A_19 : i32
    %lt3A_21 = arith.constant 384 : i32
    %lt3A_22 = arith.cmpi slt, %get3A_2, %lt3A_21 : i32
    %and3A_23 = arith.andi %gt3A_20, %lt3A_22 : i1
    %convert_element_type3A_24 = arith.extui %and3A_23 : i1 to i32
    %cond3A_25 = arith.constant 0 : i32
    %cond3A_26 = arith.cmpi ne, %convert_element_type3A_24, %cond3A_25 : i32
    scf.if %cond3A_26 {
      %get3A_131 = arith.constant 256 : index
      %get3A_132 = arith.constant 0 : index
      %get3A_133 = vector.load %arg2[%get3A_131, %get3A_132] : memref<2048x768xf32, #tpu.memory_space<vmem>>, vector<128x768xf32>
      %get3A_134 = arith.constant 0 : index
      %get3A_135 = arith.constant 0 : index
      %get3A_136 = arith.constant 0 : index
      %get3A_137 = vector.load %arg5[%get3A_134, %get3A_135, %get3A_136] : memref<1x1024x768xf32, #tpu.memory_space<vmem>>, vector<1x1024x768xf32>
      %get3A_138 = vector.shape_cast %get3A_137 : vector<1x1024x768xf32> to vector<1024x768xf32>
      %transpose3A = tpu.transpose %get3A_138, [1, 0] : vector<1024x768xf32> -> vector<768x1024xf32>
      %dot_general3A = arith.constant dense<0.000000e+00> : vector<128x1024xf32>
      %dot_general3A_139 = tpu.matmul %get3A_133, %transpose3A, %dot_general3A {dimension_numbers = #tpu.dot_dimension_numbers<[1], [0], [0], [1], [0, 0, 1, 1], [], []>, transpose_lhs_hint = false} : vector<128x768xf32>, vector<768x1024xf32>, vector<128x1024xf32> -> vector<128x1024xf32>
      %get3A_140 = arith.constant 0 : index
      %get3A_141 = arith.constant 0 : index
      %get3A_142 = arith.constant 0 : index
      %get3A_143 = vector.load %arg6[%get3A_140, %get3A_141, %get3A_142] : memref<1x1x1024xf32, #tpu.memory_space<vmem>>, vector<1x1x1024xf32>
      %get3A_144 = vector.shape_cast %get3A_143 : vector<1x1x1024xf32> to vector<1x1024xf32>
      %add3A_145 = vector.broadcast %get3A_144 : vector<1x1024xf32> to vector<128x1024xf32>
      %add3A_146 = arith.addf %dot_general3A_139, %add3A_145 : vector<128x1024xf32>
      %get3A_147 = arith.constant 0 : index
      %get3A_148 = arith.constant 0 : index
      %get3A_149 = arith.constant 0 : index
      %get3A_150 = vector.load %arg9[%get3A_147, %get3A_148, %get3A_149] : memref<1x1024x768xf32, #tpu.memory_space<vmem>>, vector<1x1024x768xf32>
      %get3A_151 = vector.shape_cast %get3A_150 : vector<1x1024x768xf32> to vector<1024x768xf32>
      %transpose3A_152 = tpu.transpose %get3A_151, [1, 0] : vector<1024x768xf32> -> vector<768x1024xf32>
      %dot_general3A_153 = arith.constant dense<0.000000e+00> : vector<128x1024xf32>
      %dot_general3A_154 = tpu.matmul %get3A_133, %transpose3A_152, %dot_general3A_153 {dimension_numbers = #tpu.dot_dimension_numbers<[1], [0], [0], [1], [0, 0, 1, 1], [], []>, transpose_lhs_hint = false} : vector<128x768xf32>, vector<768x1024xf32>, vector<128x1024xf32> -> vector<128x1024xf32>
      %get3A_155 = arith.constant 0 : index
      %get3A_156 = arith.constant 0 : index
      %get3A_157 = arith.constant 0 : index
      %get3A_158 = vector.load %arg10[%get3A_155, %get3A_156, %get3A_157] : memref<1x1x1024xf32, #tpu.memory_space<vmem>>, vector<1x1x1024xf32>
      %get3A_159 = vector.shape_cast %get3A_158 : vector<1x1x1024xf32> to vector<1x1024xf32>
      %add3A_160 = vector.broadcast %get3A_159 : vector<1x1024xf32> to vector<128x1024xf32>
      %add3A_161 = arith.addf %dot_general3A_154, %add3A_160 : vector<128x1024xf32>
      %neg3A = arith.constant 0.000000e+00 : f32
      %neg3A_162 = vector.broadcast %neg3A : f32 to vector<128x1024xf32>
      %neg3A_163 = arith.subf %neg3A_162, %add3A_146 : vector<128x1024xf32>
      %exp3A = math.exp %neg3A_163 : vector<128x1024xf32>
      %add3A_164 = arith.constant 1.000000e+00 : f32
      %add3A_165 = vector.broadcast %add3A_164 : f32 to vector<128x1024xf32>
      %add3A_166 = arith.addf %add3A_165, %exp3A : vector<128x1024xf32>
      %div3A = arith.constant 1.000000e+00 : f32
      %div3A_167 = vector.broadcast %div3A : f32 to vector<128x1024xf32>
      %div3A_168 = arith.divf %div3A_167, %add3A_166 : vector<128x1024xf32>
      %mul3A = arith.mulf %add3A_146, %div3A_168 : vector<128x1024xf32>
      %mul3A_169 = arith.mulf %mul3A, %add3A_161 : vector<128x1024xf32>
      %get3A_170 = arith.constant 0 : index
      %get3A_171 = arith.constant 0 : index
      %get3A_172 = arith.constant 0 : index
      %get3A_173 = vector.load %arg7[%get3A_170, %get3A_171, %get3A_172] : memref<1x768x1024xf32, #tpu.memory_space<vmem>>, vector<1x768x1024xf32>
      %get3A_174 = vector.shape_cast %get3A_173 : vector<1x768x1024xf32> to vector<768x1024xf32>
      %transpose3A_175 = tpu.transpose %get3A_174, [1, 0] : vector<768x1024xf32> -> vector<1024x768xf32>
      %dot_general3A_176 = arith.constant dense<0.000000e+00> : vector<128x768xf32>
      %dot_general3A_177 = tpu.matmul %mul3A_169, %transpose3A_175, %dot_general3A_176 {dimension_numbers = #tpu.dot_dimension_numbers<[1], [0], [0], [1], [0, 0, 1, 1], [], []>, transpose_lhs_hint = false} : vector<128x1024xf32>, vector<1024x768xf32>, vector<128x768xf32> -> vector<128x768xf32>
      %get3A_178 = arith.constant 0 : index
      %get3A_179 = arith.constant 0 : index
      %get3A_180 = arith.constant 0 : index
      %get3A_181 = vector.load %arg8[%get3A_178, %get3A_179, %get3A_180] : memref<1x1x768xf32, #tpu.memory_space<vmem>>, vector<1x1x768xf32>
      %get3A_182 = vector.shape_cast %get3A_181 : vector<1x1x768xf32> to vector<1x768xf32>
      %add3A_183 = vector.broadcast %get3A_182 : vector<1x768xf32> to vector<128x768xf32>
      %add3A_184 = arith.addf %dot_general3A_177, %add3A_183 : vector<128x768xf32>
      %iota3A = tpu.iota {dimensions = array<i32: 0>} : vector<128x1xi32>
      %add3A_185 = arith.constant 256 : i32
      %add3A_186 = vector.broadcast %add3A_185 : i32 to vector<128x1xi32>
      %add3A_187 = arith.addi %add3A_186, %iota3A : vector<128x1xi32>
      %ge3A = vector.broadcast %get3A_2 : i32 to vector<128x1xi32>
      %ge3A_188 = arith.cmpi sge, %add3A_187, %ge3A : vector<128x1xi32>
      %lt3A_189 = vector.broadcast %get3A_5 : i32 to vector<128x1xi32>
      %lt3A_190 = arith.cmpi slt, %add3A_187, %lt3A_189 : vector<128x1xi32>
      %and3A_191 = arith.andi %ge3A_188, %lt3A_190 : vector<128x1xi1>
      %get3A_192 = arith.constant 256 : index
      %get3A_193 = arith.constant 0 : index
      %get3A_194 = vector.load %arg3[%get3A_192, %get3A_193] : memref<2048x128xf32, #tpu.memory_space<vmem>>, vector<128x1xf32>
      %get3A_195 = arith.constant 256 : index
      %get3A_196 = arith.constant 0 : index
      %get3A_197 = vector.load %arg11[%get3A_195, %get3A_196] : memref<2048x768xf32, #tpu.memory_space<vmem>>, vector<128x768xf32>
      %mul3A_198 = vector.broadcast %get3A_194 : vector<128x1xf32> to vector<128x768xf32>
      %mul3A_199 = arith.mulf %mul3A_198, %add3A_184 : vector<128x768xf32>
      %jit3A = arith.constant 0.000000e+00 : f32
      %broadcast_in_dim3A = vector.shape_cast %and3A_191 : vector<128x1xi1> to vector<128x1xi1>
      %broadcast_in_dim3A_200 = vector.broadcast %broadcast_in_dim3A : vector<128x1xi1> to vector<128x768xi1>
      %broadcast_in_dim3A_201 = vector.broadcast %jit3A : f32 to vector<128x768xf32>
      %select_n3A = arith.select %broadcast_in_dim3A_200, %mul3A_199, %broadcast_in_dim3A_201 : vector<128x768xi1>, vector<128x768xf32>
      %add3A_202 = arith.addf %get3A_197, %select_n3A : vector<128x768xf32>
      %swap3A = arith.constant 256 : index
      %swap3A_203 = arith.constant 0 : index
      %swap3A_204 = vector.load %arg11[%swap3A, %swap3A_203] : memref<2048x768xf32, #tpu.memory_space<vmem>>, vector<128x768xf32>
      tpu.vector_store %arg11[%swap3A, %swap3A_203], %add3A_202 {strides = array<i32>} : memref<2048x768xf32, #tpu.memory_space<vmem>>, vector<128x768xf32>,
    } else {
    }
    %gt3A_27 = arith.constant 384 : i32
    %gt3A_28 = arith.cmpi sgt, %get3A_5, %gt3A_27 : i32
    %lt3A_29 = arith.constant 512 : i32
    %lt3A_30 = arith.cmpi slt, %get3A_2, %lt3A_29 : i32
    %and3A_31 = arith.andi %gt3A_28, %lt3A_30 : i1
    %convert_element_type3A_32 = arith.extui %and3A_31 : i1 to i32
    %cond3A_33 = arith.constant 0 : i32
    %cond3A_34 = arith.cmpi ne, %convert_element_type3A_32, %cond3A_33 : i32
    scf.if %cond3A_34 {
      %get3A_131 = arith.constant 384 : index
      %get3A_132 = arith.constant 0 : index
      %get3A_133 = vector.load %arg2[%get3A_131, %get3A_132] : memref<2048x768xf32, #tpu.memory_space<vmem>>, vector<128x768xf32>
      %get3A_134 = arith.constant 0 : index
      %get3A_135 = arith.constant 0 : index
      %get3A_136 = arith.constant 0 : index
      %get3A_137 = vector.load %arg5[%get3A_134, %get3A_135, %get3A_136] : memref<1x1024x768xf32, #tpu.memory_space<vmem>>, vector<1x1024x768xf32>
      %get3A_138 = vector.shape_cast %get3A_137 : vector<1x1024x768xf32> to vector<1024x768xf32>
      %transpose3A = tpu.transpose %get3A_138, [1, 0] : vector<1024x768xf32> -> vector<768x1024xf32>
      %dot_general3A = arith.constant dense<0.000000e+00> : vector<128x1024xf32>
      %dot_general3A_139 = tpu.matmul %get3A_133, %transpose3A, %dot_general3A {dimension_numbers = #tpu.dot_dimension_numbers<[1], [0], [0], [1], [0, 0, 1, 1], [], []>, transpose_lhs_hint = false} : vector<128x768xf32>, vector<768x1024xf32>, vector<128x1024xf32> -> vector<128x1024xf32>
      %get3A_140 = arith.constant 0 : index
      %get3A_141 = arith.constant 0 : index
      %get3A_142 = arith.constant 0 : index
      %get3A_143 = vector.load %arg6[%get3A_140, %get3A_141, %get3A_142] : memref<1x1x1024xf32, #tpu.memory_space<vmem>>, vector<1x1x1024xf32>
      %get3A_144 = vector.shape_cast %get3A_143 : vector<1x1x1024xf32> to vector<1x1024xf32>
      %add3A_145 = vector.broadcast %get3A_144 : vector<1x1024xf32> to vector<128x1024xf32>
      %add3A_146 = arith.addf %dot_general3A_139, %add3A_145 : vector<128x1024xf32>
      %get3A_147 = arith.constant 0 : index
      %get3A_148 = arith.constant 0 : index
      %get3A_149 = arith.constant 0 : index
      %get3A_150 = vector.load %arg9[%get3A_147, %get3A_148, %get3A_149] : memref<1x1024x768xf32, #tpu.memory_space<vmem>>, vector<1x1024x768xf32>
      %get3A_151 = vector.shape_cast %get3A_150 : vector<1x1024x768xf32> to vector<1024x768xf32>
      %transpose3A_152 = tpu.transpose %get3A_151, [1, 0] : vector<1024x768xf32> -> vector<768x1024xf32>
      %dot_general3A_153 = arith.constant dense<0.000000e+00> : vector<128x1024xf32>
      %dot_general3A_154 = tpu.matmul %get3A_133, %transpose3A_152, %dot_general3A_153 {dimension_numbers = #tpu.dot_dimension_numbers<[1], [0], [0], [1], [0, 0, 1, 1], [], []>, transpose_lhs_hint = false} : vector<128x768xf32>, vector<768x1024xf32>, vector<128x1024xf32> -> vector<128x1024xf32>
      %get3A_155 = arith.constant 0 : index
      %get3A_156 = arith.constant 0 : index
      %get3A_157 = arith.constant 0 : index
      %get3A_158 = vector.load %arg10[%get3A_155, %get3A_156, %get3A_157] : memref<1x1x1024xf32, #tpu.memory_space<vmem>>, vector<1x1x1024xf32>
      %get3A_159 = vector.shape_cast %get3A_158 : vector<1x1x1024xf32> to vector<1x1024xf32>
      %add3A_160 = vector.broadcast %get3A_159 : vector<1x1024xf32> to vector<128x1024xf32>
      %add3A_161 = arith.addf %dot_general3A_154, %add3A_160 : vector<128x1024xf32>
      %neg3A = arith.constant 0.000000e+00 : f32
      %neg3A_162 = vector.broadcast %neg3A : f32 to vector<128x1024xf32>
      %neg3A_163 = arith.subf %neg3A_162, %add3A_146 : vector<128x1024xf32>
      %exp3A = math.exp %neg3A_163 : vector<128x1024xf32>
      %add3A_164 = arith.constant 1.000000e+00 : f32
      %add3A_165 = vector.broadcast %add3A_164 : f32 to vector<128x1024xf32>
      %add3A_166 = arith.addf %add3A_165, %exp3A : vector<128x1024xf32>
      %div3A = arith.constant 1.000000e+00 : f32
      %div3A_167 = vector.broadcast %div3A : f32 to vector<128x1024xf32>
      %div3A_168 = arith.divf %div3A_167, %add3A_166 : vector<128x1024xf32>
      %mul3A = arith.mulf %add3A_146, %div3A_168 : vector<128x1024xf32>
      %mul3A_169 = arith.mulf %mul3A, %add3A_161 : vector<128x1024xf32>
      %get3A_170 = arith.constant 0 : index
      %get3A_171 = arith.constant 0 : index
      %get3A_172 = arith.constant 0 : index
      %get3A_173 = vector.load %arg7[%get3A_170, %get3A_171, %get3A_172] : memref<1x768x1024xf32, #tpu.memory_space<vmem>>, vector<1x768x1024xf32>
      %get3A_174 = vector.shape_cast %get3A_173 : vector<1x768x1024xf32> to vector<768x1024xf32>
      %transpose3A_175 = tpu.transpose %get3A_174, [1, 0] : vector<768x1024xf32> -> vector<1024x768xf32>
      %dot_general3A_176 = arith.constant dense<0.000000e+00> : vector<128x768xf32>
      %dot_general3A_177 = tpu.matmul %mul3A_169, %transpose3A_175, %dot_general3A_176 {dimension_numbers = #tpu.dot_dimension_numbers<[1], [0], [0], [1], [0, 0, 1, 1], [], []>, transpose_lhs_hint = false} : vector<128x1024xf32>, vector<1024x768xf32>, vector<128x768xf32> -> vector<128x768xf32>
      %get3A_178 = arith.constant 0 : index
      %get3A_179 = arith.constant 0 : index
      %get3A_180 = arith.constant 0 : index
      %get3A_181 = vector.load %arg8[%get3A_178, %get3A_179, %get3A_180] : memref<1x1x768xf32, #tpu.memory_space<vmem>>, vector<1x1x768xf32>
      %get3A_182 = vector.shape_cast %get3A_181 : vector<1x1x768xf32> to vector<1x768xf32>
      %add3A_183 = vector.broadcast %get3A_182 : vector<1x768xf32> to vector<128x768xf32>
      %add3A_184 = arith.addf %dot_general3A_177, %add3A_183 : vector<128x768xf32>
      %iota3A = tpu.iota {dimensions = array<i32: 0>} : vector<128x1xi32>
      %add3A_185 = arith.constant 384 : i32
      %add3A_186 = vector.broadcast %add3A_185 : i32 to vector<128x1xi32>
      %add3A_187 = arith.addi %add3A_186, %iota3A : vector<128x1xi32>
      %ge3A = vector.broadcast %get3A_2 : i32 to vector<128x1xi32>
      %ge3A_188 = arith.cmpi sge, %add3A_187, %ge3A : vector<128x1xi32>
      %lt3A_189 = vector.broadcast %get3A_5 : i32 to vector<128x1xi32>
      %lt3A_190 = arith.cmpi slt, %add3A_187, %lt3A_189 : vector<128x1xi32>
      %and3A_191 = arith.andi %ge3A_188, %lt3A_190 : vector<128x1xi1>
      %get3A_192 = arith.constant 384 : index
      %get3A_193 = arith.constant 0 : index
      %get3A_194 = vector.load %arg3[%get3A_192, %get3A_193] : memref<2048x128xf32, #tpu.memory_space<vmem>>, vector<128x1xf32>
      %get3A_195 = arith.constant 384 : index
      %get3A_196 = arith.constant 0 : index
      %get3A_197 = vector.load %arg11[%get3A_195, %get3A_196] : memref<2048x768xf32, #tpu.memory_space<vmem>>, vector<128x768xf32>
      %mul3A_198 = vector.broadcast %get3A_194 : vector<128x1xf32> to vector<128x768xf32>
      %mul3A_199 = arith.mulf %mul3A_198, %add3A_184 : vector<128x768xf32>
      %jit3A = arith.constant 0.000000e+00 : f32
      %broadcast_in_dim3A = vector.shape_cast %and3A_191 : vector<128x1xi1> to vector<128x1xi1>
      %broadcast_in_dim3A_200 = vector.broadcast %broadcast_in_dim3A : vector<128x1xi1> to vector<128x768xi1>
      %broadcast_in_dim3A_201 = vector.broadcast %jit3A : f32 to vector<128x768xf32>
      %select_n3A = arith.select %broadcast_in_dim3A_200, %mul3A_199, %broadcast_in_dim3A_201 : vector<128x768xi1>, vector<128x768xf32>
      %add3A_202 = arith.addf %get3A_197, %select_n3A : vector<128x768xf32>
      %swap3A = arith.constant 384 : index
      %swap3A_203 = arith.constant 0 : index
      %swap3A_204 = vector.load %arg11[%swap3A, %swap3A_203] : memref<2048x768xf32, #tpu.memory_space<vmem>>, vector<128x768xf32>
      tpu.vector_store %arg11[%swap3A, %swap3A_203], %add3A_202 {strides = array<i32>} : memref<2048x768xf32, #tpu.memory_space<vmem>>, vector<128x768xf32>,
    } else {
    }
    %gt3A_35 = arith.constant 512 : i32
    %gt3A_36 = arith.cmpi sgt, %get3A_5, %gt3A_35 : i32
    %lt3A_37 = arith.constant 640 : i32
    %lt3A_38 = arith.cmpi slt, %get3A_2, %lt3A_37 : i32
    %and3A_39 = arith.andi %gt3A_36, %lt3A_38 : i1
    %convert_element_type3A_40 = arith.extui %and3A_39 : i1 to i32
    %cond3A_41 = arith.constant 0 : i32
    %cond3A_42 = arith.cmpi ne, %convert_element_type3A_40, %cond3A_41 : i32
    scf.if %cond3A_42 {
      %get3A_131 = arith.constant 512 : index
      %get3A_132 = arith.constant 0 : index
      %get3A_133 = vector.load %arg2[%get3A_131, %get3A_132] : memref<2048x768xf32, #tpu.memory_space<vmem>>, vector<128x768xf32>
      %get3A_134 = arith.constant 0 : index
      %get3A_135 = arith.constant 0 : index
      %get3A_136 = arith.constant 0 : index
      %get3A_137 = vector.load %arg5[%get3A_134, %get3A_135, %get3A_136] : memref<1x1024x768xf32, #tpu.memory_space<vmem>>, vector<1x1024x768xf32>
      %get3A_138 = vector.shape_cast %get3A_137 : vector<1x1024x768xf32> to vector<1024x768xf32>
      %transpose3A = tpu.transpose %get3A_138, [1, 0] : vector<1024x768xf32> -> vector<768x1024xf32>
      %dot_general3A = arith.constant dense<0.000000e+00> : vector<128x1024xf32>
      %dot_general3A_139 = tpu.matmul %get3A_133, %transpose3A, %dot_general3A {dimension_numbers = #tpu.dot_dimension_numbers<[1], [0], [0], [1], [0, 0, 1, 1], [], []>, transpose_lhs_hint = false} : vector<128x768xf32>, vector<768x1024xf32>, vector<128x1024xf32> -> vector<128x1024xf32>
      %get3A_140 = arith.constant 0 : index
      %get3A_141 = arith.constant 0 : index
      %get3A_142 = arith.constant 0 : index
      %get3A_143 = vector.load %arg6[%get3A_140, %get3A_141, %get3A_142] : memref<1x1x1024xf32, #tpu.memory_space<vmem>>, vector<1x1x1024xf32>
      %get3A_144 = vector.shape_cast %get3A_143 : vector<1x1x1024xf32> to vector<1x1024xf32>
      %add3A_145 = vector.broadcast %get3A_144 : vector<1x1024xf32> to vector<128x1024xf32>
      %add3A_146 = arith.addf %dot_general3A_139, %add3A_145 : vector<128x1024xf32>
      %get3A_147 = arith.constant 0 : index
      %get3A_148 = arith.constant 0 : index
      %get3A_149 = arith.constant 0 : index
      %get3A_150 = vector.load %arg9[%get3A_147, %get3A_148, %get3A_149] : memref<1x1024x768xf32, #tpu.memory_space<vmem>>, vector<1x1024x768xf32>
      %get3A_151 = vector.shape_cast %get3A_150 : vector<1x1024x768xf32> to vector<1024x768xf32>
      %transpose3A_152 = tpu.transpose %get3A_151, [1, 0] : vector<1024x768xf32> -> vector<768x1024xf32>
      %dot_general3A_153 = arith.constant dense<0.000000e+00> : vector<128x1024xf32>
      %dot_general3A_154 = tpu.matmul %get3A_133, %transpose3A_152, %dot_general3A_153 {dimension_numbers = #tpu.dot_dimension_numbers<[1], [0], [0], [1], [0, 0, 1, 1], [], []>, transpose_lhs_hint = false} : vector<128x768xf32>, vector<768x1024xf32>, vector<128x1024xf32> -> vector<128x1024xf32>
      %get3A_155 = arith.constant 0 : index
      %get3A_156 = arith.constant 0 : index
      %get3A_157 = arith.constant 0 : index
      %get3A_158 = vector.load %arg10[%get3A_155, %get3A_156, %get3A_157] : memref<1x1x1024xf32, #tpu.memory_space<vmem>>, vector<1x1x1024xf32>
      %get3A_159 = vector.shape_cast %get3A_158 : vector<1x1x1024xf32> to vector<1x1024xf32>
      %add3A_160 = vector.broadcast %get3A_159 : vector<1x1024xf32> to vector<128x1024xf32>
      %add3A_161 = arith.addf %dot_general3A_154, %add3A_160 : vector<128x1024xf32>
      %neg3A = arith.constant 0.000000e+00 : f32
      %neg3A_162 = vector.broadcast %neg3A : f32 to vector<128x1024xf32>
      %neg3A_163 = arith.subf %neg3A_162, %add3A_146 : vector<128x1024xf32>
      %exp3A = math.exp %neg3A_163 : vector<128x1024xf32>
      %add3A_164 = arith.constant 1.000000e+00 : f32
      %add3A_165 = vector.broadcast %add3A_164 : f32 to vector<128x1024xf32>
      %add3A_166 = arith.addf %add3A_165, %exp3A : vector<128x1024xf32>
      %div3A = arith.constant 1.000000e+00 : f32
      %div3A_167 = vector.broadcast %div3A : f32 to vector<128x1024xf32>
      %div3A_168 = arith.divf %div3A_167, %add3A_166 : vector<128x1024xf32>
      %mul3A = arith.mulf %add3A_146, %div3A_168 : vector<128x1024xf32>
      %mul3A_169 = arith.mulf %mul3A, %add3A_161 : vector<128x1024xf32>
      %get3A_170 = arith.constant 0 : index
      %get3A_171 = arith.constant 0 : index
      %get3A_172 = arith.constant 0 : index
      %get3A_173 = vector.load %arg7[%get3A_170, %get3A_171, %get3A_172] : memref<1x768x1024xf32, #tpu.memory_space<vmem>>, vector<1x768x1024xf32>
      %get3A_174 = vector.shape_cast %get3A_173 : vector<1x768x1024xf32> to vector<768x1024xf32>
      %transpose3A_175 = tpu.transpose %get3A_174, [1, 0] : vector<768x1024xf32> -> vector<1024x768xf32>
      %dot_general3A_176 = arith.constant dense<0.000000e+00> : vector<128x768xf32>
      %dot_general3A_177 = tpu.matmul %mul3A_169, %transpose3A_175, %dot_general3A_176 {dimension_numbers = #tpu.dot_dimension_numbers<[1], [0], [0], [1], [0, 0, 1, 1], [], []>, transpose_lhs_hint = false} : vector<128x1024xf32>, vector<1024x768xf32>, vector<128x768xf32> -> vector<128x768xf32>
      %get3A_178 = arith.constant 0 : index
      %get3A_179 = arith.constant 0 : index
      %get3A_180 = arith.constant 0 : index
      %get3A_181 = vector.load %arg8[%get3A_178, %get3A_179, %get3A_180] : memref<1x1x768xf32, #tpu.memory_space<vmem>>, vector<1x1x768xf32>
      %get3A_182 = vector.shape_cast %get3A_181 : vector<1x1x768xf32> to vector<1x768xf32>
      %add3A_183 = vector.broadcast %get3A_182 : vector<1x768xf32> to vector<128x768xf32>
      %add3A_184 = arith.addf %dot_general3A_177, %add3A_183 : vector<128x768xf32>
      %iota3A = tpu.iota {dimensions = array<i32: 0>} : vector<128x1xi32>
      %add3A_185 = arith.constant 512 : i32
      %add3A_186 = vector.broadcast %add3A_185 : i32 to vector<128x1xi32>
      %add3A_187 = arith.addi %add3A_186, %iota3A : vector<128x1xi32>
      %ge3A = vector.broadcast %get3A_2 : i32 to vector<128x1xi32>
      %ge3A_188 = arith.cmpi sge, %add3A_187, %ge3A : vector<128x1xi32>
      %lt3A_189 = vector.broadcast %get3A_5 : i32 to vector<128x1xi32>
      %lt3A_190 = arith.cmpi slt, %add3A_187, %lt3A_189 : vector<128x1xi32>
      %and3A_191 = arith.andi %ge3A_188, %lt3A_190 : vector<128x1xi1>
      %get3A_192 = arith.constant 512 : index
      %get3A_193 = arith.constant 0 : index
      %get3A_194 = vector.load %arg3[%get3A_192, %get3A_193] : memref<2048x128xf32, #tpu.memory_space<vmem>>, vector<128x1xf32>
      %get3A_195 = arith.constant 512 : index
      %get3A_196 = arith.constant 0 : index
      %get3A_197 = vector.load %arg11[%get3A_195, %get3A_196] : memref<2048x768xf32, #tpu.memory_space<vmem>>, vector<128x768xf32>
      %mul3A_198 = vector.broadcast %get3A_194 : vector<128x1xf32> to vector<128x768xf32>
      %mul3A_199 = arith.mulf %mul3A_198, %add3A_184 : vector<128x768xf32>
      %jit3A = arith.constant 0.000000e+00 : f32
      %broadcast_in_dim3A = vector.shape_cast %and3A_191 : vector<128x1xi1> to vector<128x1xi1>
      %broadcast_in_dim3A_200 = vector.broadcast %broadcast_in_dim3A : vector<128x1xi1> to vector<128x768xi1>
      %broadcast_in_dim3A_201 = vector.broadcast %jit3A : f32 to vector<128x768xf32>
      %select_n3A = arith.select %broadcast_in_dim3A_200, %mul3A_199, %broadcast_in_dim3A_201 : vector<128x768xi1>, vector<128x768xf32>
      %add3A_202 = arith.addf %get3A_197, %select_n3A : vector<128x768xf32>
      %swap3A = arith.constant 512 : index
      %swap3A_203 = arith.constant 0 : index
      %swap3A_204 = vector.load %arg11[%swap3A, %swap3A_203] : memref<2048x768xf32, #tpu.memory_space<vmem>>, vector<128x768xf32>
      tpu.vector_store %arg11[%swap3A, %swap3A_203], %add3A_202 {strides = array<i32>} : memref<2048x768xf32, #tpu.memory_space<vmem>>, vector<128x768xf32>,
    } else {
    }
    %gt3A_43 = arith.constant 640 : i32
    %gt3A_44 = arith.cmpi sgt, %get3A_5, %gt3A_43 : i32
    %lt3A_45 = arith.constant 768 : i32
    %lt3A_46 = arith.cmpi slt, %get3A_2, %lt3A_45 : i32
    %and3A_47 = arith.andi %gt3A_44, %lt3A_46 : i1
    %convert_element_type3A_48 = arith.extui %and3A_47 : i1 to i32
    %cond3A_49 = arith.constant 0 : i32
    %cond3A_50 = arith.cmpi ne, %convert_element_type3A_48, %cond3A_49 : i32
    scf.if %cond3A_50 {
      %get3A_131 = arith.constant 640 : index
      %get3A_132 = arith.constant 0 : index
      %get3A_133 = vector.load %arg2[%get3A_131, %get3A_132] : memref<2048x768xf32, #tpu.memory_space<vmem>>, vector<128x768xf32>
      %get3A_134 = arith.constant 0 : index
      %get3A_135 = arith.constant 0 : index
      %get3A_136 = arith.constant 0 : index
      %get3A_137 = vector.load %arg5[%get3A_134, %get3A_135, %get3A_136] : memref<1x1024x768xf32, #tpu.memory_space<vmem>>, vector<1x1024x768xf32>
      %get3A_138 = vector.shape_cast %get3A_137 : vector<1x1024x768xf32> to vector<1024x768xf32>
      %transpose3A = tpu.transpose %get3A_138, [1, 0] : vector<1024x768xf32> -> vector<768x1024xf32>
      %dot_general3A = arith.constant dense<0.000000e+00> : vector<128x1024xf32>
      %dot_general3A_139 = tpu.matmul %get3A_133, %transpose3A, %dot_general3A {dimension_numbers = #tpu.dot_dimension_numbers<[1], [0], [0], [1], [0, 0, 1, 1], [], []>, transpose_lhs_hint = false} : vector<128x768xf32>, vector<768x1024xf32>, vector<128x1024xf32> -> vector<128x1024xf32>
      %get3A_140 = arith.constant 0 : index
      %get3A_141 = arith.constant 0 : index
      %get3A_142 = arith.constant 0 : index
      %get3A_143 = vector.load %arg6[%get3A_140, %get3A_141, %get3A_142] : memref<1x1x1024xf32, #tpu.memory_space<vmem>>, vector<1x1x1024xf32>
      %get3A_144 = vector.shape_cast %get3A_143 : vector<1x1x1024xf32> to vector<1x1024xf32>
      %add3A_145 = vector.broadcast %get3A_144 : vector<1x1024xf32> to vector<128x1024xf32>
      %add3A_146 = arith.addf %dot_general3A_139, %add3A_145 : vector<128x1024xf32>
      %get3A_147 = arith.constant 0 : index
      %get3A_148 = arith.constant 0 : index
      %get3A_149 = arith.constant 0 : index
      %get3A_150 = vector.load %arg9[%get3A_147, %get3A_148, %get3A_149] : memref<1x1024x768xf32, #tpu.memory_space<vmem>>, vector<1x1024x768xf32>
      %get3A_151 = vector.shape_cast %get3A_150 : vector<1x1024x768xf32> to vector<1024x768xf32>
      %transpose3A_152 = tpu.transpose %get3A_151, [1, 0] : vector<1024x768xf32> -> vector<768x1024xf32>
      %dot_general3A_153 = arith.constant dense<0.000000e+00> : vector<128x1024xf32>
      %dot_general3A_154 = tpu.matmul %get3A_133, %transpose3A_152, %dot_general3A_153 {dimension_numbers = #tpu.dot_dimension_numbers<[1], [0], [0], [1], [0, 0, 1, 1], [], []>, transpose_lhs_hint = false} : vector<128x768xf32>, vector<768x1024xf32>, vector<128x1024xf32> -> vector<128x1024xf32>
      %get3A_155 = arith.constant 0 : index
      %get3A_156 = arith.constant 0 : index
      %get3A_157 = arith.constant 0 : index
      %get3A_158 = vector.load %arg10[%get3A_155, %get3A_156, %get3A_157] : memref<1x1x1024xf32, #tpu.memory_space<vmem>>, vector<1x1x1024xf32>
      %get3A_159 = vector.shape_cast %get3A_158 : vector<1x1x1024xf32> to vector<1x1024xf32>
      %add3A_160 = vector.broadcast %get3A_159 : vector<1x1024xf32> to vector<128x1024xf32>
      %add3A_161 = arith.addf %dot_general3A_154, %add3A_160 : vector<128x1024xf32>
      %neg3A = arith.constant 0.000000e+00 : f32
      %neg3A_162 = vector.broadcast %neg3A : f32 to vector<128x1024xf32>
      %neg3A_163 = arith.subf %neg3A_162, %add3A_146 : vector<128x1024xf32>
      %exp3A = math.exp %neg3A_163 : vector<128x1024xf32>
      %add3A_164 = arith.constant 1.000000e+00 : f32
      %add3A_165 = vector.broadcast %add3A_164 : f32 to vector<128x1024xf32>
      %add3A_166 = arith.addf %add3A_165, %exp3A : vector<128x1024xf32>
      %div3A = arith.constant 1.000000e+00 : f32
      %div3A_167 = vector.broadcast %div3A : f32 to vector<128x1024xf32>
      %div3A_168 = arith.divf %div3A_167, %add3A_166 : vector<128x1024xf32>
      %mul3A = arith.mulf %add3A_146, %div3A_168 : vector<128x1024xf32>
      %mul3A_169 = arith.mulf %mul3A, %add3A_161 : vector<128x1024xf32>
      %get3A_170 = arith.constant 0 : index
      %get3A_171 = arith.constant 0 : index
      %get3A_172 = arith.constant 0 : index
      %get3A_173 = vector.load %arg7[%get3A_170, %get3A_171, %get3A_172] : memref<1x768x1024xf32, #tpu.memory_space<vmem>>, vector<1x768x1024xf32>
      %get3A_174 = vector.shape_cast %get3A_173 : vector<1x768x1024xf32> to vector<768x1024xf32>
      %transpose3A_175 = tpu.transpose %get3A_174, [1, 0] : vector<768x1024xf32> -> vector<1024x768xf32>
      %dot_general3A_176 = arith.constant dense<0.000000e+00> : vector<128x768xf32>
      %dot_general3A_177 = tpu.matmul %mul3A_169, %transpose3A_175, %dot_general3A_176 {dimension_numbers = #tpu.dot_dimension_numbers<[1], [0], [0], [1], [0, 0, 1, 1], [], []>, transpose_lhs_hint = false} : vector<128x1024xf32>, vector<1024x768xf32>, vector<128x768xf32> -> vector<128x768xf32>
      %get3A_178 = arith.constant 0 : index
      %get3A_179 = arith.constant 0 : index
      %get3A_180 = arith.constant 0 : index
      %get3A_181 = vector.load %arg8[%get3A_178, %get3A_179, %get3A_180] : memref<1x1x768xf32, #tpu.memory_space<vmem>>, vector<1x1x768xf32>
      %get3A_182 = vector.shape_cast %get3A_181 : vector<1x1x768xf32> to vector<1x768xf32>
      %add3A_183 = vector.broadcast %get3A_182 : vector<1x768xf32> to vector<128x768xf32>
      %add3A_184 = arith.addf %dot_general3A_177, %add3A_183 : vector<128x768xf32>
      %iota3A = tpu.iota {dimensions = array<i32: 0>} : vector<128x1xi32>
      %add3A_185 = arith.constant 640 : i32
      %add3A_186 = vector.broadcast %add3A_185 : i32 to vector<128x1xi32>
      %add3A_187 = arith.addi %add3A_186, %iota3A : vector<128x1xi32>
      %ge3A = vector.broadcast %get3A_2 : i32 to vector<128x1xi32>
      %ge3A_188 = arith.cmpi sge, %add3A_187, %ge3A : vector<128x1xi32>
      %lt3A_189 = vector.broadcast %get3A_5 : i32 to vector<128x1xi32>
      %lt3A_190 = arith.cmpi slt, %add3A_187, %lt3A_189 : vector<128x1xi32>
      %and3A_191 = arith.andi %ge3A_188, %lt3A_190 : vector<128x1xi1>
      %get3A_192 = arith.constant 640 : index
      %get3A_193 = arith.constant 0 : index
      %get3A_194 = vector.load %arg3[%get3A_192, %get3A_193] : memref<2048x128xf32, #tpu.memory_space<vmem>>, vector<128x1xf32>
      %get3A_195 = arith.constant 640 : index
      %get3A_196 = arith.constant 0 : index
      %get3A_197 = vector.load %arg11[%get3A_195, %get3A_196] : memref<2048x768xf32, #tpu.memory_space<vmem>>, vector<128x768xf32>
      %mul3A_198 = vector.broadcast %get3A_194 : vector<128x1xf32> to vector<128x768xf32>
      %mul3A_199 = arith.mulf %mul3A_198, %add3A_184 : vector<128x768xf32>
      %jit3A = arith.constant 0.000000e+00 : f32
      %broadcast_in_dim3A = vector.shape_cast %and3A_191 : vector<128x1xi1> to vector<128x1xi1>
      %broadcast_in_dim3A_200 = vector.broadcast %broadcast_in_dim3A : vector<128x1xi1> to vector<128x768xi1>
      %broadcast_in_dim3A_201 = vector.broadcast %jit3A : f32 to vector<128x768xf32>
      %select_n3A = arith.select %broadcast_in_dim3A_200, %mul3A_199, %broadcast_in_dim3A_201 : vector<128x768xi1>, vector<128x768xf32>
      %add3A_202 = arith.addf %get3A_197, %select_n3A : vector<128x768xf32>
      %swap3A = arith.constant 640 : index
      %swap3A_203 = arith.constant 0 : index
      %swap3A_204 = vector.load %arg11[%swap3A, %swap3A_203] : memref<2048x768xf32, #tpu.memory_space<vmem>>, vector<128x768xf32>
      tpu.vector_store %arg11[%swap3A, %swap3A_203], %add3A_202 {strides = array<i32>} : memref<2048x768xf32, #tpu.memory_space<vmem>>, vector<128x768xf32>,
    } else {
    }
    %gt3A_51 = arith.constant 768 : i32
    %gt3A_52 = arith.cmpi sgt, %get3A_5, %gt3A_51 : i32
    %lt3A_53 = arith.constant 896 : i32
    %lt3A_54 = arith.cmpi slt, %get3A_2, %lt3A_53 : i32
    %and3A_55 = arith.andi %gt3A_52, %lt3A_54 : i1
    %convert_element_type3A_56 = arith.extui %and3A_55 : i1 to i32
    %cond3A_57 = arith.constant 0 : i32
    %cond3A_58 = arith.cmpi ne, %convert_element_type3A_56, %cond3A_57 : i32
    scf.if %cond3A_58 {
      %get3A_131 = arith.constant 768 : index
      %get3A_132 = arith.constant 0 : index
      %get3A_133 = vector.load %arg2[%get3A_131, %get3A_132] : memref<2048x768xf32, #tpu.memory_space<vmem>>, vector<128x768xf32>
      %get3A_134 = arith.constant 0 : index
      %get3A_135 = arith.constant 0 : index
      %get3A_136 = arith.constant 0 : index
      %get3A_137 = vector.load %arg5[%get3A_134, %get3A_135, %get3A_136] : memref<1x1024x768xf32, #tpu.memory_space<vmem>>, vector<1x1024x768xf32>
      %get3A_138 = vector.shape_cast %get3A_137 : vector<1x1024x768xf32> to vector<1024x768xf32>
      %transpose3A = tpu.transpose %get3A_138, [1, 0] : vector<1024x768xf32> -> vector<768x1024xf32>
      %dot_general3A = arith.constant dense<0.000000e+00> : vector<128x1024xf32>
      %dot_general3A_139 = tpu.matmul %get3A_133, %transpose3A, %dot_general3A {dimension_numbers = #tpu.dot_dimension_numbers<[1], [0], [0], [1], [0, 0, 1, 1], [], []>, transpose_lhs_hint = false} : vector<128x768xf32>, vector<768x1024xf32>, vector<128x1024xf32> -> vector<128x1024xf32>
      %get3A_140 = arith.constant 0 : index
      %get3A_141 = arith.constant 0 : index
      %get3A_142 = arith.constant 0 : index
      %get3A_143 = vector.load %arg6[%get3A_140, %get3A_141, %get3A_142] : memref<1x1x1024xf32, #tpu.memory_space<vmem>>, vector<1x1x1024xf32>
      %get3A_144 = vector.shape_cast %get3A_143 : vector<1x1x1024xf32> to vector<1x1024xf32>
      %add3A_145 = vector.broadcast %get3A_144 : vector<1x1024xf32> to vector<128x1024xf32>
      %add3A_146 = arith.addf %dot_general3A_139, %add3A_145 : vector<128x1024xf32>
      %get3A_147 = arith.constant 0 : index
      %get3A_148 = arith.constant 0 : index
      %get3A_149 = arith.constant 0 : index
      %get3A_150 = vector.load %arg9[%get3A_147, %get3A_148, %get3A_149] : memref<1x1024x768xf32, #tpu.memory_space<vmem>>, vector<1x1024x768xf32>
      %get3A_151 = vector.shape_cast %get3A_150 : vector<1x1024x768xf32> to vector<1024x768xf32>
      %transpose3A_152 = tpu.transpose %get3A_151, [1, 0] : vector<1024x768xf32> -> vector<768x1024xf32>
      %dot_general3A_153 = arith.constant dense<0.000000e+00> : vector<128x1024xf32>
      %dot_general3A_154 = tpu.matmul %get3A_133, %transpose3A_152, %dot_general3A_153 {dimension_numbers = #tpu.dot_dimension_numbers<[1], [0], [0], [1], [0, 0, 1, 1], [], []>, transpose_lhs_hint = false} : vector<128x768xf32>, vector<768x1024xf32>, vector<128x1024xf32> -> vector<128x1024xf32>
      %get3A_155 = arith.constant 0 : index
      %get3A_156 = arith.constant 0 : index
      %get3A_157 = arith.constant 0 : index
      %get3A_158 = vector.load %arg10[%get3A_155, %get3A_156, %get3A_157] : memref<1x1x1024xf32, #tpu.memory_space<vmem>>, vector<1x1x1024xf32>
      %get3A_159 = vector.shape_cast %get3A_158 : vector<1x1x1024xf32> to vector<1x1024xf32>
      %add3A_160 = vector.broadcast %get3A_159 : vector<1x1024xf32> to vector<128x1024xf32>
      %add3A_161 = arith.addf %dot_general3A_154, %add3A_160 : vector<128x1024xf32>
      %neg3A = arith.constant 0.000000e+00 : f32
      %neg3A_162 = vector.broadcast %neg3A : f32 to vector<128x1024xf32>
      %neg3A_163 = arith.subf %neg3A_162, %add3A_146 : vector<128x1024xf32>
      %exp3A = math.exp %neg3A_163 : vector<128x1024xf32>
      %add3A_164 = arith.constant 1.000000e+00 : f32
      %add3A_165 = vector.broadcast %add3A_164 : f32 to vector<128x1024xf32>
      %add3A_166 = arith.addf %add3A_165, %exp3A : vector<128x1024xf32>
      %div3A = arith.constant 1.000000e+00 : f32
      %div3A_167 = vector.broadcast %div3A : f32 to vector<128x1024xf32>
      %div3A_168 = arith.divf %div3A_167, %add3A_166 : vector<128x1024xf32>
      %mul3A = arith.mulf %add3A_146, %div3A_168 : vector<128x1024xf32>
      %mul3A_169 = arith.mulf %mul3A, %add3A_161 : vector<128x1024xf32>
      %get3A_170 = arith.constant 0 : index
      %get3A_171 = arith.constant 0 : index
      %get3A_172 = arith.constant 0 : index
      %get3A_173 = vector.load %arg7[%get3A_170, %get3A_171, %get3A_172] : memref<1x768x1024xf32, #tpu.memory_space<vmem>>, vector<1x768x1024xf32>
      %get3A_174 = vector.shape_cast %get3A_173 : vector<1x768x1024xf32> to vector<768x1024xf32>
      %transpose3A_175 = tpu.transpose %get3A_174, [1, 0] : vector<768x1024xf32> -> vector<1024x768xf32>
      %dot_general3A_176 = arith.constant dense<0.000000e+00> : vector<128x768xf32>
      %dot_general3A_177 = tpu.matmul %mul3A_169, %transpose3A_175, %dot_general3A_176 {dimension_numbers = #tpu.dot_dimension_numbers<[1], [0], [0], [1], [0, 0, 1, 1], [], []>, transpose_lhs_hint = false} : vector<128x1024xf32>, vector<1024x768xf32>, vector<128x768xf32> -> vector<128x768xf32>
      %get3A_178 = arith.constant 0 : index
      %get3A_179 = arith.constant 0 : index
      %get3A_180 = arith.constant 0 : index
      %get3A_181 = vector.load %arg8[%get3A_178, %get3A_179, %get3A_180] : memref<1x1x768xf32, #tpu.memory_space<vmem>>, vector<1x1x768xf32>
      %get3A_182 = vector.shape_cast %get3A_181 : vector<1x1x768xf32> to vector<1x768xf32>
      %add3A_183 = vector.broadcast %get3A_182 : vector<1x768xf32> to vector<128x768xf32>
      %add3A_184 = arith.addf %dot_general3A_177, %add3A_183 : vector<128x768xf32>
      %iota3A = tpu.iota {dimensions = array<i32: 0>} : vector<128x1xi32>
      %add3A_185 = arith.constant 768 : i32
      %add3A_186 = vector.broadcast %add3A_185 : i32 to vector<128x1xi32>
      %add3A_187 = arith.addi %add3A_186, %iota3A : vector<128x1xi32>
      %ge3A = vector.broadcast %get3A_2 : i32 to vector<128x1xi32>
      %ge3A_188 = arith.cmpi sge, %add3A_187, %ge3A : vector<128x1xi32>
      %lt3A_189 = vector.broadcast %get3A_5 : i32 to vector<128x1xi32>
      %lt3A_190 = arith.cmpi slt, %add3A_187, %lt3A_189 : vector<128x1xi32>
      %and3A_191 = arith.andi %ge3A_188, %lt3A_190 : vector<128x1xi1>
      %get3A_192 = arith.constant 768 : index
      %get3A_193 = arith.constant 0 : index
      %get3A_194 = vector.load %arg3[%get3A_192, %get3A_193] : memref<2048x128xf32, #tpu.memory_space<vmem>>, vector<128x1xf32>
      %get3A_195 = arith.constant 768 : index
      %get3A_196 = arith.constant 0 : index
      %get3A_197 = vector.load %arg11[%get3A_195, %get3A_196] : memref<2048x768xf32, #tpu.memory_space<vmem>>, vector<128x768xf32>
      %mul3A_198 = vector.broadcast %get3A_194 : vector<128x1xf32> to vector<128x768xf32>
      %mul3A_199 = arith.mulf %mul3A_198, %add3A_184 : vector<128x768xf32>
      %jit3A = arith.constant 0.000000e+00 : f32
      %broadcast_in_dim3A = vector.shape_cast %and3A_191 : vector<128x1xi1> to vector<128x1xi1>
      %broadcast_in_dim3A_200 = vector.broadcast %broadcast_in_dim3A : vector<128x1xi1> to vector<128x768xi1>
      %broadcast_in_dim3A_201 = vector.broadcast %jit3A : f32 to vector<128x768xf32>
      %select_n3A = arith.select %broadcast_in_dim3A_200, %mul3A_199, %broadcast_in_dim3A_201 : vector<128x768xi1>, vector<128x768xf32>
      %add3A_202 = arith.addf %get3A_197, %select_n3A : vector<128x768xf32>
      %swap3A = arith.constant 768 : index
      %swap3A_203 = arith.constant 0 : index
      %swap3A_204 = vector.load %arg11[%swap3A, %swap3A_203] : memref<2048x768xf32, #tpu.memory_space<vmem>>, vector<128x768xf32>
      tpu.vector_store %arg11[%swap3A, %swap3A_203], %add3A_202 {strides = array<i32>} : memref<2048x768xf32, #tpu.memory_space<vmem>>, vector<128x768xf32>,
    } else {
    }
    %gt3A_59 = arith.constant 896 : i32
    %gt3A_60 = arith.cmpi sgt, %get3A_5, %gt3A_59 : i32
    %lt3A_61 = arith.constant 1024 : i32
    %lt3A_62 = arith.cmpi slt, %get3A_2, %lt3A_61 : i32
    %and3A_63 = arith.andi %gt3A_60, %lt3A_62 : i1
    %convert_element_type3A_64 = arith.extui %and3A_63 : i1 to i32
    %cond3A_65 = arith.constant 0 : i32
    %cond3A_66 = arith.cmpi ne, %convert_element_type3A_64, %cond3A_65 : i32
    scf.if %cond3A_66 {
      %get3A_131 = arith.constant 896 : index
      %get3A_132 = arith.constant 0 : index
      %get3A_133 = vector.load %arg2[%get3A_131, %get3A_132] : memref<2048x768xf32, #tpu.memory_space<vmem>>, vector<128x768xf32>
      %get3A_134 = arith.constant 0 : index
      %get3A_135 = arith.constant 0 : index
      %get3A_136 = arith.constant 0 : index
      %get3A_137 = vector.load %arg5[%get3A_134, %get3A_135, %get3A_136] : memref<1x1024x768xf32, #tpu.memory_space<vmem>>, vector<1x1024x768xf32>
      %get3A_138 = vector.shape_cast %get3A_137 : vector<1x1024x768xf32> to vector<1024x768xf32>
      %transpose3A = tpu.transpose %get3A_138, [1, 0] : vector<1024x768xf32> -> vector<768x1024xf32>
      %dot_general3A = arith.constant dense<0.000000e+00> : vector<128x1024xf32>
      %dot_general3A_139 = tpu.matmul %get3A_133, %transpose3A, %dot_general3A {dimension_numbers = #tpu.dot_dimension_numbers<[1], [0], [0], [1], [0, 0, 1, 1], [], []>, transpose_lhs_hint = false} : vector<128x768xf32>, vector<768x1024xf32>, vector<128x1024xf32> -> vector<128x1024xf32>
      %get3A_140 = arith.constant 0 : index
      %get3A_141 = arith.constant 0 : index
      %get3A_142 = arith.constant 0 : index
      %get3A_143 = vector.load %arg6[%get3A_140, %get3A_141, %get3A_142] : memref<1x1x1024xf32, #tpu.memory_space<vmem>>, vector<1x1x1024xf32>
      %get3A_144 = vector.shape_cast %get3A_143 : vector<1x1x1024xf32> to vector<1x1024xf32>
      %add3A_145 = vector.broadcast %get3A_144 : vector<1x1024xf32> to vector<128x1024xf32>
      %add3A_146 = arith.addf %dot_general3A_139, %add3A_145 : vector<128x1024xf32>
      %get3A_147 = arith.constant 0 : index
      %get3A_148 = arith.constant 0 : index
      %get3A_149 = arith.constant 0 : index
      %get3A_150 = vector.load %arg9[%get3A_147, %get3A_148, %get3A_149] : memref<1x1024x768xf32, #tpu.memory_space<vmem>>, vector<1x1024x768xf32>
      %get3A_151 = vector.shape_cast %get3A_150 : vector<1x1024x768xf32> to vector<1024x768xf32>
      %transpose3A_152 = tpu.transpose %get3A_151, [1, 0] : vector<1024x768xf32> -> vector<768x1024xf32>
      %dot_general3A_153 = arith.constant dense<0.000000e+00> : vector<128x1024xf32>
      %dot_general3A_154 = tpu.matmul %get3A_133, %transpose3A_152, %dot_general3A_153 {dimension_numbers = #tpu.dot_dimension_numbers<[1], [0], [0], [1], [0, 0, 1, 1], [], []>, transpose_lhs_hint = false} : vector<128x768xf32>, vector<768x1024xf32>, vector<128x1024xf32> -> vector<128x1024xf32>
      %get3A_155 = arith.constant 0 : index
      %get3A_156 = arith.constant 0 : index
      %get3A_157 = arith.constant 0 : index
      %get3A_158 = vector.load %arg10[%get3A_155, %get3A_156, %get3A_157] : memref<1x1x1024xf32, #tpu.memory_space<vmem>>, vector<1x1x1024xf32>
      %get3A_159 = vector.shape_cast %get3A_158 : vector<1x1x1024xf32> to vector<1x1024xf32>
      %add3A_160 = vector.broadcast %get3A_159 : vector<1x1024xf32> to vector<128x1024xf32>
      %add3A_161 = arith.addf %dot_general3A_154, %add3A_160 : vector<128x1024xf32>
      %neg3A = arith.constant 0.000000e+00 : f32
      %neg3A_162 = vector.broadcast %neg3A : f32 to vector<128x1024xf32>
      %neg3A_163 = arith.subf %neg3A_162, %add3A_146 : vector<128x1024xf32>
      %exp3A = math.exp %neg3A_163 : vector<128x1024xf32>
      %add3A_164 = arith.constant 1.000000e+00 : f32
      %add3A_165 = vector.broadcast %add3A_164 : f32 to vector<128x1024xf32>
      %add3A_166 = arith.addf %add3A_165, %exp3A : vector<128x1024xf32>
      %div3A = arith.constant 1.000000e+00 : f32
      %div3A_167 = vector.broadcast %div3A : f32 to vector<128x1024xf32>
      %div3A_168 = arith.divf %div3A_167, %add3A_166 : vector<128x1024xf32>
      %mul3A = arith.mulf %add3A_146, %div3A_168 : vector<128x1024xf32>
      %mul3A_169 = arith.mulf %mul3A, %add3A_161 : vector<128x1024xf32>
      %get3A_170 = arith.constant 0 : index
      %get3A_171 = arith.constant 0 : index
      %get3A_172 = arith.constant 0 : index
      %get3A_173 = vector.load %arg7[%get3A_170, %get3A_171, %get3A_172] : memref<1x768x1024xf32, #tpu.memory_space<vmem>>, vector<1x768x1024xf32>
      %get3A_174 = vector.shape_cast %get3A_173 : vector<1x768x1024xf32> to vector<768x1024xf32>
      %transpose3A_175 = tpu.transpose %get3A_174, [1, 0] : vector<768x1024xf32> -> vector<1024x768xf32>
      %dot_general3A_176 = arith.constant dense<0.000000e+00> : vector<128x768xf32>
      %dot_general3A_177 = tpu.matmul %mul3A_169, %transpose3A_175, %dot_general3A_176 {dimension_numbers = #tpu.dot_dimension_numbers<[1], [0], [0], [1], [0, 0, 1, 1], [], []>, transpose_lhs_hint = false} : vector<128x1024xf32>, vector<1024x768xf32>, vector<128x768xf32> -> vector<128x768xf32>
      %get3A_178 = arith.constant 0 : index
      %get3A_179 = arith.constant 0 : index
      %get3A_180 = arith.constant 0 : index
      %get3A_181 = vector.load %arg8[%get3A_178, %get3A_179, %get3A_180] : memref<1x1x768xf32, #tpu.memory_space<vmem>>, vector<1x1x768xf32>
      %get3A_182 = vector.shape_cast %get3A_181 : vector<1x1x768xf32> to vector<1x768xf32>
      %add3A_183 = vector.broadcast %get3A_182 : vector<1x768xf32> to vector<128x768xf32>
      %add3A_184 = arith.addf %dot_general3A_177, %add3A_183 : vector<128x768xf32>
      %iota3A = tpu.iota {dimensions = array<i32: 0>} : vector<128x1xi32>
      %add3A_185 = arith.constant 896 : i32
      %add3A_186 = vector.broadcast %add3A_185 : i32 to vector<128x1xi32>
      %add3A_187 = arith.addi %add3A_186, %iota3A : vector<128x1xi32>
      %ge3A = vector.broadcast %get3A_2 : i32 to vector<128x1xi32>
      %ge3A_188 = arith.cmpi sge, %add3A_187, %ge3A : vector<128x1xi32>
      %lt3A_189 = vector.broadcast %get3A_5 : i32 to vector<128x1xi32>
      %lt3A_190 = arith.cmpi slt, %add3A_187, %lt3A_189 : vector<128x1xi32>
      %and3A_191 = arith.andi %ge3A_188, %lt3A_190 : vector<128x1xi1>
      %get3A_192 = arith.constant 896 : index
      %get3A_193 = arith.constant 0 : index
      %get3A_194 = vector.load %arg3[%get3A_192, %get3A_193] : memref<2048x128xf32, #tpu.memory_space<vmem>>, vector<128x1xf32>
      %get3A_195 = arith.constant 896 : index
      %get3A_196 = arith.constant 0 : index
      %get3A_197 = vector.load %arg11[%get3A_195, %get3A_196] : memref<2048x768xf32, #tpu.memory_space<vmem>>, vector<128x768xf32>
      %mul3A_198 = vector.broadcast %get3A_194 : vector<128x1xf32> to vector<128x768xf32>
      %mul3A_199 = arith.mulf %mul3A_198, %add3A_184 : vector<128x768xf32>
      %jit3A = arith.constant 0.000000e+00 : f32
      %broadcast_in_dim3A = vector.shape_cast %and3A_191 : vector<128x1xi1> to vector<128x1xi1>
      %broadcast_in_dim3A_200 = vector.broadcast %broadcast_in_dim3A : vector<128x1xi1> to vector<128x768xi1>
      %broadcast_in_dim3A_201 = vector.broadcast %jit3A : f32 to vector<128x768xf32>
      %select_n3A = arith.select %broadcast_in_dim3A_200, %mul3A_199, %broadcast_in_dim3A_201 : vector<128x768xi1>, vector<128x768xf32>
      %add3A_202 = arith.addf %get3A_197, %select_n3A : vector<128x768xf32>
      %swap3A = arith.constant 896 : index
      %swap3A_203 = arith.constant 0 : index
      %swap3A_204 = vector.load %arg11[%swap3A, %swap3A_203] : memref<2048x768xf32, #tpu.memory_space<vmem>>, vector<128x768xf32>
      tpu.vector_store %arg11[%swap3A, %swap3A_203], %add3A_202 {strides = array<i32>} : memref<2048x768xf32, #tpu.memory_space<vmem>>, vector<128x768xf32>,
    } else {
    }
    %gt3A_67 = arith.constant 1024 : i32
    %gt3A_68 = arith.cmpi sgt, %get3A_5, %gt3A_67 : i32
    %lt3A_69 = arith.constant 1152 : i32
    %lt3A_70 = arith.cmpi slt, %get3A_2, %lt3A_69 : i32
    %and3A_71 = arith.andi %gt3A_68, %lt3A_70 : i1
    %convert_element_type3A_72 = arith.extui %and3A_71 : i1 to i32
    %cond3A_73 = arith.constant 0 : i32
    %cond3A_74 = arith.cmpi ne, %convert_element_type3A_72, %cond3A_73 : i32
    scf.if %cond3A_74 {
      %get3A_131 = arith.constant 1024 : index
      %get3A_132 = arith.constant 0 : index
      %get3A_133 = vector.load %arg2[%get3A_131, %get3A_132] : memref<2048x768xf32, #tpu.memory_space<vmem>>, vector<128x768xf32>
      %get3A_134 = arith.constant 0 : index
      %get3A_135 = arith.constant 0 : index
      %get3A_136 = arith.constant 0 : index
      %get3A_137 = vector.load %arg5[%get3A_134, %get3A_135, %get3A_136] : memref<1x1024x768xf32, #tpu.memory_space<vmem>>, vector<1x1024x768xf32>
      %get3A_138 = vector.shape_cast %get3A_137 : vector<1x1024x768xf32> to vector<1024x768xf32>
      %transpose3A = tpu.transpose %get3A_138, [1, 0] : vector<1024x768xf32> -> vector<768x1024xf32>
      %dot_general3A = arith.constant dense<0.000000e+00> : vector<128x1024xf32>
      %dot_general3A_139 = tpu.matmul %get3A_133, %transpose3A, %dot_general3A {dimension_numbers = #tpu.dot_dimension_numbers<[1], [0], [0], [1], [0, 0, 1, 1], [], []>, transpose_lhs_hint = false} : vector<128x768xf32>, vector<768x1024xf32>, vector<128x1024xf32> -> vector<128x1024xf32>
      %get3A_140 = arith.constant 0 : index
      %get3A_141 = arith.constant 0 : index
      %get3A_142 = arith.constant 0 : index
      %get3A_143 = vector.load %arg6[%get3A_140, %get3A_141, %get3A_142] : memref<1x1x1024xf32, #tpu.memory_space<vmem>>, vector<1x1x1024xf32>
      %get3A_144 = vector.shape_cast %get3A_143 : vector<1x1x1024xf32> to vector<1x1024xf32>
      %add3A_145 = vector.broadcast %get3A_144 : vector<1x1024xf32> to vector<128x1024xf32>
      %add3A_146 = arith.addf %dot_general3A_139, %add3A_145 : vector<128x1024xf32>
      %get3A_147 = arith.constant 0 : index
      %get3A_148 = arith.constant 0 : index
      %get3A_149 = arith.constant 0 : index
      %get3A_150 = vector.load %arg9[%get3A_147, %get3A_148, %get3A_149] : memref<1x1024x768xf32, #tpu.memory_space<vmem>>, vector<1x1024x768xf32>
      %get3A_151 = vector.shape_cast %get3A_150 : vector<1x1024x768xf32> to vector<1024x768xf32>
      %transpose3A_152 = tpu.transpose %get3A_151, [1, 0] : vector<1024x768xf32> -> vector<768x1024xf32>
      %dot_general3A_153 = arith.constant dense<0.000000e+00> : vector<128x1024xf32>
      %dot_general3A_154 = tpu.matmul %get3A_133, %transpose3A_152, %dot_general3A_153 {dimension_numbers = #tpu.dot_dimension_numbers<[1], [0], [0], [1], [0, 0, 1, 1], [], []>, transpose_lhs_hint = false} : vector<128x768xf32>, vector<768x1024xf32>, vector<128x1024xf32> -> vector<128x1024xf32>
      %get3A_155 = arith.constant 0 : index
      %get3A_156 = arith.constant 0 : index
      %get3A_157 = arith.constant 0 : index
      %get3A_158 = vector.load %arg10[%get3A_155, %get3A_156, %get3A_157] : memref<1x1x1024xf32, #tpu.memory_space<vmem>>, vector<1x1x1024xf32>
      %get3A_159 = vector.shape_cast %get3A_158 : vector<1x1x1024xf32> to vector<1x1024xf32>
      %add3A_160 = vector.broadcast %get3A_159 : vector<1x1024xf32> to vector<128x1024xf32>
      %add3A_161 = arith.addf %dot_general3A_154, %add3A_160 : vector<128x1024xf32>
      %neg3A = arith.constant 0.000000e+00 : f32
      %neg3A_162 = vector.broadcast %neg3A : f32 to vector<128x1024xf32>
      %neg3A_163 = arith.subf %neg3A_162, %add3A_146 : vector<128x1024xf32>
      %exp3A = math.exp %neg3A_163 : vector<128x1024xf32>
      %add3A_164 = arith.constant 1.000000e+00 : f32
      %add3A_165 = vector.broadcast %add3A_164 : f32 to vector<128x1024xf32>
      %add3A_166 = arith.addf %add3A_165, %exp3A : vector<128x1024xf32>
      %div3A = arith.constant 1.000000e+00 : f32
      %div3A_167 = vector.broadcast %div3A : f32 to vector<128x1024xf32>
      %div3A_168 = arith.divf %div3A_167, %add3A_166 : vector<128x1024xf32>
      %mul3A = arith.mulf %add3A_146, %div3A_168 : vector<128x1024xf32>
      %mul3A_169 = arith.mulf %mul3A, %add3A_161 : vector<128x1024xf32>
      %get3A_170 = arith.constant 0 : index
      %get3A_171 = arith.constant 0 : index
      %get3A_172 = arith.constant 0 : index
      %get3A_173 = vector.load %arg7[%get3A_170, %get3A_171, %get3A_172] : memref<1x768x1024xf32, #tpu.memory_space<vmem>>, vector<1x768x1024xf32>
      %get3A_174 = vector.shape_cast %get3A_173 : vector<1x768x1024xf32> to vector<768x1024xf32>
      %transpose3A_175 = tpu.transpose %get3A_174, [1, 0] : vector<768x1024xf32> -> vector<1024x768xf32>
      %dot_general3A_176 = arith.constant dense<0.000000e+00> : vector<128x768xf32>
      %dot_general3A_177 = tpu.matmul %mul3A_169, %transpose3A_175, %dot_general3A_176 {dimension_numbers = #tpu.dot_dimension_numbers<[1], [0], [0], [1], [0, 0, 1, 1], [], []>, transpose_lhs_hint = false} : vector<128x1024xf32>, vector<1024x768xf32>, vector<128x768xf32> -> vector<128x768xf32>
      %get3A_178 = arith.constant 0 : index
      %get3A_179 = arith.constant 0 : index
      %get3A_180 = arith.constant 0 : index
      %get3A_181 = vector.load %arg8[%get3A_178, %get3A_179, %get3A_180] : memref<1x1x768xf32, #tpu.memory_space<vmem>>, vector<1x1x768xf32>
      %get3A_182 = vector.shape_cast %get3A_181 : vector<1x1x768xf32> to vector<1x768xf32>
      %add3A_183 = vector.broadcast %get3A_182 : vector<1x768xf32> to vector<128x768xf32>
      %add3A_184 = arith.addf %dot_general3A_177, %add3A_183 : vector<128x768xf32>
      %iota3A = tpu.iota {dimensions = array<i32: 0>} : vector<128x1xi32>
      %add3A_185 = arith.constant 1024 : i32
      %add3A_186 = vector.broadcast %add3A_185 : i32 to vector<128x1xi32>
      %add3A_187 = arith.addi %add3A_186, %iota3A : vector<128x1xi32>
      %ge3A = vector.broadcast %get3A_2 : i32 to vector<128x1xi32>
      %ge3A_188 = arith.cmpi sge, %add3A_187, %ge3A : vector<128x1xi32>
      %lt3A_189 = vector.broadcast %get3A_5 : i32 to vector<128x1xi32>
      %lt3A_190 = arith.cmpi slt, %add3A_187, %lt3A_189 : vector<128x1xi32>
      %and3A_191 = arith.andi %ge3A_188, %lt3A_190 : vector<128x1xi1>
      %get3A_192 = arith.constant 1024 : index
      %get3A_193 = arith.constant 0 : index
      %get3A_194 = vector.load %arg3[%get3A_192, %get3A_193] : memref<2048x128xf32, #tpu.memory_space<vmem>>, vector<128x1xf32>
      %get3A_195 = arith.constant 1024 : index
      %get3A_196 = arith.constant 0 : index
      %get3A_197 = vector.load %arg11[%get3A_195, %get3A_196] : memref<2048x768xf32, #tpu.memory_space<vmem>>, vector<128x768xf32>
      %mul3A_198 = vector.broadcast %get3A_194 : vector<128x1xf32> to vector<128x768xf32>
      %mul3A_199 = arith.mulf %mul3A_198, %add3A_184 : vector<128x768xf32>
      %jit3A = arith.constant 0.000000e+00 : f32
      %broadcast_in_dim3A = vector.shape_cast %and3A_191 : vector<128x1xi1> to vector<128x1xi1>
      %broadcast_in_dim3A_200 = vector.broadcast %broadcast_in_dim3A : vector<128x1xi1> to vector<128x768xi1>
      %broadcast_in_dim3A_201 = vector.broadcast %jit3A : f32 to vector<128x768xf32>
      %select_n3A = arith.select %broadcast_in_dim3A_200, %mul3A_199, %broadcast_in_dim3A_201 : vector<128x768xi1>, vector<128x768xf32>
      %add3A_202 = arith.addf %get3A_197, %select_n3A : vector<128x768xf32>
      %swap3A = arith.constant 1024 : index
      %swap3A_203 = arith.constant 0 : index
      %swap3A_204 = vector.load %arg11[%swap3A, %swap3A_203] : memref<2048x768xf32, #tpu.memory_space<vmem>>, vector<128x768xf32>
      tpu.vector_store %arg11[%swap3A, %swap3A_203], %add3A_202 {strides = array<i32>} : memref<2048x768xf32, #tpu.memory_space<vmem>>, vector<128x768xf32>,
    } else {
    }
    %gt3A_75 = arith.constant 1152 : i32
    %gt3A_76 = arith.cmpi sgt, %get3A_5, %gt3A_75 : i32
    %lt3A_77 = arith.constant 1280 : i32
    %lt3A_78 = arith.cmpi slt, %get3A_2, %lt3A_77 : i32
    %and3A_79 = arith.andi %gt3A_76, %lt3A_78 : i1
    %convert_element_type3A_80 = arith.extui %and3A_79 : i1 to i32
    %cond3A_81 = arith.constant 0 : i32
    %cond3A_82 = arith.cmpi ne, %convert_element_type3A_80, %cond3A_81 : i32
    scf.if %cond3A_82 {
      %get3A_131 = arith.constant 1152 : index
      %get3A_132 = arith.constant 0 : index
      %get3A_133 = vector.load %arg2[%get3A_131, %get3A_132] : memref<2048x768xf32, #tpu.memory_space<vmem>>, vector<128x768xf32>
      %get3A_134 = arith.constant 0 : index
      %get3A_135 = arith.constant 0 : index
      %get3A_136 = arith.constant 0 : index
      %get3A_137 = vector.load %arg5[%get3A_134, %get3A_135, %get3A_136] : memref<1x1024x768xf32, #tpu.memory_space<vmem>>, vector<1x1024x768xf32>
      %get3A_138 = vector.shape_cast %get3A_137 : vector<1x1024x768xf32> to vector<1024x768xf32>
      %transpose3A = tpu.transpose %get3A_138, [1, 0] : vector<1024x768xf32> -> vector<768x1024xf32>
      %dot_general3A = arith.constant dense<0.000000e+00> : vector<128x1024xf32>
      %dot_general3A_139 = tpu.matmul %get3A_133, %transpose3A, %dot_general3A {dimension_numbers = #tpu.dot_dimension_numbers<[1], [0], [0], [1], [0, 0, 1, 1], [], []>, transpose_lhs_hint = false} : vector<128x768xf32>, vector<768x1024xf32>, vector<128x1024xf32> -> vector<128x1024xf32>
      %get3A_140 = arith.constant 0 : index
      %get3A_141 = arith.constant 0 : index
      %get3A_142 = arith.constant 0 : index
      %get3A_143 = vector.load %arg6[%get3A_140, %get3A_141, %get3A_142] : memref<1x1x1024xf32, #tpu.memory_space<vmem>>, vector<1x1x1024xf32>
      %get3A_144 = vector.shape_cast %get3A_143 : vector<1x1x1024xf32> to vector<1x1024xf32>
      %add3A_145 = vector.broadcast %get3A_144 : vector<1x1024xf32> to vector<128x1024xf32>
      %add3A_146 = arith.addf %dot_general3A_139, %add3A_145 : vector<128x1024xf32>
      %get3A_147 = arith.constant 0 : index
      %get3A_148 = arith.constant 0 : index
      %get3A_149 = arith.constant 0 : index
      %get3A_150 = vector.load %arg9[%get3A_147, %get3A_148, %get3A_149] : memref<1x1024x768xf32, #tpu.memory_space<vmem>>, vector<1x1024x768xf32>
      %get3A_151 = vector.shape_cast %get3A_150 : vector<1x1024x768xf32> to vector<1024x768xf32>
      %transpose3A_152 = tpu.transpose %get3A_151, [1, 0] : vector<1024x768xf32> -> vector<768x1024xf32>
      %dot_general3A_153 = arith.constant dense<0.000000e+00> : vector<128x1024xf32>
      %dot_general3A_154 = tpu.matmul %get3A_133, %transpose3A_152, %dot_general3A_153 {dimension_numbers = #tpu.dot_dimension_numbers<[1], [0], [0], [1], [0, 0, 1, 1], [], []>, transpose_lhs_hint = false} : vector<128x768xf32>, vector<768x1024xf32>, vector<128x1024xf32> -> vector<128x1024xf32>
      %get3A_155 = arith.constant 0 : index
      %get3A_156 = arith.constant 0 : index
      %get3A_157 = arith.constant 0 : index
      %get3A_158 = vector.load %arg10[%get3A_155, %get3A_156, %get3A_157] : memref<1x1x1024xf32, #tpu.memory_space<vmem>>, vector<1x1x1024xf32>
      %get3A_159 = vector.shape_cast %get3A_158 : vector<1x1x1024xf32> to vector<1x1024xf32>
      %add3A_160 = vector.broadcast %get3A_159 : vector<1x1024xf32> to vector<128x1024xf32>
      %add3A_161 = arith.addf %dot_general3A_154, %add3A_160 : vector<128x1024xf32>
      %neg3A = arith.constant 0.000000e+00 : f32
      %neg3A_162 = vector.broadcast %neg3A : f32 to vector<128x1024xf32>
      %neg3A_163 = arith.subf %neg3A_162, %add3A_146 : vector<128x1024xf32>
      %exp3A = math.exp %neg3A_163 : vector<128x1024xf32>
      %add3A_164 = arith.constant 1.000000e+00 : f32
      %add3A_165 = vector.broadcast %add3A_164 : f32 to vector<128x1024xf32>
      %add3A_166 = arith.addf %add3A_165, %exp3A : vector<128x1024xf32>
      %div3A = arith.constant 1.000000e+00 : f32
      %div3A_167 = vector.broadcast %div3A : f32 to vector<128x1024xf32>
      %div3A_168 = arith.divf %div3A_167, %add3A_166 : vector<128x1024xf32>
      %mul3A = arith.mulf %add3A_146, %div3A_168 : vector<128x1024xf32>
      %mul3A_169 = arith.mulf %mul3A, %add3A_161 : vector<128x1024xf32>
      %get3A_170 = arith.constant 0 : index
      %get3A_171 = arith.constant 0 : index
      %get3A_172 = arith.constant 0 : index
      %get3A_173 = vector.load %arg7[%get3A_170, %get3A_171, %get3A_172] : memref<1x768x1024xf32, #tpu.memory_space<vmem>>, vector<1x768x1024xf32>
      %get3A_174 = vector.shape_cast %get3A_173 : vector<1x768x1024xf32> to vector<768x1024xf32>
      %transpose3A_175 = tpu.transpose %get3A_174, [1, 0] : vector<768x1024xf32> -> vector<1024x768xf32>
      %dot_general3A_176 = arith.constant dense<0.000000e+00> : vector<128x768xf32>
      %dot_general3A_177 = tpu.matmul %mul3A_169, %transpose3A_175, %dot_general3A_176 {dimension_numbers = #tpu.dot_dimension_numbers<[1], [0], [0], [1], [0, 0, 1, 1], [], []>, transpose_lhs_hint = false} : vector<128x1024xf32>, vector<1024x768xf32>, vector<128x768xf32> -> vector<128x768xf32>
      %get3A_178 = arith.constant 0 : index
      %get3A_179 = arith.constant 0 : index
      %get3A_180 = arith.constant 0 : index
      %get3A_181 = vector.load %arg8[%get3A_178, %get3A_179, %get3A_180] : memref<1x1x768xf32, #tpu.memory_space<vmem>>, vector<1x1x768xf32>
      %get3A_182 = vector.shape_cast %get3A_181 : vector<1x1x768xf32> to vector<1x768xf32>
      %add3A_183 = vector.broadcast %get3A_182 : vector<1x768xf32> to vector<128x768xf32>
      %add3A_184 = arith.addf %dot_general3A_177, %add3A_183 : vector<128x768xf32>
      %iota3A = tpu.iota {dimensions = array<i32: 0>} : vector<128x1xi32>
      %add3A_185 = arith.constant 1152 : i32
      %add3A_186 = vector.broadcast %add3A_185 : i32 to vector<128x1xi32>
      %add3A_187 = arith.addi %add3A_186, %iota3A : vector<128x1xi32>
      %ge3A = vector.broadcast %get3A_2 : i32 to vector<128x1xi32>
      %ge3A_188 = arith.cmpi sge, %add3A_187, %ge3A : vector<128x1xi32>
      %lt3A_189 = vector.broadcast %get3A_5 : i32 to vector<128x1xi32>
      %lt3A_190 = arith.cmpi slt, %add3A_187, %lt3A_189 : vector<128x1xi32>
      %and3A_191 = arith.andi %ge3A_188, %lt3A_190 : vector<128x1xi1>
      %get3A_192 = arith.constant 1152 : index
      %get3A_193 = arith.constant 0 : index
      %get3A_194 = vector.load %arg3[%get3A_192, %get3A_193] : memref<2048x128xf32, #tpu.memory_space<vmem>>, vector<128x1xf32>
      %get3A_195 = arith.constant 1152 : index
      %get3A_196 = arith.constant 0 : index
      %get3A_197 = vector.load %arg11[%get3A_195, %get3A_196] : memref<2048x768xf32, #tpu.memory_space<vmem>>, vector<128x768xf32>
      %mul3A_198 = vector.broadcast %get3A_194 : vector<128x1xf32> to vector<128x768xf32>
      %mul3A_199 = arith.mulf %mul3A_198, %add3A_184 : vector<128x768xf32>
      %jit3A = arith.constant 0.000000e+00 : f32
      %broadcast_in_dim3A = vector.shape_cast %and3A_191 : vector<128x1xi1> to vector<128x1xi1>
      %broadcast_in_dim3A_200 = vector.broadcast %broadcast_in_dim3A : vector<128x1xi1> to vector<128x768xi1>
      %broadcast_in_dim3A_201 = vector.broadcast %jit3A : f32 to vector<128x768xf32>
      %select_n3A = arith.select %broadcast_in_dim3A_200, %mul3A_199, %broadcast_in_dim3A_201 : vector<128x768xi1>, vector<128x768xf32>
      %add3A_202 = arith.addf %get3A_197, %select_n3A : vector<128x768xf32>
      %swap3A = arith.constant 1152 : index
      %swap3A_203 = arith.constant 0 : index
      %swap3A_204 = vector.load %arg11[%swap3A, %swap3A_203] : memref<2048x768xf32, #tpu.memory_space<vmem>>, vector<128x768xf32>
      tpu.vector_store %arg11[%swap3A, %swap3A_203], %add3A_202 {strides = array<i32>} : memref<2048x768xf32, #tpu.memory_space<vmem>>, vector<128x768xf32>,
    } else {
    }
    %gt3A_83 = arith.constant 1280 : i32
    %gt3A_84 = arith.cmpi sgt, %get3A_5, %gt3A_83 : i32
    %lt3A_85 = arith.constant 1408 : i32
    %lt3A_86 = arith.cmpi slt, %get3A_2, %lt3A_85 : i32
    %and3A_87 = arith.andi %gt3A_84, %lt3A_86 : i1
    %convert_element_type3A_88 = arith.extui %and3A_87 : i1 to i32
    %cond3A_89 = arith.constant 0 : i32
    %cond3A_90 = arith.cmpi ne, %convert_element_type3A_88, %cond3A_89 : i32
    scf.if %cond3A_90 {
      %get3A_131 = arith.constant 1280 : index
      %get3A_132 = arith.constant 0 : index
      %get3A_133 = vector.load %arg2[%get3A_131, %get3A_132] : memref<2048x768xf32, #tpu.memory_space<vmem>>, vector<128x768xf32>
      %get3A_134 = arith.constant 0 : index
      %get3A_135 = arith.constant 0 : index
      %get3A_136 = arith.constant 0 : index
      %get3A_137 = vector.load %arg5[%get3A_134, %get3A_135, %get3A_136] : memref<1x1024x768xf32, #tpu.memory_space<vmem>>, vector<1x1024x768xf32>
      %get3A_138 = vector.shape_cast %get3A_137 : vector<1x1024x768xf32> to vector<1024x768xf32>
      %transpose3A = tpu.transpose %get3A_138, [1, 0] : vector<1024x768xf32> -> vector<768x1024xf32>
      %dot_general3A = arith.constant dense<0.000000e+00> : vector<128x1024xf32>
      %dot_general3A_139 = tpu.matmul %get3A_133, %transpose3A, %dot_general3A {dimension_numbers = #tpu.dot_dimension_numbers<[1], [0], [0], [1], [0, 0, 1, 1], [], []>, transpose_lhs_hint = false} : vector<128x768xf32>, vector<768x1024xf32>, vector<128x1024xf32> -> vector<128x1024xf32>
      %get3A_140 = arith.constant 0 : index
      %get3A_141 = arith.constant 0 : index
      %get3A_142 = arith.constant 0 : index
      %get3A_143 = vector.load %arg6[%get3A_140, %get3A_141, %get3A_142] : memref<1x1x1024xf32, #tpu.memory_space<vmem>>, vector<1x1x1024xf32>
      %get3A_144 = vector.shape_cast %get3A_143 : vector<1x1x1024xf32> to vector<1x1024xf32>
      %add3A_145 = vector.broadcast %get3A_144 : vector<1x1024xf32> to vector<128x1024xf32>
      %add3A_146 = arith.addf %dot_general3A_139, %add3A_145 : vector<128x1024xf32>
      %get3A_147 = arith.constant 0 : index
      %get3A_148 = arith.constant 0 : index
      %get3A_149 = arith.constant 0 : index
      %get3A_150 = vector.load %arg9[%get3A_147, %get3A_148, %get3A_149] : memref<1x1024x768xf32, #tpu.memory_space<vmem>>, vector<1x1024x768xf32>
      %get3A_151 = vector.shape_cast %get3A_150 : vector<1x1024x768xf32> to vector<1024x768xf32>
      %transpose3A_152 = tpu.transpose %get3A_151, [1, 0] : vector<1024x768xf32> -> vector<768x1024xf32>
      %dot_general3A_153 = arith.constant dense<0.000000e+00> : vector<128x1024xf32>
      %dot_general3A_154 = tpu.matmul %get3A_133, %transpose3A_152, %dot_general3A_153 {dimension_numbers = #tpu.dot_dimension_numbers<[1], [0], [0], [1], [0, 0, 1, 1], [], []>, transpose_lhs_hint = false} : vector<128x768xf32>, vector<768x1024xf32>, vector<128x1024xf32> -> vector<128x1024xf32>
      %get3A_155 = arith.constant 0 : index
      %get3A_156 = arith.constant 0 : index
      %get3A_157 = arith.constant 0 : index
      %get3A_158 = vector.load %arg10[%get3A_155, %get3A_156, %get3A_157] : memref<1x1x1024xf32, #tpu.memory_space<vmem>>, vector<1x1x1024xf32>
      %get3A_159 = vector.shape_cast %get3A_158 : vector<1x1x1024xf32> to vector<1x1024xf32>
      %add3A_160 = vector.broadcast %get3A_159 : vector<1x1024xf32> to vector<128x1024xf32>
      %add3A_161 = arith.addf %dot_general3A_154, %add3A_160 : vector<128x1024xf32>
      %neg3A = arith.constant 0.000000e+00 : f32
      %neg3A_162 = vector.broadcast %neg3A : f32 to vector<128x1024xf32>
      %neg3A_163 = arith.subf %neg3A_162, %add3A_146 : vector<128x1024xf32>
      %exp3A = math.exp %neg3A_163 : vector<128x1024xf32>
      %add3A_164 = arith.constant 1.000000e+00 : f32
      %add3A_165 = vector.broadcast %add3A_164 : f32 to vector<128x1024xf32>
      %add3A_166 = arith.addf %add3A_165, %exp3A : vector<128x1024xf32>
      %div3A = arith.constant 1.000000e+00 : f32
      %div3A_167 = vector.broadcast %div3A : f32 to vector<128x1024xf32>
      %div3A_168 = arith.divf %div3A_167, %add3A_166 : vector<128x1024xf32>
      %mul3A = arith.mulf %add3A_146, %div3A_168 : vector<128x1024xf32>
      %mul3A_169 = arith.mulf %mul3A, %add3A_161 : vector<128x1024xf32>
      %get3A_170 = arith.constant 0 : index
      %get3A_171 = arith.constant 0 : index
      %get3A_172 = arith.constant 0 : index
      %get3A_173 = vector.load %arg7[%get3A_170, %get3A_171, %get3A_172] : memref<1x768x1024xf32, #tpu.memory_space<vmem>>, vector<1x768x1024xf32>
      %get3A_174 = vector.shape_cast %get3A_173 : vector<1x768x1024xf32> to vector<768x1024xf32>
      %transpose3A_175 = tpu.transpose %get3A_174, [1, 0] : vector<768x1024xf32> -> vector<1024x768xf32>
      %dot_general3A_176 = arith.constant dense<0.000000e+00> : vector<128x768xf32>
      %dot_general3A_177 = tpu.matmul %mul3A_169, %transpose3A_175, %dot_general3A_176 {dimension_numbers = #tpu.dot_dimension_numbers<[1], [0], [0], [1], [0, 0, 1, 1], [], []>, transpose_lhs_hint = false} : vector<128x1024xf32>, vector<1024x768xf32>, vector<128x768xf32> -> vector<128x768xf32>
      %get3A_178 = arith.constant 0 : index
      %get3A_179 = arith.constant 0 : index
      %get3A_180 = arith.constant 0 : index
      %get3A_181 = vector.load %arg8[%get3A_178, %get3A_179, %get3A_180] : memref<1x1x768xf32, #tpu.memory_space<vmem>>, vector<1x1x768xf32>
      %get3A_182 = vector.shape_cast %get3A_181 : vector<1x1x768xf32> to vector<1x768xf32>
      %add3A_183 = vector.broadcast %get3A_182 : vector<1x768xf32> to vector<128x768xf32>
      %add3A_184 = arith.addf %dot_general3A_177, %add3A_183 : vector<128x768xf32>
      %iota3A = tpu.iota {dimensions = array<i32: 0>} : vector<128x1xi32>
      %add3A_185 = arith.constant 1280 : i32
      %add3A_186 = vector.broadcast %add3A_185 : i32 to vector<128x1xi32>
      %add3A_187 = arith.addi %add3A_186, %iota3A : vector<128x1xi32>
      %ge3A = vector.broadcast %get3A_2 : i32 to vector<128x1xi32>
      %ge3A_188 = arith.cmpi sge, %add3A_187, %ge3A : vector<128x1xi32>
      %lt3A_189 = vector.broadcast %get3A_5 : i32 to vector<128x1xi32>
      %lt3A_190 = arith.cmpi slt, %add3A_187, %lt3A_189 : vector<128x1xi32>
      %and3A_191 = arith.andi %ge3A_188, %lt3A_190 : vector<128x1xi1>
      %get3A_192 = arith.constant 1280 : index
      %get3A_193 = arith.constant 0 : index
      %get3A_194 = vector.load %arg3[%get3A_192, %get3A_193] : memref<2048x128xf32, #tpu.memory_space<vmem>>, vector<128x1xf32>
      %get3A_195 = arith.constant 1280 : index
      %get3A_196 = arith.constant 0 : index
      %get3A_197 = vector.load %arg11[%get3A_195, %get3A_196] : memref<2048x768xf32, #tpu.memory_space<vmem>>, vector<128x768xf32>
      %mul3A_198 = vector.broadcast %get3A_194 : vector<128x1xf32> to vector<128x768xf32>
      %mul3A_199 = arith.mulf %mul3A_198, %add3A_184 : vector<128x768xf32>
      %jit3A = arith.constant 0.000000e+00 : f32
      %broadcast_in_dim3A = vector.shape_cast %and3A_191 : vector<128x1xi1> to vector<128x1xi1>
      %broadcast_in_dim3A_200 = vector.broadcast %broadcast_in_dim3A : vector<128x1xi1> to vector<128x768xi1>
      %broadcast_in_dim3A_201 = vector.broadcast %jit3A : f32 to vector<128x768xf32>
      %select_n3A = arith.select %broadcast_in_dim3A_200, %mul3A_199, %broadcast_in_dim3A_201 : vector<128x768xi1>, vector<128x768xf32>
      %add3A_202 = arith.addf %get3A_197, %select_n3A : vector<128x768xf32>
      %swap3A = arith.constant 1280 : index
      %swap3A_203 = arith.constant 0 : index
      %swap3A_204 = vector.load %arg11[%swap3A, %swap3A_203] : memref<2048x768xf32, #tpu.memory_space<vmem>>, vector<128x768xf32>
      tpu.vector_store %arg11[%swap3A, %swap3A_203], %add3A_202 {strides = array<i32>} : memref<2048x768xf32, #tpu.memory_space<vmem>>, vector<128x768xf32>,
    } else {
    }
    %gt3A_91 = arith.constant 1408 : i32
    %gt3A_92 = arith.cmpi sgt, %get3A_5, %gt3A_91 : i32
    %lt3A_93 = arith.constant 1536 : i32
    %lt3A_94 = arith.cmpi slt, %get3A_2, %lt3A_93 : i32
    %and3A_95 = arith.andi %gt3A_92, %lt3A_94 : i1
    %convert_element_type3A_96 = arith.extui %and3A_95 : i1 to i32
    %cond3A_97 = arith.constant 0 : i32
    %cond3A_98 = arith.cmpi ne, %convert_element_type3A_96, %cond3A_97 : i32
    scf.if %cond3A_98 {
      %get3A_131 = arith.constant 1408 : index
      %get3A_132 = arith.constant 0 : index
      %get3A_133 = vector.load %arg2[%get3A_131, %get3A_132] : memref<2048x768xf32, #tpu.memory_space<vmem>>, vector<128x768xf32>
      %get3A_134 = arith.constant 0 : index
      %get3A_135 = arith.constant 0 : index
      %get3A_136 = arith.constant 0 : index
      %get3A_137 = vector.load %arg5[%get3A_134, %get3A_135, %get3A_136] : memref<1x1024x768xf32, #tpu.memory_space<vmem>>, vector<1x1024x768xf32>
      %get3A_138 = vector.shape_cast %get3A_137 : vector<1x1024x768xf32> to vector<1024x768xf32>
      %transpose3A = tpu.transpose %get3A_138, [1, 0] : vector<1024x768xf32> -> vector<768x1024xf32>
      %dot_general3A = arith.constant dense<0.000000e+00> : vector<128x1024xf32>
      %dot_general3A_139 = tpu.matmul %get3A_133, %transpose3A, %dot_general3A {dimension_numbers = #tpu.dot_dimension_numbers<[1], [0], [0], [1], [0, 0, 1, 1], [], []>, transpose_lhs_hint = false} : vector<128x768xf32>, vector<768x1024xf32>, vector<128x1024xf32> -> vector<128x1024xf32>
      %get3A_140 = arith.constant 0 : index
      %get3A_141 = arith.constant 0 : index
      %get3A_142 = arith.constant 0 : index
      %get3A_143 = vector.load %arg6[%get3A_140, %get3A_141, %get3A_142] : memref<1x1x1024xf32, #tpu.memory_space<vmem>>, vector<1x1x1024xf32>
      %get3A_144 = vector.shape_cast %get3A_143 : vector<1x1x1024xf32> to vector<1x1024xf32>
      %add3A_145 = vector.broadcast %get3A_144 : vector<1x1024xf32> to vector<128x1024xf32>
      %add3A_146 = arith.addf %dot_general3A_139, %add3A_145 : vector<128x1024xf32>
      %get3A_147 = arith.constant 0 : index
      %get3A_148 = arith.constant 0 : index
      %get3A_149 = arith.constant 0 : index
      %get3A_150 = vector.load %arg9[%get3A_147, %get3A_148, %get3A_149] : memref<1x1024x768xf32, #tpu.memory_space<vmem>>, vector<1x1024x768xf32>
      %get3A_151 = vector.shape_cast %get3A_150 : vector<1x1024x768xf32> to vector<1024x768xf32>
      %transpose3A_152 = tpu.transpose %get3A_151, [1, 0] : vector<1024x768xf32> -> vector<768x1024xf32>
      %dot_general3A_153 = arith.constant dense<0.000000e+00> : vector<128x1024xf32>
      %dot_general3A_154 = tpu.matmul %get3A_133, %transpose3A_152, %dot_general3A_153 {dimension_numbers = #tpu.dot_dimension_numbers<[1], [0], [0], [1], [0, 0, 1, 1], [], []>, transpose_lhs_hint = false} : vector<128x768xf32>, vector<768x1024xf32>, vector<128x1024xf32> -> vector<128x1024xf32>
      %get3A_155 = arith.constant 0 : index
      %get3A_156 = arith.constant 0 : index
      %get3A_157 = arith.constant 0 : index
      %get3A_158 = vector.load %arg10[%get3A_155, %get3A_156, %get3A_157] : memref<1x1x1024xf32, #tpu.memory_space<vmem>>, vector<1x1x1024xf32>
      %get3A_159 = vector.shape_cast %get3A_158 : vector<1x1x1024xf32> to vector<1x1024xf32>
      %add3A_160 = vector.broadcast %get3A_159 : vector<1x1024xf32> to vector<128x1024xf32>
      %add3A_161 = arith.addf %dot_general3A_154, %add3A_160 : vector<128x1024xf32>
      %neg3A = arith.constant 0.000000e+00 : f32
      %neg3A_162 = vector.broadcast %neg3A : f32 to vector<128x1024xf32>
      %neg3A_163 = arith.subf %neg3A_162, %add3A_146 : vector<128x1024xf32>
      %exp3A = math.exp %neg3A_163 : vector<128x1024xf32>
      %add3A_164 = arith.constant 1.000000e+00 : f32
      %add3A_165 = vector.broadcast %add3A_164 : f32 to vector<128x1024xf32>
      %add3A_166 = arith.addf %add3A_165, %exp3A : vector<128x1024xf32>
      %div3A = arith.constant 1.000000e+00 : f32
      %div3A_167 = vector.broadcast %div3A : f32 to vector<128x1024xf32>
      %div3A_168 = arith.divf %div3A_167, %add3A_166 : vector<128x1024xf32>
      %mul3A = arith.mulf %add3A_146, %div3A_168 : vector<128x1024xf32>
      %mul3A_169 = arith.mulf %mul3A, %add3A_161 : vector<128x1024xf32>
      %get3A_170 = arith.constant 0 : index
      %get3A_171 = arith.constant 0 : index
      %get3A_172 = arith.constant 0 : index
      %get3A_173 = vector.load %arg7[%get3A_170, %get3A_171, %get3A_172] : memref<1x768x1024xf32, #tpu.memory_space<vmem>>, vector<1x768x1024xf32>
      %get3A_174 = vector.shape_cast %get3A_173 : vector<1x768x1024xf32> to vector<768x1024xf32>
      %transpose3A_175 = tpu.transpose %get3A_174, [1, 0] : vector<768x1024xf32> -> vector<1024x768xf32>
      %dot_general3A_176 = arith.constant dense<0.000000e+00> : vector<128x768xf32>
      %dot_general3A_177 = tpu.matmul %mul3A_169, %transpose3A_175, %dot_general3A_176 {dimension_numbers = #tpu.dot_dimension_numbers<[1], [0], [0], [1], [0, 0, 1, 1], [], []>, transpose_lhs_hint = false} : vector<128x1024xf32>, vector<1024x768xf32>, vector<128x768xf32> -> vector<128x768xf32>
      %get3A_178 = arith.constant 0 : index
      %get3A_179 = arith.constant 0 : index
      %get3A_180 = arith.constant 0 : index
      %get3A_181 = vector.load %arg8[%get3A_178, %get3A_179, %get3A_180] : memref<1x1x768xf32, #tpu.memory_space<vmem>>, vector<1x1x768xf32>
      %get3A_182 = vector.shape_cast %get3A_181 : vector<1x1x768xf32> to vector<1x768xf32>
      %add3A_183 = vector.broadcast %get3A_182 : vector<1x768xf32> to vector<128x768xf32>
      %add3A_184 = arith.addf %dot_general3A_177, %add3A_183 : vector<128x768xf32>
      %iota3A = tpu.iota {dimensions = array<i32: 0>} : vector<128x1xi32>
      %add3A_185 = arith.constant 1408 : i32
      %add3A_186 = vector.broadcast %add3A_185 : i32 to vector<128x1xi32>
      %add3A_187 = arith.addi %add3A_186, %iota3A : vector<128x1xi32>
      %ge3A = vector.broadcast %get3A_2 : i32 to vector<128x1xi32>
      %ge3A_188 = arith.cmpi sge, %add3A_187, %ge3A : vector<128x1xi32>
      %lt3A_189 = vector.broadcast %get3A_5 : i32 to vector<128x1xi32>
      %lt3A_190 = arith.cmpi slt, %add3A_187, %lt3A_189 : vector<128x1xi32>
      %and3A_191 = arith.andi %ge3A_188, %lt3A_190 : vector<128x1xi1>
      %get3A_192 = arith.constant 1408 : index
      %get3A_193 = arith.constant 0 : index
      %get3A_194 = vector.load %arg3[%get3A_192, %get3A_193] : memref<2048x128xf32, #tpu.memory_space<vmem>>, vector<128x1xf32>
      %get3A_195 = arith.constant 1408 : index
      %get3A_196 = arith.constant 0 : index
      %get3A_197 = vector.load %arg11[%get3A_195, %get3A_196] : memref<2048x768xf32, #tpu.memory_space<vmem>>, vector<128x768xf32>
      %mul3A_198 = vector.broadcast %get3A_194 : vector<128x1xf32> to vector<128x768xf32>
      %mul3A_199 = arith.mulf %mul3A_198, %add3A_184 : vector<128x768xf32>
      %jit3A = arith.constant 0.000000e+00 : f32
      %broadcast_in_dim3A = vector.shape_cast %and3A_191 : vector<128x1xi1> to vector<128x1xi1>
      %broadcast_in_dim3A_200 = vector.broadcast %broadcast_in_dim3A : vector<128x1xi1> to vector<128x768xi1>
      %broadcast_in_dim3A_201 = vector.broadcast %jit3A : f32 to vector<128x768xf32>
      %select_n3A = arith.select %broadcast_in_dim3A_200, %mul3A_199, %broadcast_in_dim3A_201 : vector<128x768xi1>, vector<128x768xf32>
      %add3A_202 = arith.addf %get3A_197, %select_n3A : vector<128x768xf32>
      %swap3A = arith.constant 1408 : index
      %swap3A_203 = arith.constant 0 : index
      %swap3A_204 = vector.load %arg11[%swap3A, %swap3A_203] : memref<2048x768xf32, #tpu.memory_space<vmem>>, vector<128x768xf32>
      tpu.vector_store %arg11[%swap3A, %swap3A_203], %add3A_202 {strides = array<i32>} : memref<2048x768xf32, #tpu.memory_space<vmem>>, vector<128x768xf32>,
    } else {
    }
    %gt3A_99 = arith.constant 1536 : i32
    %gt3A_100 = arith.cmpi sgt, %get3A_5, %gt3A_99 : i32
    %lt3A_101 = arith.constant 1664 : i32
    %lt3A_102 = arith.cmpi slt, %get3A_2, %lt3A_101 : i32
    %and3A_103 = arith.andi %gt3A_100, %lt3A_102 : i1
    %convert_element_type3A_104 = arith.extui %and3A_103 : i1 to i32
    %cond3A_105 = arith.constant 0 : i32
    %cond3A_106 = arith.cmpi ne, %convert_element_type3A_104, %cond3A_105 : i32
    scf.if %cond3A_106 {
      %get3A_131 = arith.constant 1536 : index
      %get3A_132 = arith.constant 0 : index
      %get3A_133 = vector.load %arg2[%get3A_131, %get3A_132] : memref<2048x768xf32, #tpu.memory_space<vmem>>, vector<128x768xf32>
      %get3A_134 = arith.constant 0 : index
      %get3A_135 = arith.constant 0 : index
      %get3A_136 = arith.constant 0 : index
      %get3A_137 = vector.load %arg5[%get3A_134, %get3A_135, %get3A_136] : memref<1x1024x768xf32, #tpu.memory_space<vmem>>, vector<1x1024x768xf32>
      %get3A_138 = vector.shape_cast %get3A_137 : vector<1x1024x768xf32> to vector<1024x768xf32>
      %transpose3A = tpu.transpose %get3A_138, [1, 0] : vector<1024x768xf32> -> vector<768x1024xf32>
      %dot_general3A = arith.constant dense<0.000000e+00> : vector<128x1024xf32>
      %dot_general3A_139 = tpu.matmul %get3A_133, %transpose3A, %dot_general3A {dimension_numbers = #tpu.dot_dimension_numbers<[1], [0], [0], [1], [0, 0, 1, 1], [], []>, transpose_lhs_hint = false} : vector<128x768xf32>, vector<768x1024xf32>, vector<128x1024xf32> -> vector<128x1024xf32>
      %get3A_140 = arith.constant 0 : index
      %get3A_141 = arith.constant 0 : index
      %get3A_142 = arith.constant 0 : index
      %get3A_143 = vector.load %arg6[%get3A_140, %get3A_141, %get3A_142] : memref<1x1x1024xf32, #tpu.memory_space<vmem>>, vector<1x1x1024xf32>
      %get3A_144 = vector.shape_cast %get3A_143 : vector<1x1x1024xf32> to vector<1x1024xf32>
      %add3A_145 = vector.broadcast %get3A_144 : vector<1x1024xf32> to vector<128x1024xf32>
      %add3A_146 = arith.addf %dot_general3A_139, %add3A_145 : vector<128x1024xf32>
      %get3A_147 = arith.constant 0 : index
      %get3A_148 = arith.constant 0 : index
      %get3A_149 = arith.constant 0 : index
      %get3A_150 = vector.load %arg9[%get3A_147, %get3A_148, %get3A_149] : memref<1x1024x768xf32, #tpu.memory_space<vmem>>, vector<1x1024x768xf32>
      %get3A_151 = vector.shape_cast %get3A_150 : vector<1x1024x768xf32> to vector<1024x768xf32>
      %transpose3A_152 = tpu.transpose %get3A_151, [1, 0] : vector<1024x768xf32> -> vector<768x1024xf32>
      %dot_general3A_153 = arith.constant dense<0.000000e+00> : vector<128x1024xf32>
      %dot_general3A_154 = tpu.matmul %get3A_133, %transpose3A_152, %dot_general3A_153 {dimension_numbers = #tpu.dot_dimension_numbers<[1], [0], [0], [1], [0, 0, 1, 1], [], []>, transpose_lhs_hint = false} : vector<128x768xf32>, vector<768x1024xf32>, vector<128x1024xf32> -> vector<128x1024xf32>
      %get3A_155 = arith.constant 0 : index
      %get3A_156 = arith.constant 0 : index
      %get3A_157 = arith.constant 0 : index
      %get3A_158 = vector.load %arg10[%get3A_155, %get3A_156, %get3A_157] : memref<1x1x1024xf32, #tpu.memory_space<vmem>>, vector<1x1x1024xf32>
      %get3A_159 = vector.shape_cast %get3A_158 : vector<1x1x1024xf32> to vector<1x1024xf32>
      %add3A_160 = vector.broadcast %get3A_159 : vector<1x1024xf32> to vector<128x1024xf32>
      %add3A_161 = arith.addf %dot_general3A_154, %add3A_160 : vector<128x1024xf32>
      %neg3A = arith.constant 0.000000e+00 : f32
      %neg3A_162 = vector.broadcast %neg3A : f32 to vector<128x1024xf32>
      %neg3A_163 = arith.subf %neg3A_162, %add3A_146 : vector<128x1024xf32>
      %exp3A = math.exp %neg3A_163 : vector<128x1024xf32>
      %add3A_164 = arith.constant 1.000000e+00 : f32
      %add3A_165 = vector.broadcast %add3A_164 : f32 to vector<128x1024xf32>
      %add3A_166 = arith.addf %add3A_165, %exp3A : vector<128x1024xf32>
      %div3A = arith.constant 1.000000e+00 : f32
      %div3A_167 = vector.broadcast %div3A : f32 to vector<128x1024xf32>
      %div3A_168 = arith.divf %div3A_167, %add3A_166 : vector<128x1024xf32>
      %mul3A = arith.mulf %add3A_146, %div3A_168 : vector<128x1024xf32>
      %mul3A_169 = arith.mulf %mul3A, %add3A_161 : vector<128x1024xf32>
      %get3A_170 = arith.constant 0 : index
      %get3A_171 = arith.constant 0 : index
      %get3A_172 = arith.constant 0 : index
      %get3A_173 = vector.load %arg7[%get3A_170, %get3A_171, %get3A_172] : memref<1x768x1024xf32, #tpu.memory_space<vmem>>, vector<1x768x1024xf32>
      %get3A_174 = vector.shape_cast %get3A_173 : vector<1x768x1024xf32> to vector<768x1024xf32>
      %transpose3A_175 = tpu.transpose %get3A_174, [1, 0] : vector<768x1024xf32> -> vector<1024x768xf32>
      %dot_general3A_176 = arith.constant dense<0.000000e+00> : vector<128x768xf32>
      %dot_general3A_177 = tpu.matmul %mul3A_169, %transpose3A_175, %dot_general3A_176 {dimension_numbers = #tpu.dot_dimension_numbers<[1], [0], [0], [1], [0, 0, 1, 1], [], []>, transpose_lhs_hint = false} : vector<128x1024xf32>, vector<1024x768xf32>, vector<128x768xf32> -> vector<128x768xf32>
      %get3A_178 = arith.constant 0 : index
      %get3A_179 = arith.constant 0 : index
      %get3A_180 = arith.constant 0 : index
      %get3A_181 = vector.load %arg8[%get3A_178, %get3A_179, %get3A_180] : memref<1x1x768xf32, #tpu.memory_space<vmem>>, vector<1x1x768xf32>
      %get3A_182 = vector.shape_cast %get3A_181 : vector<1x1x768xf32> to vector<1x768xf32>
      %add3A_183 = vector.broadcast %get3A_182 : vector<1x768xf32> to vector<128x768xf32>
      %add3A_184 = arith.addf %dot_general3A_177, %add3A_183 : vector<128x768xf32>
      %iota3A = tpu.iota {dimensions = array<i32: 0>} : vector<128x1xi32>
      %add3A_185 = arith.constant 1536 : i32
      %add3A_186 = vector.broadcast %add3A_185 : i32 to vector<128x1xi32>
      %add3A_187 = arith.addi %add3A_186, %iota3A : vector<128x1xi32>
      %ge3A = vector.broadcast %get3A_2 : i32 to vector<128x1xi32>
      %ge3A_188 = arith.cmpi sge, %add3A_187, %ge3A : vector<128x1xi32>
      %lt3A_189 = vector.broadcast %get3A_5 : i32 to vector<128x1xi32>
      %lt3A_190 = arith.cmpi slt, %add3A_187, %lt3A_189 : vector<128x1xi32>
      %and3A_191 = arith.andi %ge3A_188, %lt3A_190 : vector<128x1xi1>
      %get3A_192 = arith.constant 1536 : index
      %get3A_193 = arith.constant 0 : index
      %get3A_194 = vector.load %arg3[%get3A_192, %get3A_193] : memref<2048x128xf32, #tpu.memory_space<vmem>>, vector<128x1xf32>
      %get3A_195 = arith.constant 1536 : index
      %get3A_196 = arith.constant 0 : index
      %get3A_197 = vector.load %arg11[%get3A_195, %get3A_196] : memref<2048x768xf32, #tpu.memory_space<vmem>>, vector<128x768xf32>
      %mul3A_198 = vector.broadcast %get3A_194 : vector<128x1xf32> to vector<128x768xf32>
      %mul3A_199 = arith.mulf %mul3A_198, %add3A_184 : vector<128x768xf32>
      %jit3A = arith.constant 0.000000e+00 : f32
      %broadcast_in_dim3A = vector.shape_cast %and3A_191 : vector<128x1xi1> to vector<128x1xi1>
      %broadcast_in_dim3A_200 = vector.broadcast %broadcast_in_dim3A : vector<128x1xi1> to vector<128x768xi1>
      %broadcast_in_dim3A_201 = vector.broadcast %jit3A : f32 to vector<128x768xf32>
      %select_n3A = arith.select %broadcast_in_dim3A_200, %mul3A_199, %broadcast_in_dim3A_201 : vector<128x768xi1>, vector<128x768xf32>
      %add3A_202 = arith.addf %get3A_197, %select_n3A : vector<128x768xf32>
      %swap3A = arith.constant 1536 : index
      %swap3A_203 = arith.constant 0 : index
      %swap3A_204 = vector.load %arg11[%swap3A, %swap3A_203] : memref<2048x768xf32, #tpu.memory_space<vmem>>, vector<128x768xf32>
      tpu.vector_store %arg11[%swap3A, %swap3A_203], %add3A_202 {strides = array<i32>} : memref<2048x768xf32, #tpu.memory_space<vmem>>, vector<128x768xf32>,
    } else {
    }
    %gt3A_107 = arith.constant 1664 : i32
    %gt3A_108 = arith.cmpi sgt, %get3A_5, %gt3A_107 : i32
    %lt3A_109 = arith.constant 1792 : i32
    %lt3A_110 = arith.cmpi slt, %get3A_2, %lt3A_109 : i32
    %and3A_111 = arith.andi %gt3A_108, %lt3A_110 : i1
    %convert_element_type3A_112 = arith.extui %and3A_111 : i1 to i32
    %cond3A_113 = arith.constant 0 : i32
    %cond3A_114 = arith.cmpi ne, %convert_element_type3A_112, %cond3A_113 : i32
    scf.if %cond3A_114 {
      %get3A_131 = arith.constant 1664 : index
      %get3A_132 = arith.constant 0 : index
      %get3A_133 = vector.load %arg2[%get3A_131, %get3A_132] : memref<2048x768xf32, #tpu.memory_space<vmem>>, vector<128x768xf32>
      %get3A_134 = arith.constant 0 : index
      %get3A_135 = arith.constant 0 : index
      %get3A_136 = arith.constant 0 : index
      %get3A_137 = vector.load %arg5[%get3A_134, %get3A_135, %get3A_136] : memref<1x1024x768xf32, #tpu.memory_space<vmem>>, vector<1x1024x768xf32>
      %get3A_138 = vector.shape_cast %get3A_137 : vector<1x1024x768xf32> to vector<1024x768xf32>
      %transpose3A = tpu.transpose %get3A_138, [1, 0] : vector<1024x768xf32> -> vector<768x1024xf32>
      %dot_general3A = arith.constant dense<0.000000e+00> : vector<128x1024xf32>
      %dot_general3A_139 = tpu.matmul %get3A_133, %transpose3A, %dot_general3A {dimension_numbers = #tpu.dot_dimension_numbers<[1], [0], [0], [1], [0, 0, 1, 1], [], []>, transpose_lhs_hint = false} : vector<128x768xf32>, vector<768x1024xf32>, vector<128x1024xf32> -> vector<128x1024xf32>
      %get3A_140 = arith.constant 0 : index
      %get3A_141 = arith.constant 0 : index
      %get3A_142 = arith.constant 0 : index
      %get3A_143 = vector.load %arg6[%get3A_140, %get3A_141, %get3A_142] : memref<1x1x1024xf32, #tpu.memory_space<vmem>>, vector<1x1x1024xf32>
      %get3A_144 = vector.shape_cast %get3A_143 : vector<1x1x1024xf32> to vector<1x1024xf32>
      %add3A_145 = vector.broadcast %get3A_144 : vector<1x1024xf32> to vector<128x1024xf32>
      %add3A_146 = arith.addf %dot_general3A_139, %add3A_145 : vector<128x1024xf32>
      %get3A_147 = arith.constant 0 : index
      %get3A_148 = arith.constant 0 : index
      %get3A_149 = arith.constant 0 : index
      %get3A_150 = vector.load %arg9[%get3A_147, %get3A_148, %get3A_149] : memref<1x1024x768xf32, #tpu.memory_space<vmem>>, vector<1x1024x768xf32>
      %get3A_151 = vector.shape_cast %get3A_150 : vector<1x1024x768xf32> to vector<1024x768xf32>
      %transpose3A_152 = tpu.transpose %get3A_151, [1, 0] : vector<1024x768xf32> -> vector<768x1024xf32>
      %dot_general3A_153 = arith.constant dense<0.000000e+00> : vector<128x1024xf32>
      %dot_general3A_154 = tpu.matmul %get3A_133, %transpose3A_152, %dot_general3A_153 {dimension_numbers = #tpu.dot_dimension_numbers<[1], [0], [0], [1], [0, 0, 1, 1], [], []>, transpose_lhs_hint = false} : vector<128x768xf32>, vector<768x1024xf32>, vector<128x1024xf32> -> vector<128x1024xf32>
      %get3A_155 = arith.constant 0 : index
      %get3A_156 = arith.constant 0 : index
      %get3A_157 = arith.constant 0 : index
      %get3A_158 = vector.load %arg10[%get3A_155, %get3A_156, %get3A_157] : memref<1x1x1024xf32, #tpu.memory_space<vmem>>, vector<1x1x1024xf32>
      %get3A_159 = vector.shape_cast %get3A_158 : vector<1x1x1024xf32> to vector<1x1024xf32>
      %add3A_160 = vector.broadcast %get3A_159 : vector<1x1024xf32> to vector<128x1024xf32>
      %add3A_161 = arith.addf %dot_general3A_154, %add3A_160 : vector<128x1024xf32>
      %neg3A = arith.constant 0.000000e+00 : f32
      %neg3A_162 = vector.broadcast %neg3A : f32 to vector<128x1024xf32>
      %neg3A_163 = arith.subf %neg3A_162, %add3A_146 : vector<128x1024xf32>
      %exp3A = math.exp %neg3A_163 : vector<128x1024xf32>
      %add3A_164 = arith.constant 1.000000e+00 : f32
      %add3A_165 = vector.broadcast %add3A_164 : f32 to vector<128x1024xf32>
      %add3A_166 = arith.addf %add3A_165, %exp3A : vector<128x1024xf32>
      %div3A = arith.constant 1.000000e+00 : f32
      %div3A_167 = vector.broadcast %div3A : f32 to vector<128x1024xf32>
      %div3A_168 = arith.divf %div3A_167, %add3A_166 : vector<128x1024xf32>
      %mul3A = arith.mulf %add3A_146, %div3A_168 : vector<128x1024xf32>
      %mul3A_169 = arith.mulf %mul3A, %add3A_161 : vector<128x1024xf32>
      %get3A_170 = arith.constant 0 : index
      %get3A_171 = arith.constant 0 : index
      %get3A_172 = arith.constant 0 : index
      %get3A_173 = vector.load %arg7[%get3A_170, %get3A_171, %get3A_172] : memref<1x768x1024xf32, #tpu.memory_space<vmem>>, vector<1x768x1024xf32>
      %get3A_174 = vector.shape_cast %get3A_173 : vector<1x768x1024xf32> to vector<768x1024xf32>
      %transpose3A_175 = tpu.transpose %get3A_174, [1, 0] : vector<768x1024xf32> -> vector<1024x768xf32>
      %dot_general3A_176 = arith.constant dense<0.000000e+00> : vector<128x768xf32>
      %dot_general3A_177 = tpu.matmul %mul3A_169, %transpose3A_175, %dot_general3A_176 {dimension_numbers = #tpu.dot_dimension_numbers<[1], [0], [0], [1], [0, 0, 1, 1], [], []>, transpose_lhs_hint = false} : vector<128x1024xf32>, vector<1024x768xf32>, vector<128x768xf32> -> vector<128x768xf32>
      %get3A_178 = arith.constant 0 : index
      %get3A_179 = arith.constant 0 : index
      %get3A_180 = arith.constant 0 : index
      %get3A_181 = vector.load %arg8[%get3A_178, %get3A_179, %get3A_180] : memref<1x1x768xf32, #tpu.memory_space<vmem>>, vector<1x1x768xf32>
      %get3A_182 = vector.shape_cast %get3A_181 : vector<1x1x768xf32> to vector<1x768xf32>
      %add3A_183 = vector.broadcast %get3A_182 : vector<1x768xf32> to vector<128x768xf32>
      %add3A_184 = arith.addf %dot_general3A_177, %add3A_183 : vector<128x768xf32>
      %iota3A = tpu.iota {dimensions = array<i32: 0>} : vector<128x1xi32>
      %add3A_185 = arith.constant 1664 : i32
      %add3A_186 = vector.broadcast %add3A_185 : i32 to vector<128x1xi32>
      %add3A_187 = arith.addi %add3A_186, %iota3A : vector<128x1xi32>
      %ge3A = vector.broadcast %get3A_2 : i32 to vector<128x1xi32>
      %ge3A_188 = arith.cmpi sge, %add3A_187, %ge3A : vector<128x1xi32>
      %lt3A_189 = vector.broadcast %get3A_5 : i32 to vector<128x1xi32>
      %lt3A_190 = arith.cmpi slt, %add3A_187, %lt3A_189 : vector<128x1xi32>
      %and3A_191 = arith.andi %ge3A_188, %lt3A_190 : vector<128x1xi1>
      %get3A_192 = arith.constant 1664 : index
      %get3A_193 = arith.constant 0 : index
      %get3A_194 = vector.load %arg3[%get3A_192, %get3A_193] : memref<2048x128xf32, #tpu.memory_space<vmem>>, vector<128x1xf32>
      %get3A_195 = arith.constant 1664 : index
      %get3A_196 = arith.constant 0 : index
      %get3A_197 = vector.load %arg11[%get3A_195, %get3A_196] : memref<2048x768xf32, #tpu.memory_space<vmem>>, vector<128x768xf32>
      %mul3A_198 = vector.broadcast %get3A_194 : vector<128x1xf32> to vector<128x768xf32>
      %mul3A_199 = arith.mulf %mul3A_198, %add3A_184 : vector<128x768xf32>
      %jit3A = arith.constant 0.000000e+00 : f32
      %broadcast_in_dim3A = vector.shape_cast %and3A_191 : vector<128x1xi1> to vector<128x1xi1>
      %broadcast_in_dim3A_200 = vector.broadcast %broadcast_in_dim3A : vector<128x1xi1> to vector<128x768xi1>
      %broadcast_in_dim3A_201 = vector.broadcast %jit3A : f32 to vector<128x768xf32>
      %select_n3A = arith.select %broadcast_in_dim3A_200, %mul3A_199, %broadcast_in_dim3A_201 : vector<128x768xi1>, vector<128x768xf32>
      %add3A_202 = arith.addf %get3A_197, %select_n3A : vector<128x768xf32>
      %swap3A = arith.constant 1664 : index
      %swap3A_203 = arith.constant 0 : index
      %swap3A_204 = vector.load %arg11[%swap3A, %swap3A_203] : memref<2048x768xf32, #tpu.memory_space<vmem>>, vector<128x768xf32>
      tpu.vector_store %arg11[%swap3A, %swap3A_203], %add3A_202 {strides = array<i32>} : memref<2048x768xf32, #tpu.memory_space<vmem>>, vector<128x768xf32>,
    } else {
    }
    %gt3A_115 = arith.constant 1792 : i32
    %gt3A_116 = arith.cmpi sgt, %get3A_5, %gt3A_115 : i32
    %lt3A_117 = arith.constant 1920 : i32
    %lt3A_118 = arith.cmpi slt, %get3A_2, %lt3A_117 : i32
    %and3A_119 = arith.andi %gt3A_116, %lt3A_118 : i1
    %convert_element_type3A_120 = arith.extui %and3A_119 : i1 to i32
    %cond3A_121 = arith.constant 0 : i32
    %cond3A_122 = arith.cmpi ne, %convert_element_type3A_120, %cond3A_121 : i32
    scf.if %cond3A_122 {
      %get3A_131 = arith.constant 1792 : index
      %get3A_132 = arith.constant 0 : index
      %get3A_133 = vector.load %arg2[%get3A_131, %get3A_132] : memref<2048x768xf32, #tpu.memory_space<vmem>>, vector<128x768xf32>
      %get3A_134 = arith.constant 0 : index
      %get3A_135 = arith.constant 0 : index
      %get3A_136 = arith.constant 0 : index
      %get3A_137 = vector.load %arg5[%get3A_134, %get3A_135, %get3A_136] : memref<1x1024x768xf32, #tpu.memory_space<vmem>>, vector<1x1024x768xf32>
      %get3A_138 = vector.shape_cast %get3A_137 : vector<1x1024x768xf32> to vector<1024x768xf32>
      %transpose3A = tpu.transpose %get3A_138, [1, 0] : vector<1024x768xf32> -> vector<768x1024xf32>
      %dot_general3A = arith.constant dense<0.000000e+00> : vector<128x1024xf32>
      %dot_general3A_139 = tpu.matmul %get3A_133, %transpose3A, %dot_general3A {dimension_numbers = #tpu.dot_dimension_numbers<[1], [0], [0], [1], [0, 0, 1, 1], [], []>, transpose_lhs_hint = false} : vector<128x768xf32>, vector<768x1024xf32>, vector<128x1024xf32> -> vector<128x1024xf32>
      %get3A_140 = arith.constant 0 : index
      %get3A_141 = arith.constant 0 : index
      %get3A_142 = arith.constant 0 : index
      %get3A_143 = vector.load %arg6[%get3A_140, %get3A_141, %get3A_142] : memref<1x1x1024xf32, #tpu.memory_space<vmem>>, vector<1x1x1024xf32>
      %get3A_144 = vector.shape_cast %get3A_143 : vector<1x1x1024xf32> to vector<1x1024xf32>
      %add3A_145 = vector.broadcast %get3A_144 : vector<1x1024xf32> to vector<128x1024xf32>
      %add3A_146 = arith.addf %dot_general3A_139, %add3A_145 : vector<128x1024xf32>
      %get3A_147 = arith.constant 0 : index
      %get3A_148 = arith.constant 0 : index
      %get3A_149 = arith.constant 0 : index
      %get3A_150 = vector.load %arg9[%get3A_147, %get3A_148, %get3A_149] : memref<1x1024x768xf32, #tpu.memory_space<vmem>>, vector<1x1024x768xf32>
      %get3A_151 = vector.shape_cast %get3A_150 : vector<1x1024x768xf32> to vector<1024x768xf32>
      %transpose3A_152 = tpu.transpose %get3A_151, [1, 0] : vector<1024x768xf32> -> vector<768x1024xf32>
      %dot_general3A_153 = arith.constant dense<0.000000e+00> : vector<128x1024xf32>
      %dot_general3A_154 = tpu.matmul %get3A_133, %transpose3A_152, %dot_general3A_153 {dimension_numbers = #tpu.dot_dimension_numbers<[1], [0], [0], [1], [0, 0, 1, 1], [], []>, transpose_lhs_hint = false} : vector<128x768xf32>, vector<768x1024xf32>, vector<128x1024xf32> -> vector<128x1024xf32>
      %get3A_155 = arith.constant 0 : index
      %get3A_156 = arith.constant 0 : index
      %get3A_157 = arith.constant 0 : index
      %get3A_158 = vector.load %arg10[%get3A_155, %get3A_156, %get3A_157] : memref<1x1x1024xf32, #tpu.memory_space<vmem>>, vector<1x1x1024xf32>
      %get3A_159 = vector.shape_cast %get3A_158 : vector<1x1x1024xf32> to vector<1x1024xf32>
      %add3A_160 = vector.broadcast %get3A_159 : vector<1x1024xf32> to vector<128x1024xf32>
      %add3A_161 = arith.addf %dot_general3A_154, %add3A_160 : vector<128x1024xf32>
      %neg3A = arith.constant 0.000000e+00 : f32
      %neg3A_162 = vector.broadcast %neg3A : f32 to vector<128x1024xf32>
      %neg3A_163 = arith.subf %neg3A_162, %add3A_146 : vector<128x1024xf32>
      %exp3A = math.exp %neg3A_163 : vector<128x1024xf32>
      %add3A_164 = arith.constant 1.000000e+00 : f32
      %add3A_165 = vector.broadcast %add3A_164 : f32 to vector<128x1024xf32>
      %add3A_166 = arith.addf %add3A_165, %exp3A : vector<128x1024xf32>
      %div3A = arith.constant 1.000000e+00 : f32
      %div3A_167 = vector.broadcast %div3A : f32 to vector<128x1024xf32>
      %div3A_168 = arith.divf %div3A_167, %add3A_166 : vector<128x1024xf32>
      %mul3A = arith.mulf %add3A_146, %div3A_168 : vector<128x1024xf32>
      %mul3A_169 = arith.mulf %mul3A, %add3A_161 : vector<128x1024xf32>
      %get3A_170 = arith.constant 0 : index
      %get3A_171 = arith.constant 0 : index
      %get3A_172 = arith.constant 0 : index
      %get3A_173 = vector.load %arg7[%get3A_170, %get3A_171, %get3A_172] : memref<1x768x1024xf32, #tpu.memory_space<vmem>>, vector<1x768x1024xf32>
      %get3A_174 = vector.shape_cast %get3A_173 : vector<1x768x1024xf32> to vector<768x1024xf32>
      %transpose3A_175 = tpu.transpose %get3A_174, [1, 0] : vector<768x1024xf32> -> vector<1024x768xf32>
      %dot_general3A_176 = arith.constant dense<0.000000e+00> : vector<128x768xf32>
      %dot_general3A_177 = tpu.matmul %mul3A_169, %transpose3A_175, %dot_general3A_176 {dimension_numbers = #tpu.dot_dimension_numbers<[1], [0], [0], [1], [0, 0, 1, 1], [], []>, transpose_lhs_hint = false} : vector<128x1024xf32>, vector<1024x768xf32>, vector<128x768xf32> -> vector<128x768xf32>
      %get3A_178 = arith.constant 0 : index
      %get3A_179 = arith.constant 0 : index
      %get3A_180 = arith.constant 0 : index
      %get3A_181 = vector.load %arg8[%get3A_178, %get3A_179, %get3A_180] : memref<1x1x768xf32, #tpu.memory_space<vmem>>, vector<1x1x768xf32>
      %get3A_182 = vector.shape_cast %get3A_181 : vector<1x1x768xf32> to vector<1x768xf32>
      %add3A_183 = vector.broadcast %get3A_182 : vector<1x768xf32> to vector<128x768xf32>
      %add3A_184 = arith.addf %dot_general3A_177, %add3A_183 : vector<128x768xf32>
      %iota3A = tpu.iota {dimensions = array<i32: 0>} : vector<128x1xi32>
      %add3A_185 = arith.constant 1792 : i32
      %add3A_186 = vector.broadcast %add3A_185 : i32 to vector<128x1xi32>
      %add3A_187 = arith.addi %add3A_186, %iota3A : vector<128x1xi32>
      %ge3A = vector.broadcast %get3A_2 : i32 to vector<128x1xi32>
      %ge3A_188 = arith.cmpi sge, %add3A_187, %ge3A : vector<128x1xi32>
      %lt3A_189 = vector.broadcast %get3A_5 : i32 to vector<128x1xi32>
      %lt3A_190 = arith.cmpi slt, %add3A_187, %lt3A_189 : vector<128x1xi32>
      %and3A_191 = arith.andi %ge3A_188, %lt3A_190 : vector<128x1xi1>
      %get3A_192 = arith.constant 1792 : index
      %get3A_193 = arith.constant 0 : index
      %get3A_194 = vector.load %arg3[%get3A_192, %get3A_193] : memref<2048x128xf32, #tpu.memory_space<vmem>>, vector<128x1xf32>
      %get3A_195 = arith.constant 1792 : index
      %get3A_196 = arith.constant 0 : index
      %get3A_197 = vector.load %arg11[%get3A_195, %get3A_196] : memref<2048x768xf32, #tpu.memory_space<vmem>>, vector<128x768xf32>
      %mul3A_198 = vector.broadcast %get3A_194 : vector<128x1xf32> to vector<128x768xf32>
      %mul3A_199 = arith.mulf %mul3A_198, %add3A_184 : vector<128x768xf32>
      %jit3A = arith.constant 0.000000e+00 : f32
      %broadcast_in_dim3A = vector.shape_cast %and3A_191 : vector<128x1xi1> to vector<128x1xi1>
      %broadcast_in_dim3A_200 = vector.broadcast %broadcast_in_dim3A : vector<128x1xi1> to vector<128x768xi1>
      %broadcast_in_dim3A_201 = vector.broadcast %jit3A : f32 to vector<128x768xf32>
      %select_n3A = arith.select %broadcast_in_dim3A_200, %mul3A_199, %broadcast_in_dim3A_201 : vector<128x768xi1>, vector<128x768xf32>
      %add3A_202 = arith.addf %get3A_197, %select_n3A : vector<128x768xf32>
      %swap3A = arith.constant 1792 : index
      %swap3A_203 = arith.constant 0 : index
      %swap3A_204 = vector.load %arg11[%swap3A, %swap3A_203] : memref<2048x768xf32, #tpu.memory_space<vmem>>, vector<128x768xf32>
      tpu.vector_store %arg11[%swap3A, %swap3A_203], %add3A_202 {strides = array<i32>} : memref<2048x768xf32, #tpu.memory_space<vmem>>, vector<128x768xf32>,
    } else {
    }
    %gt3A_123 = arith.constant 1920 : i32
    %gt3A_124 = arith.cmpi sgt, %get3A_5, %gt3A_123 : i32
    %lt3A_125 = arith.constant 2048 : i32
    %lt3A_126 = arith.cmpi slt, %get3A_2, %lt3A_125 : i32
    %and3A_127 = arith.andi %gt3A_124, %lt3A_126 : i1
    %convert_element_type3A_128 = arith.extui %and3A_127 : i1 to i32
    %cond3A_129 = arith.constant 0 : i32
    %cond3A_130 = arith.cmpi ne, %convert_element_type3A_128, %cond3A_129 : i32
    scf.if %cond3A_130 {
      %get3A_131 = arith.constant 1920 : index
      %get3A_132 = arith.constant 0 : index
      %get3A_133 = vector.load %arg2[%get3A_131, %get3A_132] : memref<2048x768xf32, #tpu.memory_space<vmem>>, vector<128x768xf32>
      %get3A_134 = arith.constant 0 : index
      %get3A_135 = arith.constant 0 : index
      %get3A_136 = arith.constant 0 : index
      %get3A_137 = vector.load %arg5[%get3A_134, %get3A_135, %get3A_136] : memref<1x1024x768xf32, #tpu.memory_space<vmem>>, vector<1x1024x768xf32>
      %get3A_138 = vector.shape_cast %get3A_137 : vector<1x1024x768xf32> to vector<1024x768xf32>
      %transpose3A = tpu.transpose %get3A_138, [1, 0] : vector<1024x768xf32> -> vector<768x1024xf32>
      %dot_general3A = arith.constant dense<0.000000e+00> : vector<128x1024xf32>
      %dot_general3A_139 = tpu.matmul %get3A_133, %transpose3A, %dot_general3A {dimension_numbers = #tpu.dot_dimension_numbers<[1], [0], [0], [1], [0, 0, 1, 1], [], []>, transpose_lhs_hint = false} : vector<128x768xf32>, vector<768x1024xf32>, vector<128x1024xf32> -> vector<128x1024xf32>
      %get3A_140 = arith.constant 0 : index
      %get3A_141 = arith.constant 0 : index
      %get3A_142 = arith.constant 0 : index
      %get3A_143 = vector.load %arg6[%get3A_140, %get3A_141, %get3A_142] : memref<1x1x1024xf32, #tpu.memory_space<vmem>>, vector<1x1x1024xf32>
      %get3A_144 = vector.shape_cast %get3A_143 : vector<1x1x1024xf32> to vector<1x1024xf32>
      %add3A_145 = vector.broadcast %get3A_144 : vector<1x1024xf32> to vector<128x1024xf32>
      %add3A_146 = arith.addf %dot_general3A_139, %add3A_145 : vector<128x1024xf32>
      %get3A_147 = arith.constant 0 : index
      %get3A_148 = arith.constant 0 : index
      %get3A_149 = arith.constant 0 : index
      %get3A_150 = vector.load %arg9[%get3A_147, %get3A_148, %get3A_149] : memref<1x1024x768xf32, #tpu.memory_space<vmem>>, vector<1x1024x768xf32>
      %get3A_151 = vector.shape_cast %get3A_150 : vector<1x1024x768xf32> to vector<1024x768xf32>
      %transpose3A_152 = tpu.transpose %get3A_151, [1, 0] : vector<1024x768xf32> -> vector<768x1024xf32>
      %dot_general3A_153 = arith.constant dense<0.000000e+00> : vector<128x1024xf32>
      %dot_general3A_154 = tpu.matmul %get3A_133, %transpose3A_152, %dot_general3A_153 {dimension_numbers = #tpu.dot_dimension_numbers<[1], [0], [0], [1], [0, 0, 1, 1], [], []>, transpose_lhs_hint = false} : vector<128x768xf32>, vector<768x1024xf32>, vector<128x1024xf32> -> vector<128x1024xf32>
      %get3A_155 = arith.constant 0 : index
      %get3A_156 = arith.constant 0 : index
      %get3A_157 = arith.constant 0 : index
      %get3A_158 = vector.load %arg10[%get3A_155, %get3A_156, %get3A_157] : memref<1x1x1024xf32, #tpu.memory_space<vmem>>, vector<1x1x1024xf32>
      %get3A_159 = vector.shape_cast %get3A_158 : vector<1x1x1024xf32> to vector<1x1024xf32>
      %add3A_160 = vector.broadcast %get3A_159 : vector<1x1024xf32> to vector<128x1024xf32>
      %add3A_161 = arith.addf %dot_general3A_154, %add3A_160 : vector<128x1024xf32>
      %neg3A = arith.constant 0.000000e+00 : f32
      %neg3A_162 = vector.broadcast %neg3A : f32 to vector<128x1024xf32>
      %neg3A_163 = arith.subf %neg3A_162, %add3A_146 : vector<128x1024xf32>
      %exp3A = math.exp %neg3A_163 : vector<128x1024xf32>
      %add3A_164 = arith.constant 1.000000e+00 : f32
      %add3A_165 = vector.broadcast %add3A_164 : f32 to vector<128x1024xf32>
      %add3A_166 = arith.addf %add3A_165, %exp3A : vector<128x1024xf32>
      %div3A = arith.constant 1.000000e+00 : f32
      %div3A_167 = vector.broadcast %div3A : f32 to vector<128x1024xf32>
      %div3A_168 = arith.divf %div3A_167, %add3A_166 : vector<128x1024xf32>
      %mul3A = arith.mulf %add3A_146, %div3A_168 : vector<128x1024xf32>
      %mul3A_169 = arith.mulf %mul3A, %add3A_161 : vector<128x1024xf32>
      %get3A_170 = arith.constant 0 : index
      %get3A_171 = arith.constant 0 : index
      %get3A_172 = arith.constant 0 : index
      %get3A_173 = vector.load %arg7[%get3A_170, %get3A_171, %get3A_172] : memref<1x768x1024xf32, #tpu.memory_space<vmem>>, vector<1x768x1024xf32>
      %get3A_174 = vector.shape_cast %get3A_173 : vector<1x768x1024xf32> to vector<768x1024xf32>
      %transpose3A_175 = tpu.transpose %get3A_174, [1, 0] : vector<768x1024xf32> -> vector<1024x768xf32>
      %dot_general3A_176 = arith.constant dense<0.000000e+00> : vector<128x768xf32>
      %dot_general3A_177 = tpu.matmul %mul3A_169, %transpose3A_175, %dot_general3A_176 {dimension_numbers = #tpu.dot_dimension_numbers<[1], [0], [0], [1], [0, 0, 1, 1], [], []>, transpose_lhs_hint = false} : vector<128x1024xf32>, vector<1024x768xf32>, vector<128x768xf32> -> vector<128x768xf32>
      %get3A_178 = arith.constant 0 : index
      %get3A_179 = arith.constant 0 : index
      %get3A_180 = arith.constant 0 : index
      %get3A_181 = vector.load %arg8[%get3A_178, %get3A_179, %get3A_180] : memref<1x1x768xf32, #tpu.memory_space<vmem>>, vector<1x1x768xf32>
      %get3A_182 = vector.shape_cast %get3A_181 : vector<1x1x768xf32> to vector<1x768xf32>
      %add3A_183 = vector.broadcast %get3A_182 : vector<1x768xf32> to vector<128x768xf32>
      %add3A_184 = arith.addf %dot_general3A_177, %add3A_183 : vector<128x768xf32>
      %iota3A = tpu.iota {dimensions = array<i32: 0>} : vector<128x1xi32>
      %add3A_185 = arith.constant 1920 : i32
      %add3A_186 = vector.broadcast %add3A_185 : i32 to vector<128x1xi32>
      %add3A_187 = arith.addi %add3A_186, %iota3A : vector<128x1xi32>
      %ge3A = vector.broadcast %get3A_2 : i32 to vector<128x1xi32>
      %ge3A_188 = arith.cmpi sge, %add3A_187, %ge3A : vector<128x1xi32>
      %lt3A_189 = vector.broadcast %get3A_5 : i32 to vector<128x1xi32>
      %lt3A_190 = arith.cmpi slt, %add3A_187, %lt3A_189 : vector<128x1xi32>
      %and3A_191 = arith.andi %ge3A_188, %lt3A_190 : vector<128x1xi1>
      %get3A_192 = arith.constant 1920 : index
      %get3A_193 = arith.constant 0 : index
      %get3A_194 = vector.load %arg3[%get3A_192, %get3A_193] : memref<2048x128xf32, #tpu.memory_space<vmem>>, vector<128x1xf32>
      %get3A_195 = arith.constant 1920 : index
      %get3A_196 = arith.constant 0 : index
      %get3A_197 = vector.load %arg11[%get3A_195, %get3A_196] : memref<2048x768xf32, #tpu.memory_space<vmem>>, vector<128x768xf32>
      %mul3A_198 = vector.broadcast %get3A_194 : vector<128x1xf32> to vector<128x768xf32>
      %mul3A_199 = arith.mulf %mul3A_198, %add3A_184 : vector<128x768xf32>
      %jit3A = arith.constant 0.000000e+00 : f32
      %broadcast_in_dim3A = vector.shape_cast %and3A_191 : vector<128x1xi1> to vector<128x1xi1>
      %broadcast_in_dim3A_200 = vector.broadcast %broadcast_in_dim3A : vector<128x1xi1> to vector<128x768xi1>
      %broadcast_in_dim3A_201 = vector.broadcast %jit3A : f32 to vector<128x768xf32>
      %select_n3A = arith.select %broadcast_in_dim3A_200, %mul3A_199, %broadcast_in_dim3A_201 : vector<128x768xi1>, vector<128x768xf32>
      %add3A_202 = arith.addf %get3A_197, %select_n3A : vector<128x768xf32>
      %swap3A = arith.constant 1920 : index
      %swap3A_203 = arith.constant 0 : index
      %swap3A_204 = vector.load %arg11[%swap3A, %swap3A_203] : memref<2048x768xf32, #tpu.memory_space<vmem>>, vector<128x768xf32>
      tpu.vector_store %arg11[%swap3A, %swap3A_203], %add3A_202 {strides = array<i32>} : memref<2048x768xf32, #tpu.memory_space<vmem>>, vector<128x768xf32>,
    } else {
    }
    return
  }
  func.func @transform_0(%arg0: i32, %arg1: memref<32xi32, #tpu.memory_space<smem>>) -> (i32, i32) {
    %c0_i32 = arith.constant 0 : i32
    %c0_i32_0 = arith.constant 0 : i32
    %c0_i32_1 = arith.constant 0 : i32
    return %c0_i32, %c0_i32_0 : i32, i32
  }
  func.func @transform_1(%arg0: i32, %arg1: memref<32xi32, #tpu.memory_space<smem>>) -> (i32, i32) {
    %c0_i32 = arith.constant 0 : i32
    %c0_i32_0 = arith.constant 0 : i32
    %c0_i32_1 = arith.constant 0 : i32
    return %c0_i32, %c0_i32_0 : i32, i32
  }
  func.func @transform_2(%arg0: i32, %arg1: memref<32xi32, #tpu.memory_space<smem>>) -> (i32, i32) {
    %c0_i32 = arith.constant 0 : i32
    %c0_i32_0 = arith.constant 0 : i32
    %c0_i32_1 = arith.constant 0 : i32
    return %c0_i32, %c0_i32_0 : i32, i32
  }
  func.func @transform_3(%arg0: i32, %arg1: memref<32xi32, #tpu.memory_space<smem>>) -> (i32, i32, i32) {
    %c0_i32 = arith.constant 0 : i32
    %c0_i32_0 = arith.constant 0 : i32
    %c0_i32_1 = arith.constant 0 : i32
    return %arg0, %c0_i32, %c0_i32_0 : i32, i32, i32
  }
  func.func @transform_4(%arg0: i32, %arg1: memref<32xi32, #tpu.memory_space<smem>>) -> (i32, i32, i32) {
    %c0_i32 = arith.constant 0 : i32
    %c0_i32_0 = arith.constant 0 : i32
    %c0_i32_1 = arith.constant 0 : i32
    return %arg0, %c0_i32, %c0_i32_0 : i32, i32, i32
  }
  func.func @transform_5(%arg0: i32, %arg1: memref<32xi32, #tpu.memory_space<smem>>) -> (i32, i32, i32) {
    %c0_i32 = arith.constant 0 : i32
    %c0_i32_0 = arith.constant 0 : i32
    %c0_i32_1 = arith.constant 0 : i32
    return %arg0, %c0_i32, %c0_i32_0 : i32, i32, i32
  }
  func.func @transform_6(%arg0: i32, %arg1: memref<32xi32, #tpu.memory_space<smem>>) -> (i32, i32, i32) {
    %c0_i32 = arith.constant 0 : i32
    %c0_i32_0 = arith.constant 0 : i32
    %c0_i32_1 = arith.constant 0 : i32
    return %arg0, %c0_i32, %c0_i32_0 : i32, i32, i32
  }
  func.func @transform_7(%arg0: i32, %arg1: memref<32xi32, #tpu.memory_space<smem>>) -> (i32, i32, i32) {
    %c0_i32 = arith.constant 0 : i32
    %c0_i32_0 = arith.constant 0 : i32
    %c0_i32_1 = arith.constant 0 : i32
    return %arg0, %c0_i32, %c0_i32_0 : i32, i32, i32
  }
  func.func @transform_8(%arg0: i32, %arg1: memref<32xi32, #tpu.memory_space<smem>>) -> (i32, i32, i32) {
    %c0_i32 = arith.constant 0 : i32
    %c0_i32_0 = arith.constant 0 : i32
    %c0_i32_1 = arith.constant 0 : i32
    return %arg0, %c0_i32, %c0_i32_0 : i32, i32, i32
  }
  func.func @transform_9(%arg0: i32, %arg1: memref<32xi32, #tpu.memory_space<smem>>) -> (i32, i32) {
    %c0_i32 = arith.constant 0 : i32
    %c0_i32_0 = arith.constant 0 : i32
    %c0_i32_1 = arith.constant 0 : i32
    return %c0_i32, %c0_i32_0 : i32, i32
  }
}

module attributes {stable_mosaic.version = 14 : i64} {
  func.func @_gate_meta_body(%arg0: memref<2048x768xf32, #tpu.memory_space<vmem>>, %arg1: memref<16x768xf32, #tpu.memory_space<vmem>>, %arg2: memref<1024x768xf32, #tpu.memory_space<vmem>>, %arg3: memref<1x1024xf32, #tpu.memory_space<vmem>>, %arg4: memref<768x1024xf32, #tpu.memory_space<vmem>>, %arg5: memref<1x768xf32, #tpu.memory_space<vmem>>, %arg6: memref<1024x768xf32, #tpu.memory_space<vmem>>, %arg7: memref<1x1024xf32, #tpu.memory_space<vmem>>, %arg8: memref<32x64xi32, #tpu.memory_space<vmem>>, %arg9: memref<1x32xi32, #tpu.memory_space<vmem>>, %arg10: memref<2048x128xf32, #tpu.memory_space<vmem>>, %arg11: memref<2048x768xf32, #tpu.memory_space<vmem>>) attributes {dimension_semantics = [], scalar_prefetch = 0 : i64, scratch_operands = 0 : i64, tpu.core_type = #tpu.core_type<tc>} {
    %get3A = arith.constant 0 : index
    %get3A_0 = arith.constant 0 : index
    %get3A_1 = vector.load %arg0[%get3A, %get3A_0] : memref<2048x768xf32, #tpu.memory_space<vmem>>, vector<2048x768xf32>
    %get3A_2 = arith.constant 0 : index
    %get3A_3 = arith.constant 0 : index
    %get3A_4 = vector.load %arg1[%get3A_2, %get3A_3] : memref<16x768xf32, #tpu.memory_space<vmem>>, vector<16x768xf32>
    %transpose3A = tpu.transpose %get3A_4, [1, 0] : vector<16x768xf32> -> vector<768x16xf32>
    %dot_general3A = arith.constant dense<0.000000e+00> : vector<2048x16xf32>
    %dot_general3A_5 = tpu.matmul %get3A_1, %transpose3A, %dot_general3A {dimension_numbers = #tpu.dot_dimension_numbers<[1], [0], [0], [1], [0, 0, 1, 1], [], []>, transpose_lhs_hint = false} : vector<2048x768xf32>, vector<768x16xf32>, vector<2048x16xf32> -> vector<2048x16xf32>
    %reduce_max3A = arith.constant dense<0xFF800000> : vector<2048xf32>
    %reduce_max3A_6 = vector.multi_reduction <maximumf>, %dot_general3A_5, %reduce_max3A [1] : vector<2048x16xf32> to vector<2048xf32>
    %broadcast_in_dim3A = vector.shape_cast %reduce_max3A_6 : vector<2048xf32> to vector<2048x1xf32>
    %sub3A = vector.broadcast %broadcast_in_dim3A : vector<2048x1xf32> to vector<2048x16xf32>
    %sub3A_7 = arith.subf %dot_general3A_5, %sub3A : vector<2048x16xf32>
    %exp3A = math.exp %sub3A_7 : vector<2048x16xf32>
    %reduce_sum3A = arith.constant dense<0.000000e+00> : vector<2048xf32>
    %reduce_sum3A_8 = vector.multi_reduction <add>, %exp3A, %reduce_sum3A [1] : vector<2048x16xf32> to vector<2048xf32>
    %broadcast_in_dim3A_9 = vector.shape_cast %reduce_sum3A_8 : vector<2048xf32> to vector<2048x1xf32>
    %div3A = vector.broadcast %broadcast_in_dim3A_9 : vector<2048x1xf32> to vector<2048x16xf32>
    %div3A_10 = arith.divf %exp3A, %div3A : vector<2048x16xf32>
    %iota3A = tpu.iota {dimensions = array<i32: 1>} : vector<2048x16xi32>
    %eq3A = vector.broadcast %broadcast_in_dim3A : vector<2048x1xf32> to vector<2048x16xf32>
    %eq3A_11 = arith.cmpf oeq, %dot_general3A_5, %eq3A : vector<2048x16xf32>
    %jit3A = arith.constant 16 : i32
    %broadcast_in_dim3A_12 = vector.broadcast %jit3A : i32 to vector<2048x16xi32>
    %select_n3A = arith.select %eq3A_11, %iota3A, %broadcast_in_dim3A_12 : vector<2048x16xi1>, vector<2048x16xi32>
    %reduce_min3A = arith.constant dense<2147483647> : vector<2048xi32>
    %reduce_min3A_13 = vector.multi_reduction <minsi>, %select_n3A, %reduce_min3A [1] : vector<2048x16xi32> to vector<2048xi32>
    %broadcast_in_dim3A_14 = vector.shape_cast %reduce_min3A_13 : vector<2048xi32> to vector<2048x1xi32>
    %eq3A_15 = vector.broadcast %broadcast_in_dim3A_14 : vector<2048x1xi32> to vector<2048x16xi32>
    %eq3A_16 = arith.cmpi eq, %iota3A, %eq3A_15 : vector<2048x16xi32>
    %convert_element_type3A = arith.extui %eq3A_16 : vector<2048x16xi1> to vector<2048x16xi32>
    %convert_element_type3A_17 = arith.sitofp %convert_element_type3A : vector<2048x16xi32> to vector<2048x16xf32>
    %mul3A = arith.mulf %div3A_10, %convert_element_type3A_17 : vector<2048x16xf32>
    %reduce_sum3A_18 = arith.constant dense<0.000000e+00> : vector<2048xf32>
    %reduce_sum3A_19 = vector.multi_reduction <add>, %mul3A, %reduce_sum3A_18 [1] : vector<2048x16xf32> to vector<2048xf32>
    %broadcast_in_dim3A_20 = vector.shape_cast %reduce_sum3A_19 : vector<2048xf32> to vector<2048x1xf32>
    %broadcast_in_dim3A_21 = vector.shape_cast %broadcast_in_dim3A_20 : vector<2048x1xf32> to vector<2048x1xf32>
    %broadcast_in_dim3A_22 = vector.broadcast %broadcast_in_dim3A_21 : vector<2048x1xf32> to vector<2048x128xf32>
    %swap3A = arith.constant 0 : index
    %swap3A_23 = arith.constant 0 : index
    %swap3A_24 = vector.load %arg10[%swap3A, %swap3A_23] : memref<2048x128xf32, #tpu.memory_space<vmem>>, vector<2048x128xf32>
    tpu.vector_store %arg10[%swap3A, %swap3A_23], %broadcast_in_dim3A_22 {strides = array<i32>} : memref<2048x128xf32, #tpu.memory_space<vmem>>, vector<2048x128xf32>,
    %reduce_sum3A_25 = arith.constant dense<0.000000e+00> : vector<16xf32>
    %reduce_sum3A_26 = vector.multi_reduction <add>, %convert_element_type3A_17, %reduce_sum3A_25 [0] : vector<2048x16xf32> to vector<16xf32>
    %broadcast_in_dim3A_27 = vector.shape_cast %reduce_sum3A_26 : vector<16xf32> to vector<1x16xf32>
    %iota3A_28 = tpu.iota {dimensions = array<i32: 0>} : vector<16x16xi32>
    %iota3A_29 = tpu.iota {dimensions = array<i32: 1>} : vector<16x16xi32>
    %lt3A = arith.cmpi slt, %iota3A_28, %iota3A_29 : vector<16x16xi32>
    %convert_element_type3A_30 = arith.extui %lt3A : vector<16x16xi1> to vector<16x16xi32>
    %convert_element_type3A_31 = arith.sitofp %convert_element_type3A_30 : vector<16x16xi32> to vector<16x16xf32>
    %broadcast_in_dim3A_32 = vector.shape_cast %broadcast_in_dim3A_27 : vector<1x16xf32> to vector<1x16xf32>
    %broadcast_in_dim3A_33 = vector.broadcast %broadcast_in_dim3A_32 : vector<1x16xf32> to vector<8x16xf32>
    %dot_general3A_34 = arith.constant dense<0.000000e+00> : vector<8x16xf32>
    %dot_general3A_35 = tpu.matmul %broadcast_in_dim3A_33, %convert_element_type3A_31, %dot_general3A_34 {dimension_numbers = #tpu.dot_dimension_numbers<[1], [0], [0], [1], [0, 0, 1, 1], [], []>, transpose_lhs_hint = false} : vector<8x16xf32>, vector<16x16xf32>, vector<8x16xf32> -> vector<8x16xf32>
    %slice3A = vector.extract_strided_slice %dot_general3A_35 {offsets = [0, 0], sizes = [1, 16], strides = [1, 1]} : vector<8x16xf32> to vector<1x16xf32>
    %lt3A_36 = arith.cmpi slt, %iota3A_29, %iota3A_28 : vector<16x16xi32>
    %convert_element_type3A_37 = arith.extui %lt3A_36 : vector<16x16xi1> to vector<16x16xi32>
    %convert_element_type3A_38 = arith.sitofp %convert_element_type3A_37 : vector<16x16xi32> to vector<16x16xf32>
    %reshape3A = vector.shape_cast %convert_element_type3A_17 : vector<2048x16xf32> to vector<16x128x16xf32>
    %reduce_sum3A_39 = arith.constant dense<0.000000e+00> : vector<16x16xf32>
    %reduce_sum3A_40 = vector.multi_reduction <add>, %reshape3A, %reduce_sum3A_39 [1] : vector<16x128x16xf32> to vector<16x16xf32>
    %dot_general3A_41 = arith.constant dense<0.000000e+00> : vector<16x16xf32>
    %dot_general3A_42 = tpu.matmul %convert_element_type3A_38, %reduce_sum3A_40, %dot_general3A_41 {dimension_numbers = #tpu.dot_dimension_numbers<[1], [0], [0], [1], [0, 0, 1, 1], [], []>, transpose_lhs_hint = false} : vector<16x16xf32>, vector<16x16xf32>, vector<16x16xf32> -> vector<16x16xf32>
    %iota3A_43 = tpu.iota {dimensions = array<i32: 0>} : vector<128x128xi32>
    %iota3A_44 = tpu.iota {dimensions = array<i32: 1>} : vector<128x128xi32>
    %lt3A_45 = arith.cmpi slt, %iota3A_44, %iota3A_43 : vector<128x128xi32>
    %convert_element_type3A_46 = arith.extui %lt3A_45 : vector<128x128xi1> to vector<128x128xi32>
    %convert_element_type3A_47 = arith.sitofp %convert_element_type3A_46 : vector<128x128xi32> to vector<128x128xf32>
    %reshape3A_48 = vector.shape_cast %convert_element_type3A_17 : vector<2048x16xf32> to vector<16x128x16xf32>
    %slice3A_49 = vector.extract_strided_slice %reshape3A_48 {offsets = [0, 0, 0], sizes = [1, 128, 16], strides = [1, 1, 1]} : vector<16x128x16xf32> to vector<1x128x16xf32>
    %squeeze3A = vector.shape_cast %slice3A_49 : vector<1x128x16xf32> to vector<128x16xf32>
    %dot_general3A_50 = arith.constant dense<0.000000e+00> : vector<128x16xf32>
    %dot_general3A_51 = tpu.matmul %convert_element_type3A_47, %squeeze3A, %dot_general3A_50 {dimension_numbers = #tpu.dot_dimension_numbers<[1], [0], [0], [1], [0, 0, 1, 1], [], []>, transpose_lhs_hint = false} : vector<128x128xf32>, vector<128x16xf32>, vector<128x16xf32> -> vector<128x16xf32>
    %slice3A_52 = vector.extract_strided_slice %dot_general3A_42 {offsets = [0, 0], sizes = [1, 16], strides = [1, 1]} : vector<16x16xf32> to vector<1x16xf32>
    %add3A = vector.broadcast %slice3A_52 : vector<1x16xf32> to vector<128x16xf32>
    %add3A_53 = arith.addf %dot_general3A_51, %add3A : vector<128x16xf32>
    %mul3A_54 = arith.mulf %add3A_53, %squeeze3A : vector<128x16xf32>
    %reduce_sum3A_55 = arith.constant dense<0.000000e+00> : vector<128xf32>
    %reduce_sum3A_56 = vector.multi_reduction <add>, %mul3A_54, %reduce_sum3A_55 [1] : vector<128x16xf32> to vector<128xf32>
    %broadcast_in_dim3A_57 = vector.shape_cast %reduce_sum3A_56 : vector<128xf32> to vector<128x1xf32>
    %mul3A_58 = vector.broadcast %slice3A : vector<1x16xf32> to vector<128x16xf32>
    %mul3A_59 = arith.mulf %mul3A_58, %squeeze3A : vector<128x16xf32>
    %reduce_sum3A_60 = arith.constant dense<0.000000e+00> : vector<128xf32>
    %reduce_sum3A_61 = vector.multi_reduction <add>, %mul3A_59, %reduce_sum3A_60 [1] : vector<128x16xf32> to vector<128xf32>
    %broadcast_in_dim3A_62 = vector.shape_cast %reduce_sum3A_61 : vector<128xf32> to vector<128x1xf32>
    %add3A_63 = arith.addf %broadcast_in_dim3A_57, %broadcast_in_dim3A_62 : vector<128x1xf32>
    %convert_element_type3A_64 = arith.fptosi %add3A_63 : vector<128x1xf32> to vector<128x1xi32>
    %reshape3A_65 = vector.shape_cast %convert_element_type3A_64 : vector<128x1xi32> to vector<2x64xi32>
    %swap3A_66 = arith.constant 0 : index
    %swap3A_67 = arith.constant 0 : index
    %swap3A_68 = vector.load %arg8[%swap3A_66, %swap3A_67] : memref<32x64xi32, #tpu.memory_space<vmem>>, vector<2x64xi32>
    tpu.vector_store %arg8[%swap3A_66, %swap3A_67], %reshape3A_65 {strides = array<i32>} : memref<32x64xi32, #tpu.memory_space<vmem>>, vector<2x64xi32>,
    %reshape3A_69 = vector.shape_cast %convert_element_type3A_17 : vector<2048x16xf32> to vector<16x128x16xf32>
    %slice3A_70 = vector.extract_strided_slice %reshape3A_69 {offsets = [1, 0, 0], sizes = [1, 128, 16], strides = [1, 1, 1]} : vector<16x128x16xf32> to vector<1x128x16xf32>
    %squeeze3A_71 = vector.shape_cast %slice3A_70 : vector<1x128x16xf32> to vector<128x16xf32>
    %dot_general3A_72 = arith.constant dense<0.000000e+00> : vector<128x16xf32>
    %dot_general3A_73 = tpu.matmul %convert_element_type3A_47, %squeeze3A_71, %dot_general3A_72 {dimension_numbers = #tpu.dot_dimension_numbers<[1], [0], [0], [1], [0, 0, 1, 1], [], []>, transpose_lhs_hint = false} : vector<128x128xf32>, vector<128x16xf32>, vector<128x16xf32> -> vector<128x16xf32>
    %slice3A_74 = vector.extract_strided_slice %dot_general3A_42 {offsets = [1, 0], sizes = [1, 16], strides = [1, 1]} : vector<16x16xf32> to vector<1x16xf32>
    %add3A_75 = vector.broadcast %slice3A_74 : vector<1x16xf32> to vector<128x16xf32>
    %add3A_76 = arith.addf %dot_general3A_73, %add3A_75 : vector<128x16xf32>
    %mul3A_77 = arith.mulf %add3A_76, %squeeze3A_71 : vector<128x16xf32>
    %reduce_sum3A_78 = arith.constant dense<0.000000e+00> : vector<128xf32>
    %reduce_sum3A_79 = vector.multi_reduction <add>, %mul3A_77, %reduce_sum3A_78 [1] : vector<128x16xf32> to vector<128xf32>
    %broadcast_in_dim3A_80 = vector.shape_cast %reduce_sum3A_79 : vector<128xf32> to vector<128x1xf32>
    %mul3A_81 = vector.broadcast %slice3A : vector<1x16xf32> to vector<128x16xf32>
    %mul3A_82 = arith.mulf %mul3A_81, %squeeze3A_71 : vector<128x16xf32>
    %reduce_sum3A_83 = arith.constant dense<0.000000e+00> : vector<128xf32>
    %reduce_sum3A_84 = vector.multi_reduction <add>, %mul3A_82, %reduce_sum3A_83 [1] : vector<128x16xf32> to vector<128xf32>
    %broadcast_in_dim3A_85 = vector.shape_cast %reduce_sum3A_84 : vector<128xf32> to vector<128x1xf32>
    %add3A_86 = arith.addf %broadcast_in_dim3A_80, %broadcast_in_dim3A_85 : vector<128x1xf32>
    %convert_element_type3A_87 = arith.fptosi %add3A_86 : vector<128x1xf32> to vector<128x1xi32>
    %reshape3A_88 = vector.shape_cast %convert_element_type3A_87 : vector<128x1xi32> to vector<2x64xi32>
    %swap3A_89 = arith.constant 2 : index
    %swap3A_90 = arith.constant 0 : index
    %swap3A_91 = vector.load %arg8[%swap3A_89, %swap3A_90] : memref<32x64xi32, #tpu.memory_space<vmem>>, vector<2x64xi32>
    tpu.vector_store %arg8[%swap3A_89, %swap3A_90], %reshape3A_88 {strides = array<i32>} : memref<32x64xi32, #tpu.memory_space<vmem>>, vector<2x64xi32>,
    %reshape3A_92 = vector.shape_cast %convert_element_type3A_17 : vector<2048x16xf32> to vector<16x128x16xf32>
    %slice3A_93 = vector.extract_strided_slice %reshape3A_92 {offsets = [2, 0, 0], sizes = [1, 128, 16], strides = [1, 1, 1]} : vector<16x128x16xf32> to vector<1x128x16xf32>
    %squeeze3A_94 = vector.shape_cast %slice3A_93 : vector<1x128x16xf32> to vector<128x16xf32>
    %dot_general3A_95 = arith.constant dense<0.000000e+00> : vector<128x16xf32>
    %dot_general3A_96 = tpu.matmul %convert_element_type3A_47, %squeeze3A_94, %dot_general3A_95 {dimension_numbers = #tpu.dot_dimension_numbers<[1], [0], [0], [1], [0, 0, 1, 1], [], []>, transpose_lhs_hint = false} : vector<128x128xf32>, vector<128x16xf32>, vector<128x16xf32> -> vector<128x16xf32>
    %slice3A_97 = vector.extract_strided_slice %dot_general3A_42 {offsets = [2, 0], sizes = [1, 16], strides = [1, 1]} : vector<16x16xf32> to vector<1x16xf32>
    %add3A_98 = vector.broadcast %slice3A_97 : vector<1x16xf32> to vector<128x16xf32>
    %add3A_99 = arith.addf %dot_general3A_96, %add3A_98 : vector<128x16xf32>
    %mul3A_100 = arith.mulf %add3A_99, %squeeze3A_94 : vector<128x16xf32>
    %reduce_sum3A_101 = arith.constant dense<0.000000e+00> : vector<128xf32>
    %reduce_sum3A_102 = vector.multi_reduction <add>, %mul3A_100, %reduce_sum3A_101 [1] : vector<128x16xf32> to vector<128xf32>
    %broadcast_in_dim3A_103 = vector.shape_cast %reduce_sum3A_102 : vector<128xf32> to vector<128x1xf32>
    %mul3A_104 = vector.broadcast %slice3A : vector<1x16xf32> to vector<128x16xf32>
    %mul3A_105 = arith.mulf %mul3A_104, %squeeze3A_94 : vector<128x16xf32>
    %reduce_sum3A_106 = arith.constant dense<0.000000e+00> : vector<128xf32>
    %reduce_sum3A_107 = vector.multi_reduction <add>, %mul3A_105, %reduce_sum3A_106 [1] : vector<128x16xf32> to vector<128xf32>
    %broadcast_in_dim3A_108 = vector.shape_cast %reduce_sum3A_107 : vector<128xf32> to vector<128x1xf32>
    %add3A_109 = arith.addf %broadcast_in_dim3A_103, %broadcast_in_dim3A_108 : vector<128x1xf32>
    %convert_element_type3A_110 = arith.fptosi %add3A_109 : vector<128x1xf32> to vector<128x1xi32>
    %reshape3A_111 = vector.shape_cast %convert_element_type3A_110 : vector<128x1xi32> to vector<2x64xi32>
    %swap3A_112 = arith.constant 4 : index
    %swap3A_113 = arith.constant 0 : index
    %swap3A_114 = vector.load %arg8[%swap3A_112, %swap3A_113] : memref<32x64xi32, #tpu.memory_space<vmem>>, vector<2x64xi32>
    tpu.vector_store %arg8[%swap3A_112, %swap3A_113], %reshape3A_111 {strides = array<i32>} : memref<32x64xi32, #tpu.memory_space<vmem>>, vector<2x64xi32>,
    %reshape3A_115 = vector.shape_cast %convert_element_type3A_17 : vector<2048x16xf32> to vector<16x128x16xf32>
    %slice3A_116 = vector.extract_strided_slice %reshape3A_115 {offsets = [3, 0, 0], sizes = [1, 128, 16], strides = [1, 1, 1]} : vector<16x128x16xf32> to vector<1x128x16xf32>
    %squeeze3A_117 = vector.shape_cast %slice3A_116 : vector<1x128x16xf32> to vector<128x16xf32>
    %dot_general3A_118 = arith.constant dense<0.000000e+00> : vector<128x16xf32>
    %dot_general3A_119 = tpu.matmul %convert_element_type3A_47, %squeeze3A_117, %dot_general3A_118 {dimension_numbers = #tpu.dot_dimension_numbers<[1], [0], [0], [1], [0, 0, 1, 1], [], []>, transpose_lhs_hint = false} : vector<128x128xf32>, vector<128x16xf32>, vector<128x16xf32> -> vector<128x16xf32>
    %slice3A_120 = vector.extract_strided_slice %dot_general3A_42 {offsets = [3, 0], sizes = [1, 16], strides = [1, 1]} : vector<16x16xf32> to vector<1x16xf32>
    %add3A_121 = vector.broadcast %slice3A_120 : vector<1x16xf32> to vector<128x16xf32>
    %add3A_122 = arith.addf %dot_general3A_119, %add3A_121 : vector<128x16xf32>
    %mul3A_123 = arith.mulf %add3A_122, %squeeze3A_117 : vector<128x16xf32>
    %reduce_sum3A_124 = arith.constant dense<0.000000e+00> : vector<128xf32>
    %reduce_sum3A_125 = vector.multi_reduction <add>, %mul3A_123, %reduce_sum3A_124 [1] : vector<128x16xf32> to vector<128xf32>
    %broadcast_in_dim3A_126 = vector.shape_cast %reduce_sum3A_125 : vector<128xf32> to vector<128x1xf32>
    %mul3A_127 = vector.broadcast %slice3A : vector<1x16xf32> to vector<128x16xf32>
    %mul3A_128 = arith.mulf %mul3A_127, %squeeze3A_117 : vector<128x16xf32>
    %reduce_sum3A_129 = arith.constant dense<0.000000e+00> : vector<128xf32>
    %reduce_sum3A_130 = vector.multi_reduction <add>, %mul3A_128, %reduce_sum3A_129 [1] : vector<128x16xf32> to vector<128xf32>
    %broadcast_in_dim3A_131 = vector.shape_cast %reduce_sum3A_130 : vector<128xf32> to vector<128x1xf32>
    %add3A_132 = arith.addf %broadcast_in_dim3A_126, %broadcast_in_dim3A_131 : vector<128x1xf32>
    %convert_element_type3A_133 = arith.fptosi %add3A_132 : vector<128x1xf32> to vector<128x1xi32>
    %reshape3A_134 = vector.shape_cast %convert_element_type3A_133 : vector<128x1xi32> to vector<2x64xi32>
    %swap3A_135 = arith.constant 6 : index
    %swap3A_136 = arith.constant 0 : index
    %swap3A_137 = vector.load %arg8[%swap3A_135, %swap3A_136] : memref<32x64xi32, #tpu.memory_space<vmem>>, vector<2x64xi32>
    tpu.vector_store %arg8[%swap3A_135, %swap3A_136], %reshape3A_134 {strides = array<i32>} : memref<32x64xi32, #tpu.memory_space<vmem>>, vector<2x64xi32>,
    %reshape3A_138 = vector.shape_cast %convert_element_type3A_17 : vector<2048x16xf32> to vector<16x128x16xf32>
    %slice3A_139 = vector.extract_strided_slice %reshape3A_138 {offsets = [4, 0, 0], sizes = [1, 128, 16], strides = [1, 1, 1]} : vector<16x128x16xf32> to vector<1x128x16xf32>
    %squeeze3A_140 = vector.shape_cast %slice3A_139 : vector<1x128x16xf32> to vector<128x16xf32>
    %dot_general3A_141 = arith.constant dense<0.000000e+00> : vector<128x16xf32>
    %dot_general3A_142 = tpu.matmul %convert_element_type3A_47, %squeeze3A_140, %dot_general3A_141 {dimension_numbers = #tpu.dot_dimension_numbers<[1], [0], [0], [1], [0, 0, 1, 1], [], []>, transpose_lhs_hint = false} : vector<128x128xf32>, vector<128x16xf32>, vector<128x16xf32> -> vector<128x16xf32>
    %slice3A_143 = vector.extract_strided_slice %dot_general3A_42 {offsets = [4, 0], sizes = [1, 16], strides = [1, 1]} : vector<16x16xf32> to vector<1x16xf32>
    %add3A_144 = vector.broadcast %slice3A_143 : vector<1x16xf32> to vector<128x16xf32>
    %add3A_145 = arith.addf %dot_general3A_142, %add3A_144 : vector<128x16xf32>
    %mul3A_146 = arith.mulf %add3A_145, %squeeze3A_140 : vector<128x16xf32>
    %reduce_sum3A_147 = arith.constant dense<0.000000e+00> : vector<128xf32>
    %reduce_sum3A_148 = vector.multi_reduction <add>, %mul3A_146, %reduce_sum3A_147 [1] : vector<128x16xf32> to vector<128xf32>
    %broadcast_in_dim3A_149 = vector.shape_cast %reduce_sum3A_148 : vector<128xf32> to vector<128x1xf32>
    %mul3A_150 = vector.broadcast %slice3A : vector<1x16xf32> to vector<128x16xf32>
    %mul3A_151 = arith.mulf %mul3A_150, %squeeze3A_140 : vector<128x16xf32>
    %reduce_sum3A_152 = arith.constant dense<0.000000e+00> : vector<128xf32>
    %reduce_sum3A_153 = vector.multi_reduction <add>, %mul3A_151, %reduce_sum3A_152 [1] : vector<128x16xf32> to vector<128xf32>
    %broadcast_in_dim3A_154 = vector.shape_cast %reduce_sum3A_153 : vector<128xf32> to vector<128x1xf32>
    %add3A_155 = arith.addf %broadcast_in_dim3A_149, %broadcast_in_dim3A_154 : vector<128x1xf32>
    %convert_element_type3A_156 = arith.fptosi %add3A_155 : vector<128x1xf32> to vector<128x1xi32>
    %reshape3A_157 = vector.shape_cast %convert_element_type3A_156 : vector<128x1xi32> to vector<2x64xi32>
    %swap3A_158 = arith.constant 8 : index
    %swap3A_159 = arith.constant 0 : index
    %swap3A_160 = vector.load %arg8[%swap3A_158, %swap3A_159] : memref<32x64xi32, #tpu.memory_space<vmem>>, vector<2x64xi32>
    tpu.vector_store %arg8[%swap3A_158, %swap3A_159], %reshape3A_157 {strides = array<i32>} : memref<32x64xi32, #tpu.memory_space<vmem>>, vector<2x64xi32>,
    %reshape3A_161 = vector.shape_cast %convert_element_type3A_17 : vector<2048x16xf32> to vector<16x128x16xf32>
    %slice3A_162 = vector.extract_strided_slice %reshape3A_161 {offsets = [5, 0, 0], sizes = [1, 128, 16], strides = [1, 1, 1]} : vector<16x128x16xf32> to vector<1x128x16xf32>
    %squeeze3A_163 = vector.shape_cast %slice3A_162 : vector<1x128x16xf32> to vector<128x16xf32>
    %dot_general3A_164 = arith.constant dense<0.000000e+00> : vector<128x16xf32>
    %dot_general3A_165 = tpu.matmul %convert_element_type3A_47, %squeeze3A_163, %dot_general3A_164 {dimension_numbers = #tpu.dot_dimension_numbers<[1], [0], [0], [1], [0, 0, 1, 1], [], []>, transpose_lhs_hint = false} : vector<128x128xf32>, vector<128x16xf32>, vector<128x16xf32> -> vector<128x16xf32>
    %slice3A_166 = vector.extract_strided_slice %dot_general3A_42 {offsets = [5, 0], sizes = [1, 16], strides = [1, 1]} : vector<16x16xf32> to vector<1x16xf32>
    %add3A_167 = vector.broadcast %slice3A_166 : vector<1x16xf32> to vector<128x16xf32>
    %add3A_168 = arith.addf %dot_general3A_165, %add3A_167 : vector<128x16xf32>
    %mul3A_169 = arith.mulf %add3A_168, %squeeze3A_163 : vector<128x16xf32>
    %reduce_sum3A_170 = arith.constant dense<0.000000e+00> : vector<128xf32>
    %reduce_sum3A_171 = vector.multi_reduction <add>, %mul3A_169, %reduce_sum3A_170 [1] : vector<128x16xf32> to vector<128xf32>
    %broadcast_in_dim3A_172 = vector.shape_cast %reduce_sum3A_171 : vector<128xf32> to vector<128x1xf32>
    %mul3A_173 = vector.broadcast %slice3A : vector<1x16xf32> to vector<128x16xf32>
    %mul3A_174 = arith.mulf %mul3A_173, %squeeze3A_163 : vector<128x16xf32>
    %reduce_sum3A_175 = arith.constant dense<0.000000e+00> : vector<128xf32>
    %reduce_sum3A_176 = vector.multi_reduction <add>, %mul3A_174, %reduce_sum3A_175 [1] : vector<128x16xf32> to vector<128xf32>
    %broadcast_in_dim3A_177 = vector.shape_cast %reduce_sum3A_176 : vector<128xf32> to vector<128x1xf32>
    %add3A_178 = arith.addf %broadcast_in_dim3A_172, %broadcast_in_dim3A_177 : vector<128x1xf32>
    %convert_element_type3A_179 = arith.fptosi %add3A_178 : vector<128x1xf32> to vector<128x1xi32>
    %reshape3A_180 = vector.shape_cast %convert_element_type3A_179 : vector<128x1xi32> to vector<2x64xi32>
    %swap3A_181 = arith.constant 10 : index
    %swap3A_182 = arith.constant 0 : index
    %swap3A_183 = vector.load %arg8[%swap3A_181, %swap3A_182] : memref<32x64xi32, #tpu.memory_space<vmem>>, vector<2x64xi32>
    tpu.vector_store %arg8[%swap3A_181, %swap3A_182], %reshape3A_180 {strides = array<i32>} : memref<32x64xi32, #tpu.memory_space<vmem>>, vector<2x64xi32>,
    %reshape3A_184 = vector.shape_cast %convert_element_type3A_17 : vector<2048x16xf32> to vector<16x128x16xf32>
    %slice3A_185 = vector.extract_strided_slice %reshape3A_184 {offsets = [6, 0, 0], sizes = [1, 128, 16], strides = [1, 1, 1]} : vector<16x128x16xf32> to vector<1x128x16xf32>
    %squeeze3A_186 = vector.shape_cast %slice3A_185 : vector<1x128x16xf32> to vector<128x16xf32>
    %dot_general3A_187 = arith.constant dense<0.000000e+00> : vector<128x16xf32>
    %dot_general3A_188 = tpu.matmul %convert_element_type3A_47, %squeeze3A_186, %dot_general3A_187 {dimension_numbers = #tpu.dot_dimension_numbers<[1], [0], [0], [1], [0, 0, 1, 1], [], []>, transpose_lhs_hint = false} : vector<128x128xf32>, vector<128x16xf32>, vector<128x16xf32> -> vector<128x16xf32>
    %slice3A_189 = vector.extract_strided_slice %dot_general3A_42 {offsets = [6, 0], sizes = [1, 16], strides = [1, 1]} : vector<16x16xf32> to vector<1x16xf32>
    %add3A_190 = vector.broadcast %slice3A_189 : vector<1x16xf32> to vector<128x16xf32>
    %add3A_191 = arith.addf %dot_general3A_188, %add3A_190 : vector<128x16xf32>
    %mul3A_192 = arith.mulf %add3A_191, %squeeze3A_186 : vector<128x16xf32>
    %reduce_sum3A_193 = arith.constant dense<0.000000e+00> : vector<128xf32>
    %reduce_sum3A_194 = vector.multi_reduction <add>, %mul3A_192, %reduce_sum3A_193 [1] : vector<128x16xf32> to vector<128xf32>
    %broadcast_in_dim3A_195 = vector.shape_cast %reduce_sum3A_194 : vector<128xf32> to vector<128x1xf32>
    %mul3A_196 = vector.broadcast %slice3A : vector<1x16xf32> to vector<128x16xf32>
    %mul3A_197 = arith.mulf %mul3A_196, %squeeze3A_186 : vector<128x16xf32>
    %reduce_sum3A_198 = arith.constant dense<0.000000e+00> : vector<128xf32>
    %reduce_sum3A_199 = vector.multi_reduction <add>, %mul3A_197, %reduce_sum3A_198 [1] : vector<128x16xf32> to vector<128xf32>
    %broadcast_in_dim3A_200 = vector.shape_cast %reduce_sum3A_199 : vector<128xf32> to vector<128x1xf32>
    %add3A_201 = arith.addf %broadcast_in_dim3A_195, %broadcast_in_dim3A_200 : vector<128x1xf32>
    %convert_element_type3A_202 = arith.fptosi %add3A_201 : vector<128x1xf32> to vector<128x1xi32>
    %reshape3A_203 = vector.shape_cast %convert_element_type3A_202 : vector<128x1xi32> to vector<2x64xi32>
    %swap3A_204 = arith.constant 12 : index
    %swap3A_205 = arith.constant 0 : index
    %swap3A_206 = vector.load %arg8[%swap3A_204, %swap3A_205] : memref<32x64xi32, #tpu.memory_space<vmem>>, vector<2x64xi32>
    tpu.vector_store %arg8[%swap3A_204, %swap3A_205], %reshape3A_203 {strides = array<i32>} : memref<32x64xi32, #tpu.memory_space<vmem>>, vector<2x64xi32>,
    %reshape3A_207 = vector.shape_cast %convert_element_type3A_17 : vector<2048x16xf32> to vector<16x128x16xf32>
    %slice3A_208 = vector.extract_strided_slice %reshape3A_207 {offsets = [7, 0, 0], sizes = [1, 128, 16], strides = [1, 1, 1]} : vector<16x128x16xf32> to vector<1x128x16xf32>
    %squeeze3A_209 = vector.shape_cast %slice3A_208 : vector<1x128x16xf32> to vector<128x16xf32>
    %dot_general3A_210 = arith.constant dense<0.000000e+00> : vector<128x16xf32>
    %dot_general3A_211 = tpu.matmul %convert_element_type3A_47, %squeeze3A_209, %dot_general3A_210 {dimension_numbers = #tpu.dot_dimension_numbers<[1], [0], [0], [1], [0, 0, 1, 1], [], []>, transpose_lhs_hint = false} : vector<128x128xf32>, vector<128x16xf32>, vector<128x16xf32> -> vector<128x16xf32>
    %slice3A_212 = vector.extract_strided_slice %dot_general3A_42 {offsets = [7, 0], sizes = [1, 16], strides = [1, 1]} : vector<16x16xf32> to vector<1x16xf32>
    %add3A_213 = vector.broadcast %slice3A_212 : vector<1x16xf32> to vector<128x16xf32>
    %add3A_214 = arith.addf %dot_general3A_211, %add3A_213 : vector<128x16xf32>
    %mul3A_215 = arith.mulf %add3A_214, %squeeze3A_209 : vector<128x16xf32>
    %reduce_sum3A_216 = arith.constant dense<0.000000e+00> : vector<128xf32>
    %reduce_sum3A_217 = vector.multi_reduction <add>, %mul3A_215, %reduce_sum3A_216 [1] : vector<128x16xf32> to vector<128xf32>
    %broadcast_in_dim3A_218 = vector.shape_cast %reduce_sum3A_217 : vector<128xf32> to vector<128x1xf32>
    %mul3A_219 = vector.broadcast %slice3A : vector<1x16xf32> to vector<128x16xf32>
    %mul3A_220 = arith.mulf %mul3A_219, %squeeze3A_209 : vector<128x16xf32>
    %reduce_sum3A_221 = arith.constant dense<0.000000e+00> : vector<128xf32>
    %reduce_sum3A_222 = vector.multi_reduction <add>, %mul3A_220, %reduce_sum3A_221 [1] : vector<128x16xf32> to vector<128xf32>
    %broadcast_in_dim3A_223 = vector.shape_cast %reduce_sum3A_222 : vector<128xf32> to vector<128x1xf32>
    %add3A_224 = arith.addf %broadcast_in_dim3A_218, %broadcast_in_dim3A_223 : vector<128x1xf32>
    %convert_element_type3A_225 = arith.fptosi %add3A_224 : vector<128x1xf32> to vector<128x1xi32>
    %reshape3A_226 = vector.shape_cast %convert_element_type3A_225 : vector<128x1xi32> to vector<2x64xi32>
    %swap3A_227 = arith.constant 14 : index
    %swap3A_228 = arith.constant 0 : index
    %swap3A_229 = vector.load %arg8[%swap3A_227, %swap3A_228] : memref<32x64xi32, #tpu.memory_space<vmem>>, vector<2x64xi32>
    tpu.vector_store %arg8[%swap3A_227, %swap3A_228], %reshape3A_226 {strides = array<i32>} : memref<32x64xi32, #tpu.memory_space<vmem>>, vector<2x64xi32>,
    %reshape3A_230 = vector.shape_cast %convert_element_type3A_17 : vector<2048x16xf32> to vector<16x128x16xf32>
    %slice3A_231 = vector.extract_strided_slice %reshape3A_230 {offsets = [8, 0, 0], sizes = [1, 128, 16], strides = [1, 1, 1]} : vector<16x128x16xf32> to vector<1x128x16xf32>
    %squeeze3A_232 = vector.shape_cast %slice3A_231 : vector<1x128x16xf32> to vector<128x16xf32>
    %dot_general3A_233 = arith.constant dense<0.000000e+00> : vector<128x16xf32>
    %dot_general3A_234 = tpu.matmul %convert_element_type3A_47, %squeeze3A_232, %dot_general3A_233 {dimension_numbers = #tpu.dot_dimension_numbers<[1], [0], [0], [1], [0, 0, 1, 1], [], []>, transpose_lhs_hint = false} : vector<128x128xf32>, vector<128x16xf32>, vector<128x16xf32> -> vector<128x16xf32>
    %slice3A_235 = vector.extract_strided_slice %dot_general3A_42 {offsets = [8, 0], sizes = [1, 16], strides = [1, 1]} : vector<16x16xf32> to vector<1x16xf32>
    %add3A_236 = vector.broadcast %slice3A_235 : vector<1x16xf32> to vector<128x16xf32>
    %add3A_237 = arith.addf %dot_general3A_234, %add3A_236 : vector<128x16xf32>
    %mul3A_238 = arith.mulf %add3A_237, %squeeze3A_232 : vector<128x16xf32>
    %reduce_sum3A_239 = arith.constant dense<0.000000e+00> : vector<128xf32>
    %reduce_sum3A_240 = vector.multi_reduction <add>, %mul3A_238, %reduce_sum3A_239 [1] : vector<128x16xf32> to vector<128xf32>
    %broadcast_in_dim3A_241 = vector.shape_cast %reduce_sum3A_240 : vector<128xf32> to vector<128x1xf32>
    %mul3A_242 = vector.broadcast %slice3A : vector<1x16xf32> to vector<128x16xf32>
    %mul3A_243 = arith.mulf %mul3A_242, %squeeze3A_232 : vector<128x16xf32>
    %reduce_sum3A_244 = arith.constant dense<0.000000e+00> : vector<128xf32>
    %reduce_sum3A_245 = vector.multi_reduction <add>, %mul3A_243, %reduce_sum3A_244 [1] : vector<128x16xf32> to vector<128xf32>
    %broadcast_in_dim3A_246 = vector.shape_cast %reduce_sum3A_245 : vector<128xf32> to vector<128x1xf32>
    %add3A_247 = arith.addf %broadcast_in_dim3A_241, %broadcast_in_dim3A_246 : vector<128x1xf32>
    %convert_element_type3A_248 = arith.fptosi %add3A_247 : vector<128x1xf32> to vector<128x1xi32>
    %reshape3A_249 = vector.shape_cast %convert_element_type3A_248 : vector<128x1xi32> to vector<2x64xi32>
    %swap3A_250 = arith.constant 16 : index
    %swap3A_251 = arith.constant 0 : index
    %swap3A_252 = vector.load %arg8[%swap3A_250, %swap3A_251] : memref<32x64xi32, #tpu.memory_space<vmem>>, vector<2x64xi32>
    tpu.vector_store %arg8[%swap3A_250, %swap3A_251], %reshape3A_249 {strides = array<i32>} : memref<32x64xi32, #tpu.memory_space<vmem>>, vector<2x64xi32>,
    %reshape3A_253 = vector.shape_cast %convert_element_type3A_17 : vector<2048x16xf32> to vector<16x128x16xf32>
    %slice3A_254 = vector.extract_strided_slice %reshape3A_253 {offsets = [9, 0, 0], sizes = [1, 128, 16], strides = [1, 1, 1]} : vector<16x128x16xf32> to vector<1x128x16xf32>
    %squeeze3A_255 = vector.shape_cast %slice3A_254 : vector<1x128x16xf32> to vector<128x16xf32>
    %dot_general3A_256 = arith.constant dense<0.000000e+00> : vector<128x16xf32>
    %dot_general3A_257 = tpu.matmul %convert_element_type3A_47, %squeeze3A_255, %dot_general3A_256 {dimension_numbers = #tpu.dot_dimension_numbers<[1], [0], [0], [1], [0, 0, 1, 1], [], []>, transpose_lhs_hint = false} : vector<128x128xf32>, vector<128x16xf32>, vector<128x16xf32> -> vector<128x16xf32>
    %slice3A_258 = vector.extract_strided_slice %dot_general3A_42 {offsets = [9, 0], sizes = [1, 16], strides = [1, 1]} : vector<16x16xf32> to vector<1x16xf32>
    %add3A_259 = vector.broadcast %slice3A_258 : vector<1x16xf32> to vector<128x16xf32>
    %add3A_260 = arith.addf %dot_general3A_257, %add3A_259 : vector<128x16xf32>
    %mul3A_261 = arith.mulf %add3A_260, %squeeze3A_255 : vector<128x16xf32>
    %reduce_sum3A_262 = arith.constant dense<0.000000e+00> : vector<128xf32>
    %reduce_sum3A_263 = vector.multi_reduction <add>, %mul3A_261, %reduce_sum3A_262 [1] : vector<128x16xf32> to vector<128xf32>
    %broadcast_in_dim3A_264 = vector.shape_cast %reduce_sum3A_263 : vector<128xf32> to vector<128x1xf32>
    %mul3A_265 = vector.broadcast %slice3A : vector<1x16xf32> to vector<128x16xf32>
    %mul3A_266 = arith.mulf %mul3A_265, %squeeze3A_255 : vector<128x16xf32>
    %reduce_sum3A_267 = arith.constant dense<0.000000e+00> : vector<128xf32>
    %reduce_sum3A_268 = vector.multi_reduction <add>, %mul3A_266, %reduce_sum3A_267 [1] : vector<128x16xf32> to vector<128xf32>
    %broadcast_in_dim3A_269 = vector.shape_cast %reduce_sum3A_268 : vector<128xf32> to vector<128x1xf32>
    %add3A_270 = arith.addf %broadcast_in_dim3A_264, %broadcast_in_dim3A_269 : vector<128x1xf32>
    %convert_element_type3A_271 = arith.fptosi %add3A_270 : vector<128x1xf32> to vector<128x1xi32>
    %reshape3A_272 = vector.shape_cast %convert_element_type3A_271 : vector<128x1xi32> to vector<2x64xi32>
    %swap3A_273 = arith.constant 18 : index
    %swap3A_274 = arith.constant 0 : index
    %swap3A_275 = vector.load %arg8[%swap3A_273, %swap3A_274] : memref<32x64xi32, #tpu.memory_space<vmem>>, vector<2x64xi32>
    tpu.vector_store %arg8[%swap3A_273, %swap3A_274], %reshape3A_272 {strides = array<i32>} : memref<32x64xi32, #tpu.memory_space<vmem>>, vector<2x64xi32>,
    %reshape3A_276 = vector.shape_cast %convert_element_type3A_17 : vector<2048x16xf32> to vector<16x128x16xf32>
    %slice3A_277 = vector.extract_strided_slice %reshape3A_276 {offsets = [10, 0, 0], sizes = [1, 128, 16], strides = [1, 1, 1]} : vector<16x128x16xf32> to vector<1x128x16xf32>
    %squeeze3A_278 = vector.shape_cast %slice3A_277 : vector<1x128x16xf32> to vector<128x16xf32>
    %dot_general3A_279 = arith.constant dense<0.000000e+00> : vector<128x16xf32>
    %dot_general3A_280 = tpu.matmul %convert_element_type3A_47, %squeeze3A_278, %dot_general3A_279 {dimension_numbers = #tpu.dot_dimension_numbers<[1], [0], [0], [1], [0, 0, 1, 1], [], []>, transpose_lhs_hint = false} : vector<128x128xf32>, vector<128x16xf32>, vector<128x16xf32> -> vector<128x16xf32>
    %slice3A_281 = vector.extract_strided_slice %dot_general3A_42 {offsets = [10, 0], sizes = [1, 16], strides = [1, 1]} : vector<16x16xf32> to vector<1x16xf32>
    %add3A_282 = vector.broadcast %slice3A_281 : vector<1x16xf32> to vector<128x16xf32>
    %add3A_283 = arith.addf %dot_general3A_280, %add3A_282 : vector<128x16xf32>
    %mul3A_284 = arith.mulf %add3A_283, %squeeze3A_278 : vector<128x16xf32>
    %reduce_sum3A_285 = arith.constant dense<0.000000e+00> : vector<128xf32>
    %reduce_sum3A_286 = vector.multi_reduction <add>, %mul3A_284, %reduce_sum3A_285 [1] : vector<128x16xf32> to vector<128xf32>
    %broadcast_in_dim3A_287 = vector.shape_cast %reduce_sum3A_286 : vector<128xf32> to vector<128x1xf32>
    %mul3A_288 = vector.broadcast %slice3A : vector<1x16xf32> to vector<128x16xf32>
    %mul3A_289 = arith.mulf %mul3A_288, %squeeze3A_278 : vector<128x16xf32>
    %reduce_sum3A_290 = arith.constant dense<0.000000e+00> : vector<128xf32>
    %reduce_sum3A_291 = vector.multi_reduction <add>, %mul3A_289, %reduce_sum3A_290 [1] : vector<128x16xf32> to vector<128xf32>
    %broadcast_in_dim3A_292 = vector.shape_cast %reduce_sum3A_291 : vector<128xf32> to vector<128x1xf32>
    %add3A_293 = arith.addf %broadcast_in_dim3A_287, %broadcast_in_dim3A_292 : vector<128x1xf32>
    %convert_element_type3A_294 = arith.fptosi %add3A_293 : vector<128x1xf32> to vector<128x1xi32>
    %reshape3A_295 = vector.shape_cast %convert_element_type3A_294 : vector<128x1xi32> to vector<2x64xi32>
    %swap3A_296 = arith.constant 20 : index
    %swap3A_297 = arith.constant 0 : index
    %swap3A_298 = vector.load %arg8[%swap3A_296, %swap3A_297] : memref<32x64xi32, #tpu.memory_space<vmem>>, vector<2x64xi32>
    tpu.vector_store %arg8[%swap3A_296, %swap3A_297], %reshape3A_295 {strides = array<i32>} : memref<32x64xi32, #tpu.memory_space<vmem>>, vector<2x64xi32>,
    %reshape3A_299 = vector.shape_cast %convert_element_type3A_17 : vector<2048x16xf32> to vector<16x128x16xf32>
    %slice3A_300 = vector.extract_strided_slice %reshape3A_299 {offsets = [11, 0, 0], sizes = [1, 128, 16], strides = [1, 1, 1]} : vector<16x128x16xf32> to vector<1x128x16xf32>
    %squeeze3A_301 = vector.shape_cast %slice3A_300 : vector<1x128x16xf32> to vector<128x16xf32>
    %dot_general3A_302 = arith.constant dense<0.000000e+00> : vector<128x16xf32>
    %dot_general3A_303 = tpu.matmul %convert_element_type3A_47, %squeeze3A_301, %dot_general3A_302 {dimension_numbers = #tpu.dot_dimension_numbers<[1], [0], [0], [1], [0, 0, 1, 1], [], []>, transpose_lhs_hint = false} : vector<128x128xf32>, vector<128x16xf32>, vector<128x16xf32> -> vector<128x16xf32>
    %slice3A_304 = vector.extract_strided_slice %dot_general3A_42 {offsets = [11, 0], sizes = [1, 16], strides = [1, 1]} : vector<16x16xf32> to vector<1x16xf32>
    %add3A_305 = vector.broadcast %slice3A_304 : vector<1x16xf32> to vector<128x16xf32>
    %add3A_306 = arith.addf %dot_general3A_303, %add3A_305 : vector<128x16xf32>
    %mul3A_307 = arith.mulf %add3A_306, %squeeze3A_301 : vector<128x16xf32>
    %reduce_sum3A_308 = arith.constant dense<0.000000e+00> : vector<128xf32>
    %reduce_sum3A_309 = vector.multi_reduction <add>, %mul3A_307, %reduce_sum3A_308 [1] : vector<128x16xf32> to vector<128xf32>
    %broadcast_in_dim3A_310 = vector.shape_cast %reduce_sum3A_309 : vector<128xf32> to vector<128x1xf32>
    %mul3A_311 = vector.broadcast %slice3A : vector<1x16xf32> to vector<128x16xf32>
    %mul3A_312 = arith.mulf %mul3A_311, %squeeze3A_301 : vector<128x16xf32>
    %reduce_sum3A_313 = arith.constant dense<0.000000e+00> : vector<128xf32>
    %reduce_sum3A_314 = vector.multi_reduction <add>, %mul3A_312, %reduce_sum3A_313 [1] : vector<128x16xf32> to vector<128xf32>
    %broadcast_in_dim3A_315 = vector.shape_cast %reduce_sum3A_314 : vector<128xf32> to vector<128x1xf32>
    %add3A_316 = arith.addf %broadcast_in_dim3A_310, %broadcast_in_dim3A_315 : vector<128x1xf32>
    %convert_element_type3A_317 = arith.fptosi %add3A_316 : vector<128x1xf32> to vector<128x1xi32>
    %reshape3A_318 = vector.shape_cast %convert_element_type3A_317 : vector<128x1xi32> to vector<2x64xi32>
    %swap3A_319 = arith.constant 22 : index
    %swap3A_320 = arith.constant 0 : index
    %swap3A_321 = vector.load %arg8[%swap3A_319, %swap3A_320] : memref<32x64xi32, #tpu.memory_space<vmem>>, vector<2x64xi32>
    tpu.vector_store %arg8[%swap3A_319, %swap3A_320], %reshape3A_318 {strides = array<i32>} : memref<32x64xi32, #tpu.memory_space<vmem>>, vector<2x64xi32>,
    %reshape3A_322 = vector.shape_cast %convert_element_type3A_17 : vector<2048x16xf32> to vector<16x128x16xf32>
    %slice3A_323 = vector.extract_strided_slice %reshape3A_322 {offsets = [12, 0, 0], sizes = [1, 128, 16], strides = [1, 1, 1]} : vector<16x128x16xf32> to vector<1x128x16xf32>
    %squeeze3A_324 = vector.shape_cast %slice3A_323 : vector<1x128x16xf32> to vector<128x16xf32>
    %dot_general3A_325 = arith.constant dense<0.000000e+00> : vector<128x16xf32>
    %dot_general3A_326 = tpu.matmul %convert_element_type3A_47, %squeeze3A_324, %dot_general3A_325 {dimension_numbers = #tpu.dot_dimension_numbers<[1], [0], [0], [1], [0, 0, 1, 1], [], []>, transpose_lhs_hint = false} : vector<128x128xf32>, vector<128x16xf32>, vector<128x16xf32> -> vector<128x16xf32>
    %slice3A_327 = vector.extract_strided_slice %dot_general3A_42 {offsets = [12, 0], sizes = [1, 16], strides = [1, 1]} : vector<16x16xf32> to vector<1x16xf32>
    %add3A_328 = vector.broadcast %slice3A_327 : vector<1x16xf32> to vector<128x16xf32>
    %add3A_329 = arith.addf %dot_general3A_326, %add3A_328 : vector<128x16xf32>
    %mul3A_330 = arith.mulf %add3A_329, %squeeze3A_324 : vector<128x16xf32>
    %reduce_sum3A_331 = arith.constant dense<0.000000e+00> : vector<128xf32>
    %reduce_sum3A_332 = vector.multi_reduction <add>, %mul3A_330, %reduce_sum3A_331 [1] : vector<128x16xf32> to vector<128xf32>
    %broadcast_in_dim3A_333 = vector.shape_cast %reduce_sum3A_332 : vector<128xf32> to vector<128x1xf32>
    %mul3A_334 = vector.broadcast %slice3A : vector<1x16xf32> to vector<128x16xf32>
    %mul3A_335 = arith.mulf %mul3A_334, %squeeze3A_324 : vector<128x16xf32>
    %reduce_sum3A_336 = arith.constant dense<0.000000e+00> : vector<128xf32>
    %reduce_sum3A_337 = vector.multi_reduction <add>, %mul3A_335, %reduce_sum3A_336 [1] : vector<128x16xf32> to vector<128xf32>
    %broadcast_in_dim3A_338 = vector.shape_cast %reduce_sum3A_337 : vector<128xf32> to vector<128x1xf32>
    %add3A_339 = arith.addf %broadcast_in_dim3A_333, %broadcast_in_dim3A_338 : vector<128x1xf32>
    %convert_element_type3A_340 = arith.fptosi %add3A_339 : vector<128x1xf32> to vector<128x1xi32>
    %reshape3A_341 = vector.shape_cast %convert_element_type3A_340 : vector<128x1xi32> to vector<2x64xi32>
    %swap3A_342 = arith.constant 24 : index
    %swap3A_343 = arith.constant 0 : index
    %swap3A_344 = vector.load %arg8[%swap3A_342, %swap3A_343] : memref<32x64xi32, #tpu.memory_space<vmem>>, vector<2x64xi32>
    tpu.vector_store %arg8[%swap3A_342, %swap3A_343], %reshape3A_341 {strides = array<i32>} : memref<32x64xi32, #tpu.memory_space<vmem>>, vector<2x64xi32>,
    %reshape3A_345 = vector.shape_cast %convert_element_type3A_17 : vector<2048x16xf32> to vector<16x128x16xf32>
    %slice3A_346 = vector.extract_strided_slice %reshape3A_345 {offsets = [13, 0, 0], sizes = [1, 128, 16], strides = [1, 1, 1]} : vector<16x128x16xf32> to vector<1x128x16xf32>
    %squeeze3A_347 = vector.shape_cast %slice3A_346 : vector<1x128x16xf32> to vector<128x16xf32>
    %dot_general3A_348 = arith.constant dense<0.000000e+00> : vector<128x16xf32>
    %dot_general3A_349 = tpu.matmul %convert_element_type3A_47, %squeeze3A_347, %dot_general3A_348 {dimension_numbers = #tpu.dot_dimension_numbers<[1], [0], [0], [1], [0, 0, 1, 1], [], []>, transpose_lhs_hint = false} : vector<128x128xf32>, vector<128x16xf32>, vector<128x16xf32> -> vector<128x16xf32>
    %slice3A_350 = vector.extract_strided_slice %dot_general3A_42 {offsets = [13, 0], sizes = [1, 16], strides = [1, 1]} : vector<16x16xf32> to vector<1x16xf32>
    %add3A_351 = vector.broadcast %slice3A_350 : vector<1x16xf32> to vector<128x16xf32>
    %add3A_352 = arith.addf %dot_general3A_349, %add3A_351 : vector<128x16xf32>
    %mul3A_353 = arith.mulf %add3A_352, %squeeze3A_347 : vector<128x16xf32>
    %reduce_sum3A_354 = arith.constant dense<0.000000e+00> : vector<128xf32>
    %reduce_sum3A_355 = vector.multi_reduction <add>, %mul3A_353, %reduce_sum3A_354 [1] : vector<128x16xf32> to vector<128xf32>
    %broadcast_in_dim3A_356 = vector.shape_cast %reduce_sum3A_355 : vector<128xf32> to vector<128x1xf32>
    %mul3A_357 = vector.broadcast %slice3A : vector<1x16xf32> to vector<128x16xf32>
    %mul3A_358 = arith.mulf %mul3A_357, %squeeze3A_347 : vector<128x16xf32>
    %reduce_sum3A_359 = arith.constant dense<0.000000e+00> : vector<128xf32>
    %reduce_sum3A_360 = vector.multi_reduction <add>, %mul3A_358, %reduce_sum3A_359 [1] : vector<128x16xf32> to vector<128xf32>
    %broadcast_in_dim3A_361 = vector.shape_cast %reduce_sum3A_360 : vector<128xf32> to vector<128x1xf32>
    %add3A_362 = arith.addf %broadcast_in_dim3A_356, %broadcast_in_dim3A_361 : vector<128x1xf32>
    %convert_element_type3A_363 = arith.fptosi %add3A_362 : vector<128x1xf32> to vector<128x1xi32>
    %reshape3A_364 = vector.shape_cast %convert_element_type3A_363 : vector<128x1xi32> to vector<2x64xi32>
    %swap3A_365 = arith.constant 26 : index
    %swap3A_366 = arith.constant 0 : index
    %swap3A_367 = vector.load %arg8[%swap3A_365, %swap3A_366] : memref<32x64xi32, #tpu.memory_space<vmem>>, vector<2x64xi32>
    tpu.vector_store %arg8[%swap3A_365, %swap3A_366], %reshape3A_364 {strides = array<i32>} : memref<32x64xi32, #tpu.memory_space<vmem>>, vector<2x64xi32>,
    %reshape3A_368 = vector.shape_cast %convert_element_type3A_17 : vector<2048x16xf32> to vector<16x128x16xf32>
    %slice3A_369 = vector.extract_strided_slice %reshape3A_368 {offsets = [14, 0, 0], sizes = [1, 128, 16], strides = [1, 1, 1]} : vector<16x128x16xf32> to vector<1x128x16xf32>
    %squeeze3A_370 = vector.shape_cast %slice3A_369 : vector<1x128x16xf32> to vector<128x16xf32>
    %dot_general3A_371 = arith.constant dense<0.000000e+00> : vector<128x16xf32>
    %dot_general3A_372 = tpu.matmul %convert_element_type3A_47, %squeeze3A_370, %dot_general3A_371 {dimension_numbers = #tpu.dot_dimension_numbers<[1], [0], [0], [1], [0, 0, 1, 1], [], []>, transpose_lhs_hint = false} : vector<128x128xf32>, vector<128x16xf32>, vector<128x16xf32> -> vector<128x16xf32>
    %slice3A_373 = vector.extract_strided_slice %dot_general3A_42 {offsets = [14, 0], sizes = [1, 16], strides = [1, 1]} : vector<16x16xf32> to vector<1x16xf32>
    %add3A_374 = vector.broadcast %slice3A_373 : vector<1x16xf32> to vector<128x16xf32>
    %add3A_375 = arith.addf %dot_general3A_372, %add3A_374 : vector<128x16xf32>
    %mul3A_376 = arith.mulf %add3A_375, %squeeze3A_370 : vector<128x16xf32>
    %reduce_sum3A_377 = arith.constant dense<0.000000e+00> : vector<128xf32>
    %reduce_sum3A_378 = vector.multi_reduction <add>, %mul3A_376, %reduce_sum3A_377 [1] : vector<128x16xf32> to vector<128xf32>
    %broadcast_in_dim3A_379 = vector.shape_cast %reduce_sum3A_378 : vector<128xf32> to vector<128x1xf32>
    %mul3A_380 = vector.broadcast %slice3A : vector<1x16xf32> to vector<128x16xf32>
    %mul3A_381 = arith.mulf %mul3A_380, %squeeze3A_370 : vector<128x16xf32>
    %reduce_sum3A_382 = arith.constant dense<0.000000e+00> : vector<128xf32>
    %reduce_sum3A_383 = vector.multi_reduction <add>, %mul3A_381, %reduce_sum3A_382 [1] : vector<128x16xf32> to vector<128xf32>
    %broadcast_in_dim3A_384 = vector.shape_cast %reduce_sum3A_383 : vector<128xf32> to vector<128x1xf32>
    %add3A_385 = arith.addf %broadcast_in_dim3A_379, %broadcast_in_dim3A_384 : vector<128x1xf32>
    %convert_element_type3A_386 = arith.fptosi %add3A_385 : vector<128x1xf32> to vector<128x1xi32>
    %reshape3A_387 = vector.shape_cast %convert_element_type3A_386 : vector<128x1xi32> to vector<2x64xi32>
    %swap3A_388 = arith.constant 28 : index
    %swap3A_389 = arith.constant 0 : index
    %swap3A_390 = vector.load %arg8[%swap3A_388, %swap3A_389] : memref<32x64xi32, #tpu.memory_space<vmem>>, vector<2x64xi32>
    tpu.vector_store %arg8[%swap3A_388, %swap3A_389], %reshape3A_387 {strides = array<i32>} : memref<32x64xi32, #tpu.memory_space<vmem>>, vector<2x64xi32>,
    %reshape3A_391 = vector.shape_cast %convert_element_type3A_17 : vector<2048x16xf32> to vector<16x128x16xf32>
    %slice3A_392 = vector.extract_strided_slice %reshape3A_391 {offsets = [15, 0, 0], sizes = [1, 128, 16], strides = [1, 1, 1]} : vector<16x128x16xf32> to vector<1x128x16xf32>
    %squeeze3A_393 = vector.shape_cast %slice3A_392 : vector<1x128x16xf32> to vector<128x16xf32>
    %dot_general3A_394 = arith.constant dense<0.000000e+00> : vector<128x16xf32>
    %dot_general3A_395 = tpu.matmul %convert_element_type3A_47, %squeeze3A_393, %dot_general3A_394 {dimension_numbers = #tpu.dot_dimension_numbers<[1], [0], [0], [1], [0, 0, 1, 1], [], []>, transpose_lhs_hint = false} : vector<128x128xf32>, vector<128x16xf32>, vector<128x16xf32> -> vector<128x16xf32>
    %slice3A_396 = vector.extract_strided_slice %dot_general3A_42 {offsets = [15, 0], sizes = [1, 16], strides = [1, 1]} : vector<16x16xf32> to vector<1x16xf32>
    %add3A_397 = vector.broadcast %slice3A_396 : vector<1x16xf32> to vector<128x16xf32>
    %add3A_398 = arith.addf %dot_general3A_395, %add3A_397 : vector<128x16xf32>
    %mul3A_399 = arith.mulf %add3A_398, %squeeze3A_393 : vector<128x16xf32>
    %reduce_sum3A_400 = arith.constant dense<0.000000e+00> : vector<128xf32>
    %reduce_sum3A_401 = vector.multi_reduction <add>, %mul3A_399, %reduce_sum3A_400 [1] : vector<128x16xf32> to vector<128xf32>
    %broadcast_in_dim3A_402 = vector.shape_cast %reduce_sum3A_401 : vector<128xf32> to vector<128x1xf32>
    %mul3A_403 = vector.broadcast %slice3A : vector<1x16xf32> to vector<128x16xf32>
    %mul3A_404 = arith.mulf %mul3A_403, %squeeze3A_393 : vector<128x16xf32>
    %reduce_sum3A_405 = arith.constant dense<0.000000e+00> : vector<128xf32>
    %reduce_sum3A_406 = vector.multi_reduction <add>, %mul3A_404, %reduce_sum3A_405 [1] : vector<128x16xf32> to vector<128xf32>
    %broadcast_in_dim3A_407 = vector.shape_cast %reduce_sum3A_406 : vector<128xf32> to vector<128x1xf32>
    %add3A_408 = arith.addf %broadcast_in_dim3A_402, %broadcast_in_dim3A_407 : vector<128x1xf32>
    %convert_element_type3A_409 = arith.fptosi %add3A_408 : vector<128x1xf32> to vector<128x1xi32>
    %reshape3A_410 = vector.shape_cast %convert_element_type3A_409 : vector<128x1xi32> to vector<2x64xi32>
    %swap3A_411 = arith.constant 30 : index
    %swap3A_412 = arith.constant 0 : index
    %swap3A_413 = vector.load %arg8[%swap3A_411, %swap3A_412] : memref<32x64xi32, #tpu.memory_space<vmem>>, vector<2x64xi32>
    tpu.vector_store %arg8[%swap3A_411, %swap3A_412], %reshape3A_410 {strides = array<i32>} : memref<32x64xi32, #tpu.memory_space<vmem>>, vector<2x64xi32>,
    %broadcast_in_dim3A_414 = arith.constant 2.048000e+03 : f32
    %broadcast_in_dim3A_415 = vector.broadcast %broadcast_in_dim3A_414 : f32 to vector<1x16xf32>
    %concatenate3A = tpu.concatenate %slice3A, %broadcast_in_dim3A_415 in 1 : vector<1x16xf32>, vector<1x16xf32> -> vector<1x32xf32>
    %convert_element_type3A_416 = arith.fptosi %concatenate3A : vector<1x32xf32> to vector<1x32xi32>
    %swap3A_417 = arith.constant 0 : index
    %swap3A_418 = arith.constant 0 : index
    %swap3A_419 = vector.load %arg9[%swap3A_417, %swap3A_418] : memref<1x32xi32, #tpu.memory_space<vmem>>, vector<1x32xi32>
    tpu.vector_store %arg9[%swap3A_417, %swap3A_418], %convert_element_type3A_416 {strides = array<i32>} : memref<1x32xi32, #tpu.memory_space<vmem>>, vector<1x32xi32>,
    %get3A_420 = arith.constant 0 : index
    %get3A_421 = arith.constant 0 : index
    %get3A_422 = vector.load %arg0[%get3A_420, %get3A_421] : memref<2048x768xf32, #tpu.memory_space<vmem>>, vector<512x768xf32>
    %get3A_423 = arith.constant 0 : index
    %get3A_424 = arith.constant 0 : index
    %get3A_425 = vector.load %arg2[%get3A_423, %get3A_424] : memref<1024x768xf32, #tpu.memory_space<vmem>>, vector<1024x768xf32>
    %transpose3A_426 = tpu.transpose %get3A_425, [1, 0] : vector<1024x768xf32> -> vector<768x1024xf32>
    %dot_general3A_427 = arith.constant dense<0.000000e+00> : vector<512x1024xf32>
    %dot_general3A_428 = tpu.matmul %get3A_422, %transpose3A_426, %dot_general3A_427 {dimension_numbers = #tpu.dot_dimension_numbers<[1], [0], [0], [1], [0, 0, 1, 1], [], []>, transpose_lhs_hint = false} : vector<512x768xf32>, vector<768x1024xf32>, vector<512x1024xf32> -> vector<512x1024xf32>
    %get3A_429 = arith.constant 0 : index
    %get3A_430 = arith.constant 0 : index
    %get3A_431 = vector.load %arg3[%get3A_429, %get3A_430] : memref<1x1024xf32, #tpu.memory_space<vmem>>, vector<1x1024xf32>
    %add3A_432 = vector.broadcast %get3A_431 : vector<1x1024xf32> to vector<512x1024xf32>
    %add3A_433 = arith.addf %dot_general3A_428, %add3A_432 : vector<512x1024xf32>
    %get3A_434 = arith.constant 0 : index
    %get3A_435 = arith.constant 0 : index
    %get3A_436 = vector.load %arg6[%get3A_434, %get3A_435] : memref<1024x768xf32, #tpu.memory_space<vmem>>, vector<1024x768xf32>
    %transpose3A_437 = tpu.transpose %get3A_436, [1, 0] : vector<1024x768xf32> -> vector<768x1024xf32>
    %dot_general3A_438 = arith.constant dense<0.000000e+00> : vector<512x1024xf32>
    %dot_general3A_439 = tpu.matmul %get3A_422, %transpose3A_437, %dot_general3A_438 {dimension_numbers = #tpu.dot_dimension_numbers<[1], [0], [0], [1], [0, 0, 1, 1], [], []>, transpose_lhs_hint = false} : vector<512x768xf32>, vector<768x1024xf32>, vector<512x1024xf32> -> vector<512x1024xf32>
    %get3A_440 = arith.constant 0 : index
    %get3A_441 = arith.constant 0 : index
    %get3A_442 = vector.load %arg7[%get3A_440, %get3A_441] : memref<1x1024xf32, #tpu.memory_space<vmem>>, vector<1x1024xf32>
    %add3A_443 = vector.broadcast %get3A_442 : vector<1x1024xf32> to vector<512x1024xf32>
    %add3A_444 = arith.addf %dot_general3A_439, %add3A_443 : vector<512x1024xf32>
    %neg3A = arith.constant 0.000000e+00 : f32
    %neg3A_445 = vector.broadcast %neg3A : f32 to vector<512x1024xf32>
    %neg3A_446 = arith.subf %neg3A_445, %add3A_433 : vector<512x1024xf32>
    %exp3A_447 = math.exp %neg3A_446 : vector<512x1024xf32>
    %add3A_448 = arith.constant 1.000000e+00 : f32
    %add3A_449 = vector.broadcast %add3A_448 : f32 to vector<512x1024xf32>
    %add3A_450 = arith.addf %add3A_449, %exp3A_447 : vector<512x1024xf32>
    %div3A_451 = arith.constant 1.000000e+00 : f32
    %div3A_452 = vector.broadcast %div3A_451 : f32 to vector<512x1024xf32>
    %div3A_453 = arith.divf %div3A_452, %add3A_450 : vector<512x1024xf32>
    %mul3A_454 = arith.mulf %add3A_433, %div3A_453 : vector<512x1024xf32>
    %mul3A_455 = arith.mulf %mul3A_454, %add3A_444 : vector<512x1024xf32>
    %get3A_456 = arith.constant 0 : index
    %get3A_457 = arith.constant 0 : index
    %get3A_458 = vector.load %arg4[%get3A_456, %get3A_457] : memref<768x1024xf32, #tpu.memory_space<vmem>>, vector<768x1024xf32>
    %transpose3A_459 = tpu.transpose %get3A_458, [1, 0] : vector<768x1024xf32> -> vector<1024x768xf32>
    %dot_general3A_460 = arith.constant dense<0.000000e+00> : vector<512x768xf32>
    %dot_general3A_461 = tpu.matmul %mul3A_455, %transpose3A_459, %dot_general3A_460 {dimension_numbers = #tpu.dot_dimension_numbers<[1], [0], [0], [1], [0, 0, 1, 1], [], []>, transpose_lhs_hint = false} : vector<512x1024xf32>, vector<1024x768xf32>, vector<512x768xf32> -> vector<512x768xf32>
    %get3A_462 = arith.constant 0 : index
    %get3A_463 = arith.constant 0 : index
    %get3A_464 = vector.load %arg5[%get3A_462, %get3A_463] : memref<1x768xf32, #tpu.memory_space<vmem>>, vector<1x768xf32>
    %add3A_465 = vector.broadcast %get3A_464 : vector<1x768xf32> to vector<512x768xf32>
    %add3A_466 = arith.addf %dot_general3A_461, %add3A_465 : vector<512x768xf32>
    %swap3A_467 = arith.constant 0 : index
    %swap3A_468 = arith.constant 0 : index
    %swap3A_469 = vector.load %arg11[%swap3A_467, %swap3A_468] : memref<2048x768xf32, #tpu.memory_space<vmem>>, vector<512x768xf32>
    tpu.vector_store %arg11[%swap3A_467, %swap3A_468], %add3A_466 {strides = array<i32>} : memref<2048x768xf32, #tpu.memory_space<vmem>>, vector<512x768xf32>,
    %get3A_470 = arith.constant 512 : index
    %get3A_471 = arith.constant 0 : index
    %get3A_472 = vector.load %arg0[%get3A_470, %get3A_471] : memref<2048x768xf32, #tpu.memory_space<vmem>>, vector<512x768xf32>
    %get3A_473 = arith.constant 0 : index
    %get3A_474 = arith.constant 0 : index
    %get3A_475 = vector.load %arg2[%get3A_473, %get3A_474] : memref<1024x768xf32, #tpu.memory_space<vmem>>, vector<1024x768xf32>
    %transpose3A_476 = tpu.transpose %get3A_475, [1, 0] : vector<1024x768xf32> -> vector<768x1024xf32>
    %dot_general3A_477 = arith.constant dense<0.000000e+00> : vector<512x1024xf32>
    %dot_general3A_478 = tpu.matmul %get3A_472, %transpose3A_476, %dot_general3A_477 {dimension_numbers = #tpu.dot_dimension_numbers<[1], [0], [0], [1], [0, 0, 1, 1], [], []>, transpose_lhs_hint = false} : vector<512x768xf32>, vector<768x1024xf32>, vector<512x1024xf32> -> vector<512x1024xf32>
    %get3A_479 = arith.constant 0 : index
    %get3A_480 = arith.constant 0 : index
    %get3A_481 = vector.load %arg3[%get3A_479, %get3A_480] : memref<1x1024xf32, #tpu.memory_space<vmem>>, vector<1x1024xf32>
    %add3A_482 = vector.broadcast %get3A_481 : vector<1x1024xf32> to vector<512x1024xf32>
    %add3A_483 = arith.addf %dot_general3A_478, %add3A_482 : vector<512x1024xf32>
    %get3A_484 = arith.constant 0 : index
    %get3A_485 = arith.constant 0 : index
    %get3A_486 = vector.load %arg6[%get3A_484, %get3A_485] : memref<1024x768xf32, #tpu.memory_space<vmem>>, vector<1024x768xf32>
    %transpose3A_487 = tpu.transpose %get3A_486, [1, 0] : vector<1024x768xf32> -> vector<768x1024xf32>
    %dot_general3A_488 = arith.constant dense<0.000000e+00> : vector<512x1024xf32>
    %dot_general3A_489 = tpu.matmul %get3A_472, %transpose3A_487, %dot_general3A_488 {dimension_numbers = #tpu.dot_dimension_numbers<[1], [0], [0], [1], [0, 0, 1, 1], [], []>, transpose_lhs_hint = false} : vector<512x768xf32>, vector<768x1024xf32>, vector<512x1024xf32> -> vector<512x1024xf32>
    %get3A_490 = arith.constant 0 : index
    %get3A_491 = arith.constant 0 : index
    %get3A_492 = vector.load %arg7[%get3A_490, %get3A_491] : memref<1x1024xf32, #tpu.memory_space<vmem>>, vector<1x1024xf32>
    %add3A_493 = vector.broadcast %get3A_492 : vector<1x1024xf32> to vector<512x1024xf32>
    %add3A_494 = arith.addf %dot_general3A_489, %add3A_493 : vector<512x1024xf32>
    %neg3A_495 = arith.constant 0.000000e+00 : f32
    %neg3A_496 = vector.broadcast %neg3A_495 : f32 to vector<512x1024xf32>
    %neg3A_497 = arith.subf %neg3A_496, %add3A_483 : vector<512x1024xf32>
    %exp3A_498 = math.exp %neg3A_497 : vector<512x1024xf32>
    %add3A_499 = arith.constant 1.000000e+00 : f32
    %add3A_500 = vector.broadcast %add3A_499 : f32 to vector<512x1024xf32>
    %add3A_501 = arith.addf %add3A_500, %exp3A_498 : vector<512x1024xf32>
    %div3A_502 = arith.constant 1.000000e+00 : f32
    %div3A_503 = vector.broadcast %div3A_502 : f32 to vector<512x1024xf32>
    %div3A_504 = arith.divf %div3A_503, %add3A_501 : vector<512x1024xf32>
    %mul3A_505 = arith.mulf %add3A_483, %div3A_504 : vector<512x1024xf32>
    %mul3A_506 = arith.mulf %mul3A_505, %add3A_494 : vector<512x1024xf32>
    %get3A_507 = arith.constant 0 : index
    %get3A_508 = arith.constant 0 : index
    %get3A_509 = vector.load %arg4[%get3A_507, %get3A_508] : memref<768x1024xf32, #tpu.memory_space<vmem>>, vector<768x1024xf32>
    %transpose3A_510 = tpu.transpose %get3A_509, [1, 0] : vector<768x1024xf32> -> vector<1024x768xf32>
    %dot_general3A_511 = arith.constant dense<0.000000e+00> : vector<512x768xf32>
    %dot_general3A_512 = tpu.matmul %mul3A_506, %transpose3A_510, %dot_general3A_511 {dimension_numbers = #tpu.dot_dimension_numbers<[1], [0], [0], [1], [0, 0, 1, 1], [], []>, transpose_lhs_hint = false} : vector<512x1024xf32>, vector<1024x768xf32>, vector<512x768xf32> -> vector<512x768xf32>
    %get3A_513 = arith.constant 0 : index
    %get3A_514 = arith.constant 0 : index
    %get3A_515 = vector.load %arg5[%get3A_513, %get3A_514] : memref<1x768xf32, #tpu.memory_space<vmem>>, vector<1x768xf32>
    %add3A_516 = vector.broadcast %get3A_515 : vector<1x768xf32> to vector<512x768xf32>
    %add3A_517 = arith.addf %dot_general3A_512, %add3A_516 : vector<512x768xf32>
    %swap3A_518 = arith.constant 512 : index
    %swap3A_519 = arith.constant 0 : index
    %swap3A_520 = vector.load %arg11[%swap3A_518, %swap3A_519] : memref<2048x768xf32, #tpu.memory_space<vmem>>, vector<512x768xf32>
    tpu.vector_store %arg11[%swap3A_518, %swap3A_519], %add3A_517 {strides = array<i32>} : memref<2048x768xf32, #tpu.memory_space<vmem>>, vector<512x768xf32>,
    %get3A_521 = arith.constant 1024 : index
    %get3A_522 = arith.constant 0 : index
    %get3A_523 = vector.load %arg0[%get3A_521, %get3A_522] : memref<2048x768xf32, #tpu.memory_space<vmem>>, vector<512x768xf32>
    %get3A_524 = arith.constant 0 : index
    %get3A_525 = arith.constant 0 : index
    %get3A_526 = vector.load %arg2[%get3A_524, %get3A_525] : memref<1024x768xf32, #tpu.memory_space<vmem>>, vector<1024x768xf32>
    %transpose3A_527 = tpu.transpose %get3A_526, [1, 0] : vector<1024x768xf32> -> vector<768x1024xf32>
    %dot_general3A_528 = arith.constant dense<0.000000e+00> : vector<512x1024xf32>
    %dot_general3A_529 = tpu.matmul %get3A_523, %transpose3A_527, %dot_general3A_528 {dimension_numbers = #tpu.dot_dimension_numbers<[1], [0], [0], [1], [0, 0, 1, 1], [], []>, transpose_lhs_hint = false} : vector<512x768xf32>, vector<768x1024xf32>, vector<512x1024xf32> -> vector<512x1024xf32>
    %get3A_530 = arith.constant 0 : index
    %get3A_531 = arith.constant 0 : index
    %get3A_532 = vector.load %arg3[%get3A_530, %get3A_531] : memref<1x1024xf32, #tpu.memory_space<vmem>>, vector<1x1024xf32>
    %add3A_533 = vector.broadcast %get3A_532 : vector<1x1024xf32> to vector<512x1024xf32>
    %add3A_534 = arith.addf %dot_general3A_529, %add3A_533 : vector<512x1024xf32>
    %get3A_535 = arith.constant 0 : index
    %get3A_536 = arith.constant 0 : index
    %get3A_537 = vector.load %arg6[%get3A_535, %get3A_536] : memref<1024x768xf32, #tpu.memory_space<vmem>>, vector<1024x768xf32>
    %transpose3A_538 = tpu.transpose %get3A_537, [1, 0] : vector<1024x768xf32> -> vector<768x1024xf32>
    %dot_general3A_539 = arith.constant dense<0.000000e+00> : vector<512x1024xf32>
    %dot_general3A_540 = tpu.matmul %get3A_523, %transpose3A_538, %dot_general3A_539 {dimension_numbers = #tpu.dot_dimension_numbers<[1], [0], [0], [1], [0, 0, 1, 1], [], []>, transpose_lhs_hint = false} : vector<512x768xf32>, vector<768x1024xf32>, vector<512x1024xf32> -> vector<512x1024xf32>
    %get3A_541 = arith.constant 0 : index
    %get3A_542 = arith.constant 0 : index
    %get3A_543 = vector.load %arg7[%get3A_541, %get3A_542] : memref<1x1024xf32, #tpu.memory_space<vmem>>, vector<1x1024xf32>
    %add3A_544 = vector.broadcast %get3A_543 : vector<1x1024xf32> to vector<512x1024xf32>
    %add3A_545 = arith.addf %dot_general3A_540, %add3A_544 : vector<512x1024xf32>
    %neg3A_546 = arith.constant 0.000000e+00 : f32
    %neg3A_547 = vector.broadcast %neg3A_546 : f32 to vector<512x1024xf32>
    %neg3A_548 = arith.subf %neg3A_547, %add3A_534 : vector<512x1024xf32>
    %exp3A_549 = math.exp %neg3A_548 : vector<512x1024xf32>
    %add3A_550 = arith.constant 1.000000e+00 : f32
    %add3A_551 = vector.broadcast %add3A_550 : f32 to vector<512x1024xf32>
    %add3A_552 = arith.addf %add3A_551, %exp3A_549 : vector<512x1024xf32>
    %div3A_553 = arith.constant 1.000000e+00 : f32
    %div3A_554 = vector.broadcast %div3A_553 : f32 to vector<512x1024xf32>
    %div3A_555 = arith.divf %div3A_554, %add3A_552 : vector<512x1024xf32>
    %mul3A_556 = arith.mulf %add3A_534, %div3A_555 : vector<512x1024xf32>
    %mul3A_557 = arith.mulf %mul3A_556, %add3A_545 : vector<512x1024xf32>
    %get3A_558 = arith.constant 0 : index
    %get3A_559 = arith.constant 0 : index
    %get3A_560 = vector.load %arg4[%get3A_558, %get3A_559] : memref<768x1024xf32, #tpu.memory_space<vmem>>, vector<768x1024xf32>
    %transpose3A_561 = tpu.transpose %get3A_560, [1, 0] : vector<768x1024xf32> -> vector<1024x768xf32>
    %dot_general3A_562 = arith.constant dense<0.000000e+00> : vector<512x768xf32>
    %dot_general3A_563 = tpu.matmul %mul3A_557, %transpose3A_561, %dot_general3A_562 {dimension_numbers = #tpu.dot_dimension_numbers<[1], [0], [0], [1], [0, 0, 1, 1], [], []>, transpose_lhs_hint = false} : vector<512x1024xf32>, vector<1024x768xf32>, vector<512x768xf32> -> vector<512x768xf32>
    %get3A_564 = arith.constant 0 : index
    %get3A_565 = arith.constant 0 : index
    %get3A_566 = vector.load %arg5[%get3A_564, %get3A_565] : memref<1x768xf32, #tpu.memory_space<vmem>>, vector<1x768xf32>
    %add3A_567 = vector.broadcast %get3A_566 : vector<1x768xf32> to vector<512x768xf32>
    %add3A_568 = arith.addf %dot_general3A_563, %add3A_567 : vector<512x768xf32>
    %swap3A_569 = arith.constant 1024 : index
    %swap3A_570 = arith.constant 0 : index
    %swap3A_571 = vector.load %arg11[%swap3A_569, %swap3A_570] : memref<2048x768xf32, #tpu.memory_space<vmem>>, vector<512x768xf32>
    tpu.vector_store %arg11[%swap3A_569, %swap3A_570], %add3A_568 {strides = array<i32>} : memref<2048x768xf32, #tpu.memory_space<vmem>>, vector<512x768xf32>,
    %get3A_572 = arith.constant 1536 : index
    %get3A_573 = arith.constant 0 : index
    %get3A_574 = vector.load %arg0[%get3A_572, %get3A_573] : memref<2048x768xf32, #tpu.memory_space<vmem>>, vector<512x768xf32>
    %get3A_575 = arith.constant 0 : index
    %get3A_576 = arith.constant 0 : index
    %get3A_577 = vector.load %arg2[%get3A_575, %get3A_576] : memref<1024x768xf32, #tpu.memory_space<vmem>>, vector<1024x768xf32>
    %transpose3A_578 = tpu.transpose %get3A_577, [1, 0] : vector<1024x768xf32> -> vector<768x1024xf32>
    %dot_general3A_579 = arith.constant dense<0.000000e+00> : vector<512x1024xf32>
    %dot_general3A_580 = tpu.matmul %get3A_574, %transpose3A_578, %dot_general3A_579 {dimension_numbers = #tpu.dot_dimension_numbers<[1], [0], [0], [1], [0, 0, 1, 1], [], []>, transpose_lhs_hint = false} : vector<512x768xf32>, vector<768x1024xf32>, vector<512x1024xf32> -> vector<512x1024xf32>
    %get3A_581 = arith.constant 0 : index
    %get3A_582 = arith.constant 0 : index
    %get3A_583 = vector.load %arg3[%get3A_581, %get3A_582] : memref<1x1024xf32, #tpu.memory_space<vmem>>, vector<1x1024xf32>
    %add3A_584 = vector.broadcast %get3A_583 : vector<1x1024xf32> to vector<512x1024xf32>
    %add3A_585 = arith.addf %dot_general3A_580, %add3A_584 : vector<512x1024xf32>
    %get3A_586 = arith.constant 0 : index
    %get3A_587 = arith.constant 0 : index
    %get3A_588 = vector.load %arg6[%get3A_586, %get3A_587] : memref<1024x768xf32, #tpu.memory_space<vmem>>, vector<1024x768xf32>
    %transpose3A_589 = tpu.transpose %get3A_588, [1, 0] : vector<1024x768xf32> -> vector<768x1024xf32>
    %dot_general3A_590 = arith.constant dense<0.000000e+00> : vector<512x1024xf32>
    %dot_general3A_591 = tpu.matmul %get3A_574, %transpose3A_589, %dot_general3A_590 {dimension_numbers = #tpu.dot_dimension_numbers<[1], [0], [0], [1], [0, 0, 1, 1], [], []>, transpose_lhs_hint = false} : vector<512x768xf32>, vector<768x1024xf32>, vector<512x1024xf32> -> vector<512x1024xf32>
    %get3A_592 = arith.constant 0 : index
    %get3A_593 = arith.constant 0 : index
    %get3A_594 = vector.load %arg7[%get3A_592, %get3A_593] : memref<1x1024xf32, #tpu.memory_space<vmem>>, vector<1x1024xf32>
    %add3A_595 = vector.broadcast %get3A_594 : vector<1x1024xf32> to vector<512x1024xf32>
    %add3A_596 = arith.addf %dot_general3A_591, %add3A_595 : vector<512x1024xf32>
    %neg3A_597 = arith.constant 0.000000e+00 : f32
    %neg3A_598 = vector.broadcast %neg3A_597 : f32 to vector<512x1024xf32>
    %neg3A_599 = arith.subf %neg3A_598, %add3A_585 : vector<512x1024xf32>
    %exp3A_600 = math.exp %neg3A_599 : vector<512x1024xf32>
    %add3A_601 = arith.constant 1.000000e+00 : f32
    %add3A_602 = vector.broadcast %add3A_601 : f32 to vector<512x1024xf32>
    %add3A_603 = arith.addf %add3A_602, %exp3A_600 : vector<512x1024xf32>
    %div3A_604 = arith.constant 1.000000e+00 : f32
    %div3A_605 = vector.broadcast %div3A_604 : f32 to vector<512x1024xf32>
    %div3A_606 = arith.divf %div3A_605, %add3A_603 : vector<512x1024xf32>
    %mul3A_607 = arith.mulf %add3A_585, %div3A_606 : vector<512x1024xf32>
    %mul3A_608 = arith.mulf %mul3A_607, %add3A_596 : vector<512x1024xf32>
    %get3A_609 = arith.constant 0 : index
    %get3A_610 = arith.constant 0 : index
    %get3A_611 = vector.load %arg4[%get3A_609, %get3A_610] : memref<768x1024xf32, #tpu.memory_space<vmem>>, vector<768x1024xf32>
    %transpose3A_612 = tpu.transpose %get3A_611, [1, 0] : vector<768x1024xf32> -> vector<1024x768xf32>
    %dot_general3A_613 = arith.constant dense<0.000000e+00> : vector<512x768xf32>
    %dot_general3A_614 = tpu.matmul %mul3A_608, %transpose3A_612, %dot_general3A_613 {dimension_numbers = #tpu.dot_dimension_numbers<[1], [0], [0], [1], [0, 0, 1, 1], [], []>, transpose_lhs_hint = false} : vector<512x1024xf32>, vector<1024x768xf32>, vector<512x768xf32> -> vector<512x768xf32>
    %get3A_615 = arith.constant 0 : index
    %get3A_616 = arith.constant 0 : index
    %get3A_617 = vector.load %arg5[%get3A_615, %get3A_616] : memref<1x768xf32, #tpu.memory_space<vmem>>, vector<1x768xf32>
    %add3A_618 = vector.broadcast %get3A_617 : vector<1x768xf32> to vector<512x768xf32>
    %add3A_619 = arith.addf %dot_general3A_614, %add3A_618 : vector<512x768xf32>
    %swap3A_620 = arith.constant 1536 : index
    %swap3A_621 = arith.constant 0 : index
    %swap3A_622 = vector.load %arg11[%swap3A_620, %swap3A_621] : memref<2048x768xf32, #tpu.memory_space<vmem>>, vector<512x768xf32>
    tpu.vector_store %arg11[%swap3A_620, %swap3A_621], %add3A_619 {strides = array<i32>} : memref<2048x768xf32, #tpu.memory_space<vmem>>, vector<512x768xf32>,
    return
  }
}

</mosaic_0001>

<sc_bundles>
// kernel: kernel.6.cloned.1.call-start
scs
__scs_entry_jumppad:
0x0: {  	(pc) =	sbr.rel $0x88, $3  }
0x1: {  	(tag) =	ssettag $0x0;
	lr =	simm.s32 $0x1  }
0x2: {  	[smem:$0x3F93] =	sst lr;
	_ =	strace $0xD0000000  }
0x3: {  	_ = 	snop  }
0x4: {  	_ = 	snop  }
0x5: {  	_ = 	snop  }
0x6: {  	_ = 	snop  }
0x7: {  	_ = 	snop  }
__scs_overlays_trampoline_lowered:
0x8: {  	[smem:$0x3FA2] =	sst s0  }
0x9: {  	[smem:$0x3FA3] =	sst s1  }
0xa: {  	[smem:$0x3FA4] =	sst s2  }
0xb: {  	[smem:$0x3FA5] =	sst s3  }
0xc: {  	[smem:$0x3FA6] =	sst s4  }
0xd: {  	[smem:$0x3FA7] =	sst s5  }
0xe: {  	[smem:$0x3FA8] =	sst s6  }
0xf: {  	[smem:$0x3FA9] =	sst s7  }
0x10: {  	[smem:$0x3FAA] =	sst s8  }
0x11: {  	[smem:$0x3FAB] =	sst s9;
	s0 =	simm.s32 @!p0 $0x0  }
0x12: {  	s1 =	sld [smem:$0x3F91];
	s0 =	simm.s32 @p0 $0x1  }
0x13: {  	[smem:$0x3FAC] =	sst s0;
	s0 =	simm.s32 @!p1 $0x0  }
0x14: {  	s2 =	sld [smem:$0x3F90];
	s0 =	simm.s32 @p1 $0x1  }
0x15: {  	[smem:$0x3FAD] =	sst s0;
	s0 =	simm.s32 @!p2 $0x0  }
0x16: {  	s3 =	sld [smem:$0x3FDB];
	s0 =	simm.s32 @p2 $0x1  }
0x17: {  	s4 =	simm.s32 $0x1BF5;
	[smem:$0x3FAF] =	sst s0  }
0x18: {  	s0 =	sld [smem:$0x3F92];
	_ =	swait.ge [sflag:s4], $0x0  }
0x19: {  	s7 =	sld [smem:$0x3F93]  }
0x1a: {  	s8 =	sadd.s32 $0xFFFFE003, lr  }
0x1b: {  	s9 =	sadd.s32 $0xFFFFFEF7, lr;
	s5 =	simm.s32 $0xFFFFFFFF;
	p2 =	slt.u32 s8, $0xFFFFF086  }
0x1c: {  	p1 =	slt.u32 s9, $0xF7A;
	s5 =	simm.s32 @!p2 $0x0  }
0x1d: {  	s5 =	simm.s32 @p1 $0x1;
	p0 =	seq.s32 s7, s2  }
0x1e: {  	s7 =	smul.u32 @!p0 $0xF7A, s2;
	p2 =	seq.s32 @!p0 s5, $0x0  }
0x1f: {  	s9 =	smul.u32 $0xF7A, s1;
	s8 =	simm.s32 @!p0 $0x1BF5;
	p2 =	por !p2, p0  }
0x20: {  	[sflag:s8] =	ssyncset.s32 @!p0 $0xFFFFF086;
	s6 =	sadd.s32 @!p0 s3, s7;
	s7 =	simm.s32 @!p0 $0x108  }
0x21: {  	s3 =	sadd.s32 s3, s9;
	s6 =	sadd.s32 @!p0 $0x88, s6;
	s7 =	simm.s32 @p2 $0x1082  }
0x22: {  	[simem:s7], [sflag:s8] =	dma.local @!p0 [hbm:s6], $0xF7A  }
0x23: {  	s9 =	sor.u32 $0xD0000000, s2;
	s6 =	simm.s32 $0x108;
	_ =	swait.ge @!p0 [sflag:s8], $0x0  }
0x24: {  	s3 =	sadd.s32 $0x88, s3;
	s6 =	simm.s32 @!p1 $0x1082;
	[sflag:s4] =	ssyncset.s32 $0xFFFFF086  }
0x25: {  	[simem:s6], [sflag:s4] =	dma.local [hbm:s3], $0xF7A  }
0x26: {  	[smem:$0x3F93] =	sst s1;
	(tag) =	ssettag s2;
	_ =	strace s9  }
0x27: {  	s1 =	sld [smem:$0x3FA3]  }
0x28: {  	s2 =	sld [smem:$0x3FA4]  }
0x29: {  	s4 =	sld [smem:$0x3FA6]  }
0x2a: {  	p0 =	seq.s32 s5, $0x0;
	s5 =	sld [smem:$0x3FA7]  }
0x2b: {  	s6 =	sld [smem:$0x3FA8]  }
0x2c: {  	s7 =	sld [smem:$0x3FA9]  }
0x2d: {  	s3 =	simm.s32 $0x108;
	s8 =	sld [smem:$0x3FAA]  }
0x2e: {  	s3 =	simm.s32 @!p0 $0x1082;
	s9 =	sld [smem:$0x3FAB]  }
0x2f: {  	lr =	sadd.s32 s0, s3;
	s0 =	sld [smem:$0x3FA2]  }
0x30: {  	s3 =	sld [smem:$0x3FA5]  }
0x31: {  	[smem:$0x3FAE] =	sst s10  }
0x32: {  	s10 =	sld [smem:$0x3FAC];
	_ =	sdelay $0x3  }
0x33: {  	p0 =	seq.s32 s10, $0x1;
	s10 =	sld [smem:$0x3FAE];
	_ =	sdelay $0x3  }
0x34: {  	[smem:$0x3FAE] =	sst s10  }
0x35: {  	s10 =	sld [smem:$0x3FAD];
	_ =	sdelay $0x3  }
0x36: {  	p1 =	seq.s32 s10, $0x1;
	s10 =	sld [smem:$0x3FAE];
	_ =	sdelay $0x3  }
0x37: {  	[smem:$0x3FAE] =	sst s10  }
0x38: {  	s10 =	sld [smem:$0x3FAF]  }
0x39: {  	_ = 	snop;
	(pc) =	sbr.ind lr, $3  }
0x3a: {  	_ = 	snop  }
0x3b: {  	_ = 	snop  }
0x3c: {  	p2 =	seq.s32 s10, $0x1;
	s10 =	sld [smem:$0x3FAE]  }
0x3d: {  	_ =	shalt  }
0x3e: {  	_ =	shalt  }
0x3f: {  	_ =	shalt  }
0x40: {  	_ =	shalt  }
0x41: {  	_ =	shalt  }
0x42: {  	_ =	shalt  }
0x43: {  	_ =	shalt  }
0x44: {  	_ =	shalt  }
0x45: {  	_ =	shalt  }
0x46: {  	_ =	shalt  }
0x47: {  	_ =	shalt  }
0x48: {  	_ =	shalt  }
0x49: {  	_ =	shalt  }
0x4a: {  	_ =	shalt  }
0x4b: {  	_ =	shalt  }
0x4c: {  	_ =	shalt  }
0x4d: {  	_ =	shalt  }
0x4e: {  	_ =	shalt  }
0x4f: {  	_ =	shalt  }
0x50: {  	_ =	shalt  }
0x51: {  	_ =	shalt  }
0x52: {  	_ =	shalt  }
0x53: {  	_ =	shalt  }
0x54: {  	_ =	shalt  }
0x55: {  	_ =	shalt  }
0x56: {  	_ =	shalt  }
0x57: {  	_ =	shalt  }
0x58: {  	_ =	shalt  }
0x59: {  	_ =	shalt  }
0x5a: {  	_ =	shalt  }
0x5b: {  	_ =	shalt  }
0x5c: {  	_ =	shalt  }
0x5d: {  	_ =	shalt  }
0x5e: {  	_ =	shalt  }
0x5f: {  	_ =	shalt  }
0x60: {  	_ =	shalt  }
0x61: {  	_ =	shalt  }
0x62: {  	_ =	shalt  }
0x63: {  	_ =	shalt  }
0x64: {  	_ =	shalt  }
0x65: {  	_ =	shalt  }
0x66: {  	_ =	shalt  }
0x67: {  	_ =	shalt  }
0x68: {  	_ =	shalt  }
0x69: {  	_ =	shalt  }
0x6a: {  	_ =	shalt  }
0x6b: {  	_ =	shalt  }
0x6c: {  	_ =	shalt  }
0x6d: {  	_ =	shalt  }
0x6e: {  	_ =	shalt  }
0x6f: {  	_ =	shalt  }
0x70: {  	_ =	shalt  }
0x71: {  	_ =	shalt  }
0x72: {  	_ =	shalt  }
0x73: {  	_ =	shalt  }
0x74: {  	_ =	shalt  }
0x75: {  	_ =	shalt  }
0x76: {  	_ =	shalt  }
0x77: {  	_ =	shalt  }
0x78: {  	_ =	shalt  }
0x79: {  	_ =	shalt  }
0x7a: {  	_ =	shalt  }
0x7b: {  	_ =	shalt  }
0x7c: {  	_ =	shalt  }
0x7d: {  	_ =	shalt  }
0x7e: {  	_ =	shalt  }
0x7f: {  	_ =	shalt  }
0x80: {  	_ =	shalt  }
0x81: {  	_ =	shalt  }
0x82: {  	_ =	shalt  }
0x83: {  	_ =	shalt  }
0x84: {  	_ =	shalt  }
0x85: {  	_ =	shalt  }
0x86: {  	_ =	shalt  }
0x87: {  	_ =	shalt  }
.Lfunc_end0:
.L_simem_size_0:
called_computation_lowered:
.L_overlay_start_0:
0x88: {  	s2 =	sld [smem:$0x3FD9]  }
0x89: {  	s3 =	sld [smem:$0x3FFE];
	_ =	sdelay $0x1  }
0x8a: {  	s1 =	srdreg.scid  }
0x8b: {  	s0 =	sand.u32 $0x1, s1  }
0x8c: {  	s17 =	sshll.u32 s0, $0xA;
	s2 =	sadd.s32 s3, s2  }
0x8d: {  	s2 =	sadd.s32 s2, s17  }
0x8e: {  	[smem:$0x3FBA] =	sst s2  }
0x8f: {  	_ = 	snop  }
0x90: {  	s2 =	sld [smem:$0x3FC9]  }
0x91: {  	s18 =	sld [smem:$0x3FD0];
	(tm) =	ssettm $0x1  }
0x92: {  	s4 =	sld [smem:$0x3FFB];
	_ =	sdelay $0x3  }
0x93: {  	_ =	strace s4  }
0x94: {  	s4 =	sld [smem:$0x3FFC];
	_ =	sdelay $0x3  }
0x95: {  	_ =	strace s4  }
0x96: {  	s4 =	sld [smem:$0x3FFD];
	_ =	sdelay $0x3  }
0x97: {  	_ =	strace s4  }
0x98: {  	_ =	strace $0x8FFFFFFF  }
0x99: {  	s19 =	sld [smem:$0x3FDB];
	_ =	sdelay $0x1  }
0x9a: {  	s5 =	simm.s32 $_scs_section_size  }
0x9b: {  	s6 =	simm.s32 $_size__tile_overlayer_lowered;
	s7 =	simm.s32 $_tile_overlayer_lowered  }
0x9c: {  	s22 =	simm.s32 $0x1BFF;
	s21 =	sshll.u32 s7, $0x1;
	s4 =	sadd.s32 s5, s19  }
0x9d: {  	s8 =	simm.s32 $0x0;
	s20 =	sshll.u32 s6, $0x1;
	s6 =	sadd.s32 s21, s4  }
0x9e: {  	[timem:s8], [sflag:s22] =	dma.local [hbm:s6], s20  }
0x9f: {  	_ =	swait.ge [sflag:s22], s20  }
0xa0: {  	s5 =	ssub.s32 $0x0, s20;
	[sflag:s22] =	ssyncset.done $0x0  }
0xa1: {  	[sflag:s22] =	ssyncadd.s32 s5;
	_ =	sdelay $0x1  }
0xa2: {  	s23 =	simm.s32 $0x1B8B  }
0xa3: {  	_ =	swait.ge [sflag:s23], $0x1  }
0xa4: {  	[sflag:s23] =	ssyncset.done $0x0  }
0xa5: {  	s25 =	simm.s32 $0x1B8E;
	s24 =	sld [smem:$0x3FFE];
	[sflag:s23] =	ssyncadd.s32 $0xFFFFFFFF  }
0xa6: {  	s26 =	simm.s32 $execute0_lowered;
	[smem:$0x3FD2] =	sst s25  }
0xa7: {  	s6 =	sshll.u32 s26, $0x1;
	_ =	strace $0x80000046;
	[dreg:$0x1] =	wrdreg $0xFFFFFFFF  }
0xa8: {  	s28 =	simm.s32 $_size_execute0_lowered;
	s4 =	sadd.s32 s4, s6;
	[dreg:$0x0] =	wrdreg $0x0  }
0xa9: {  	s6 =	sshll.u32 s28, $0x1;
	[dreg:$0x2] =	wrdreg s4  }
0xaa: {  	[dreg:$0x3] =	wrdreg s6  }
0xab: {  	[dreg:$0x4] =	wrdreg $0xC0  }
0xac: {  	_ =	task [dreg:s8], $0x5FFFF  }
0xad: {  	[dreg:$0x1] =	wrdreg $0xFFFFFFFF  }
0xae: {  	[dreg:$0x0] =	wrdreg $0x60  }
0xaf: {  	[dreg:$0x2] =	wrdreg s2  }
0xb0: {  	[dreg:$0x3] =	wrdreg s18  }
0xb1: {  	[dreg:$0x4] =	wrdreg s24  }
0xb2: {  	[dreg:$0x5] =	wrdreg $0x9  }
0xb3: {  	_ =	task.clear_ibuf [dreg:s8], $0x6FFFF;
	_ =	strace $0x90000046  }
0xb4: {  	s29 =	simm.s32 $0x9;
	_ =	strace $0x80000048  }
0xb5: {  	_ =	swait.ge [sflag:s29], $0x1  }
0xb6: {  	[sflag:s29] =	ssyncadd.s32 $0xFFFFFFFF  }
0xb7: {  	_ =	strace $0x90000048  }
0xb8: {  	_ =	sfence  }
0xb9: {  	s30 =	sld [smem:$0x0];
	_ =	sdelay $0x2  }
0xba: {  	s31 =	sshll.u32 s1, $0xD;
	s1 =	sshrl.u32 s1, $0x2  }
0xbb: {  	s3 =	sand.u32 $0x4000, s31;
	s1 =	sadd.s32 s1, s30  }
0xbc: {  	s0 =	sor.u32 s3, s0;
	s1 =	sshll.u32 s1, $0x11  }
0xbd: {  	s0 =	sor.u32 s1, s0  }
0xbe: {  	s0 =	sadd.s32 $0x8F2B, s0  }
0xbf: {  	[sflag:s0] =	ssyncadd.remote.s32 $0x1  }
0xc0: {  	_ =	sfence.sel $0xFFFF  }
0xc1: {  	[dreg:$0x0] =	wrdreg $0xFFFFFFFF;
	(pc) =	sbr.abs _section_cstart, $3  }
0xc2: {  	[dreg:$0x1] =	wrdreg $0xFFFFFFFF  }
0xc3: {  	_ =	task.clear_ibuf [dreg:s8], $0x2FFFF;
	_ =	strace $0x9FFFFFFF  }
0xc4: {  	(tm) =	ssettm $0x7FFFFFFF  }
0xc5: {  	_ =	shalt  }
tec
execute0_lowered:
.L_overlay_start_1:
0x0: {  	(tag) =	ssettag $0x1  }
0x1: {  	s3 =	rddreg [dreg:$0x0]  }
0x2: {  	s4 =	rddreg [dreg:$0x1]  }
0x3: {  	s0 =	rddreg [dreg:$0x2];
	s2 =	simm.s32 $0x0  }
0x4: {  	[smem:$0x7FF] =	sst s2;
	s8 =	sadd.s32 $0x6B000, s0  }
0x5: {  	s17 =	simm.s32 $0x880;
	_ =	strace $0x80000047;
	[dreg:$0x4] =	wrdreg s8  }
0x6: {  	s18 =	simm.s32 $0x1080;
	[dreg:$0x9] =	wrdreg s17  }
0x7: {  	s19 =	simm.s32 $0x1880;
	[dreg:$0xa] =	wrdreg s18  }
0x8: {  	s20 =	simm.s32 $0x2080;
	[dreg:$0xb] =	wrdreg s19  }
0x9: {  	s21 =	simm.s32 $0x2880;
	[dreg:$0xc] =	wrdreg s20  }
0xa: {  	s22 =	simm.s32 $0x3080;
	[dreg:$0xd] =	wrdreg s21  }
0xb: {  	s23 =	simm.s32 $0x3880;
	[dreg:$0xe] =	wrdreg s22  }
0xc: {  	s24 =	simm.s32 $0x4080;
	[dreg:$0xf] =	wrdreg s23  }
0xd: {  	s25 =	simm.s32 $0x4880;
	[dreg:$0x10] =	wrdreg s24  }
0xe: {  	s1 =	stileid.u32;
	s26 =	simm.s32 $0x5080;
	[dreg:$0x11] =	wrdreg s25  }
0xf: {  	s6 =	sshll.u32 s1, $0x1;
	s1 =	simm.s32 $0x5880;
	[dreg:$0x12] =	wrdreg s26  }
0x10: {  	s5 =	srdreg.scid;
	s10 =	simm.s32 $0x8880;
	[dreg:$0x13] =	wrdreg s1  }
0x11: {  	s11 =	simm.s32 $0x9080;
	s12 =	simm.s32 $0x9880;
	[dreg:$0x19] =	wrdreg s10  }
0x12: {  	s13 =	simm.s32 $0xA080;
	s14 =	simm.s32 $0xA880;
	[dreg:$0x1a] =	wrdreg s11  }
0x13: {  	s28 =	simm.s32 $0x17880;
	s29 =	simm.s32 $0x40;
	[dreg:$0x1b] =	wrdreg s12  }
0x14: {  	s30 =	simm.s32 $0x1;
	s31 =	simm.s32 $0x2;
	[dreg:$0x1c] =	wrdreg s13  }
0x15: {  	s5 =	sand.u32 $0x1, s5;
	s8 =	simm.s32 $0x7880;
	[dreg:$0x1d] =	wrdreg s14  }
0x16: {  	s6 =	sor.u32 s5, s6;
	s18 =	simm.s32 $0xC880;
	[dreg:$0x17] =	wrdreg s8  }
0x17: {  	s5 =	ssub.s32 $0x2, s5;
	s20 =	simm.s32 $0xD080;
	[smem:$0x7F5] =	sst s18  }
0x18: {  	s21 =	simm.s32 $0xD880;
	s22 =	simm.s32 $0xE080;
	[smem:$0x7F6] =	sst s20  }
0x19: {  	s10 =	simm.s32 $0xE880;
	s23 =	simm.s32 $0xF080;
	[smem:$0x7F7] =	sst s21  }
0x1a: {  	s24 =	simm.s32 $0xF880;
	s25 =	simm.s32 $0x10080;
	[smem:$0x7F8] =	sst s22  }
0x1b: {  	s11 =	simm.s32 $0x80;
	s26 =	simm.s32 $0x10880;
	[smem:$0x7F9] =	sst s10  }
0x1c: {  	s12 =	simm.s32 $0xC080;
	s13 =	simm.s32 $0x18080;
	[smem:$0x7FA] =	sst s23  }
0x1d: {  	s7 =	sshll.u32 s6, $0x4;
	s9 =	smul.u32 $0x1800, s6;
	[smem:$0x7FB] =	sst s24  }
0x1e: {  	s6 =	sshll.u32 s6, $0xA;
	s17 =	sshrl.u32 s5, $0x1;
	[smem:$0x7FC] =	sst s25  }
0x1f: {  	s8 =	sadd.s32 $0x3B200, s0;
	s10 =	simm.s32 $0x4;
	[smem:$0x7FD] =	sst s26  }
0x20: {  	s18 =	simm.s32 $0x13080;
	s20 =	simm.s32 $0x14080;
	s21 =	simm.s32 $0x14880  }
0x21: {  	s22 =	simm.s32 $0x15080;
	s23 =	simm.s32 $0x15880;
	s7 =	sadd.s32 s7, s0  }
0x22: {  	s24 =	simm.s32 $0x16080;
	s25 =	simm.s32 $0x16880;
	s7 =	sadd.s32 $0xAE00, s7  }
0x23: {  	s26 =	simm.s32 $0x17080;
	s3 =	sadd.s32 s3, s9;
	[dreg:$0x5] =	wrdreg s7  }
0x24: {  	s6 =	sadd.s32 s6, s0;
	s15 =	sadd.s32 s4, s9;
	[dreg:$0x6] =	wrdreg s3  }
0x25: {  	s19 =	ssub.s32 s5, s17;
	s16 =	sadd.s32 $0x2E00, s6;
	[dreg:$0x7] =	wrdreg s15  }
0x26: {  	s5 =	sadd.s32 $0xB100, s0;
	s4 =	simm.s32 $0x6080;
	[dreg:$0x8] =	wrdreg s16  }
0x27: {  	s17 =	simm.s32 $0x12880;
	s6 =	simm.s32 $0x6880;
	[dreg:$0x14] =	wrdreg s4  }
0x28: {  	s9 =	simm.s32 $0x8080;
	[dreg:$0x15] =	wrdreg s6;
	s7 =	simm.s32 $0x7080  }
0x29: {  	[dreg:$0x18] =	wrdreg s9;
	s3 =	sadd.s32 $0xB000, s0;
	s4 =	sadd.s32 $0x3B000, s0  }
0x2a: {  	s15 =	simm.s32 $0xB080;
	s16 =	simm.s32 $0xB880;
	[dreg:$0x16] =	wrdreg s7  }
0x2b: {  	v2 =	vlaneseq.u32;
	s6 =	sadd.s32 $0xB200, s0;
	s9 =	smax.u32 s19, $0x1;
	[dreg:$0x1e] =	wrdreg s15  }
0x2c: {  	vm0 =	vmmov $0xffff;
	v1 =	vshrl.u32 v2, $0x3;
	s19 =	simm.s32 $0x13880;
	[dreg:$0x1f] =	wrdreg s16;
	s7 =	sadd.s32 $0x3B100, s0  }
0x2d: {  	v0 =	vand.u32 $0x7, v2;
	v2 =	vor.u32 $0x8, v2;
	v1 =	vmul.u32 $0x8, v1;
	s15 =	simm.s32 $0x11880;
	s16 =	simm.s32 $0x12080;
	s0 =	simm.s32 $0x3  }
.LBB2_1:
0x2e: {  	s1 =	rddreg [dreg:$0x5]  }
0x2f: {  	[tilespmem:s2], [sflag:$0x4] =	stream.linear.gather [hbm4b:s1+s2], $0x80, $0x38;
	[tilespmem:$0x1A080] =	vst v63  }
0x30: {  	_ =	swait.ge [sflag:s10], $0x80  }
0x31: {  	[sflag:s10] =	ssyncset.done $0x0  }
0x32: {  	s14 =	rddreg [dreg:$0x6];
	[sflag:s10] =	ssyncadd.s32 $0xFFFFFF80  }
0x33: {  	[tilespmem:s11], [sflag:$0x4] =	stream.linear.gather [hbm4b:s14+s2], $0xC000, $0x38;
	[tilespmem:$0x1A080] =	vst v63  }
0x34: {  	_ =	swait.ge [sflag:s10], $0xC000  }
0x35: {  	[sflag:s10] =	ssyncset.done $0x0  }
0x36: {  	s14 =	rddreg [dreg:$0x7];
	[sflag:s10] =	ssyncadd.s32 $0xFFFF4000  }
0x37: {  	[tilespmem:s12], [sflag:$0x4] =	stream.linear.gather [hbm4b:s14+s2], $0xC000, $0x38;
	[tilespmem:$0x1A080] =	vst v63  }
0x38: {  	_ =	swait.ge [sflag:s10], $0xC000  }
0x39: {  	[sflag:s10] =	ssyncset.done $0x0  }
0x3a: {  	s14 =	rddreg [dreg:$0x8];
	[sflag:s10] =	ssyncadd.s32 $0xFFFF4000  }
0x3b: {  	[tilespmem:s13], [sflag:$0x4] =	stream.linear.gather [hbm4b:s14+s2], $0x2000, $0x38;
	[tilespmem:$0x1A080] =	vst v63  }
0x3c: {  	_ =	swait.ge [sflag:s10], $0x2000  }
0x3d: {  	[sflag:s10] =	ssyncset.done $0x0  }
0x3e: {  	[sflag:s10] =	ssyncadd.s32 $0xFFFFE000  }
0x3f: {  	v3 =	vld [tilespmem:$0x0];
	_ =	sdelay $0x4  }
0x40: {  	v4 =	vshrl.u32 v3, $0x3  }
0x41: {  	v4 =	vmul.u32 $0x30, v4  }
0x42: {  	v3 =	vand.u32 $0x7, v3  }
0x43: {  	v3 =	vor.u32 v3, v4  }
0x44: {  	v4 =	vperm.xlane v3, v0;
	_ =	sdelay $0x1  }
0x45: {  	v4 =	vadd.s32 v1, v4;
	_ =	sdelay $0x3  }
0x46: {  	v3 =	vperm.xlane v3, v2  }
0x47: {  	[hbm4b:s3+s2] =	stream.indirect_vreg.scatter [tilespmem:s11], [sflag:$0x1], $0x80, v4, vm0, $0xb8;
	[tilespmem:$0x1A080] =	vst v63  }
0x48: {  	s1 =	rddreg [dreg:$0x9];
	v3 =	vadd.s32 v1, v3  }
0x49: {  	[hbm4b:s5+s2] =	stream.indirect_vreg.scatter [tilespmem:s1], [sflag:$0x1], $0x80, v4, vm0, $0xb8;
	[tilespmem:$0x1A080] =	vst v63  }
0x4a: {  	s14 =	rddreg [dreg:$0xa]  }
0x4b: {  	[hbm4b:s6+s2] =	stream.indirect_vreg.scatter [tilespmem:s14], [sflag:$0x1], $0x80, v4, vm0, $0xb8;
	[tilespmem:$0x1A080] =	vst v63  }
0x4c: {  	s1 =	rddreg [dreg:$0xb]  }
0x4d: {  	[hbm4b:s3+s2] =	stream.indirect_vreg.scatter [tilespmem:s1], [sflag:$0x1], $0x80, v3, vm0, $0xb8;
	[tilespmem:$0x1A080] =	vst v63  }
0x4e: {  	s14 =	rddreg [dreg:$0xc]  }
0x4f: {  	[hbm4b:s5+s2] =	stream.indirect_vreg.scatter [tilespmem:s14], [sflag:$0x1], $0x80, v3, vm0, $0xb8;
	[tilespmem:$0x1A080] =	vst v63  }
0x50: {  	s1 =	rddreg [dreg:$0xd]  }
0x51: {  	[hbm4b:s6+s2] =	stream.indirect_vreg.scatter [tilespmem:s1], [sflag:$0x1], $0x80, v3, vm0, $0xb8;
	[tilespmem:$0x1A080] =	vst v63  }
0x52: {  	v3 =	vld [tilespmem:$0x10];
	_ =	sdelay $0x4  }
0x53: {  	v57 =	vshrl.u32 v3, $0x3  }
0x54: {  	v4 =	vmul.u32 $0x30, v57  }
0x55: {  	v3 =	vand.u32 $0x7, v3  }
0x56: {  	v3 =	vor.u32 v3, v4  }
0x57: {  	v4 =	vperm.xlane v3, v0;
	_ =	sdelay $0x1  }
0x58: {  	v4 =	vadd.s32 v1, v4;
	_ =	sdelay $0x3  }
0x59: {  	s1 =	rddreg [dreg:$0xe];
	v3 =	vperm.xlane v3, v2  }
0x5a: {  	[hbm4b:s3+s2] =	stream.indirect_vreg.scatter [tilespmem:s1], [sflag:$0x1], $0x80, v4, vm0, $0xb8;
	[tilespmem:$0x1A080] =	vst v63  }
0x5b: {  	s14 =	rddreg [dreg:$0xf];
	v3 =	vadd.s32 v1, v3  }
0x5c: {  	[hbm4b:s5+s2] =	stream.indirect_vreg.scatter [tilespmem:s14], [sflag:$0x1], $0x80, v4, vm0, $0xb8;
	[tilespmem:$0x1A080] =	vst v63  }
0x5d: {  	s1 =	rddreg [dreg:$0x10]  }
0x5e: {  	[hbm4b:s6+s2] =	stream.indirect_vreg.scatter [tilespmem:s1], [sflag:$0x1], $0x80, v4, vm0, $0xb8;
	[tilespmem:$0x1A080] =	vst v63  }
0x5f: {  	s14 =	rddreg [dreg:$0x11]  }
0x60: {  	[hbm4b:s3+s2] =	stream.indirect_vreg.scatter [tilespmem:s14], [sflag:$0x1], $0x80, v3, vm0, $0xb8;
	[tilespmem:$0x1A080] =	vst v63  }
0x61: {  	s1 =	rddreg [dreg:$0x12]  }
0x62: {  	[hbm4b:s5+s2] =	stream.indirect_vreg.scatter [tilespmem:s1], [sflag:$0x1], $0x80, v3, vm0, $0xb8;
	[tilespmem:$0x1A080] =	vst v63  }
0x63: {  	s14 =	rddreg [dreg:$0x13]  }
0x64: {  	[hbm4b:s6+s2] =	stream.indirect_vreg.scatter [tilespmem:s14], [sflag:$0x1], $0x80, v3, vm0, $0xb8;
	[tilespmem:$0x1A080] =	vst v63  }
0x65: {  	v3 =	vld [tilespmem:$0x20];
	_ =	sdelay $0x4  }
0x66: {  	v58 =	vshrl.u32 v3, $0x3  }
0x67: {  	v4 =	vmul.u32 $0x30, v58  }
0x68: {  	v3 =	vand.u32 $0x7, v3  }
0x69: {  	v3 =	vor.u32 v3, v4  }
0x6a: {  	v4 =	vperm.xlane v3, v0;
	_ =	sdelay $0x1  }
0x6b: {  	v4 =	vadd.s32 v1, v4;
	_ =	sdelay $0x3  }
0x6c: {  	s1 =	rddreg [dreg:$0x14];
	v3 =	vperm.xlane v3, v2  }
0x6d: {  	[hbm4b:s3+s2] =	stream.indirect_vreg.scatter [tilespmem:s1], [sflag:$0x1], $0x80, v4, vm0, $0xb8;
	[tilespmem:$0x1A080] =	vst v63  }
0x6e: {  	s14 =	rddreg [dreg:$0x15];
	v3 =	vadd.s32 v1, v3  }
0x6f: {  	[hbm4b:s5+s2] =	stream.indirect_vreg.scatter [tilespmem:s14], [sflag:$0x1], $0x80, v4, vm0, $0xb8;
	[tilespmem:$0x1A080] =	vst v63  }
0x70: {  	s1 =	rddreg [dreg:$0x16]  }
0x71: {  	[hbm4b:s6+s2] =	stream.indirect_vreg.scatter [tilespmem:s1], [sflag:$0x1], $0x80, v4, vm0, $0xb8;
	[tilespmem:$0x1A080] =	vst v63  }
0x72: {  	s14 =	rddreg [dreg:$0x17]  }
0x73: {  	[hbm4b:s3+s2] =	stream.indirect_vreg.scatter [tilespmem:s14], [sflag:$0x1], $0x80, v3, vm0, $0xb8;
	[tilespmem:$0x1A080] =	vst v63  }
0x74: {  	s1 =	rddreg [dreg:$0x18]  }
0x75: {  	[hbm4b:s5+s2] =	stream.indirect_vreg.scatter [tilespmem:s1], [sflag:$0x1], $0x80, v3, vm0, $0xb8;
	[tilespmem:$0x1A080] =	vst v63  }
0x76: {  	s14 =	rddreg [dreg:$0x19]  }
0x77: {  	[hbm4b:s6+s2] =	stream.indirect_vreg.scatter [tilespmem:s14], [sflag:$0x1], $0x80, v3, vm0, $0xb8;
	[tilespmem:$0x1A080] =	vst v63  }
0x78: {  	v3 =	vld [tilespmem:$0x30];
	_ =	sdelay $0x4  }
0x79: {  	v59 =	vshrl.u32 v3, $0x3  }
0x7a: {  	v4 =	vmul.u32 $0x30, v59  }
0x7b: {  	v3 =	vand.u32 $0x7, v3  }
0x7c: {  	v3 =	vor.u32 v3, v4  }
0x7d: {  	v4 =	vperm.xlane v3, v0;
	_ =	sdelay $0x1  }
0x7e: {  	v4 =	vadd.s32 v1, v4;
	_ =	sdelay $0x3  }
0x7f: {  	s1 =	rddreg [dreg:$0x1a];
	v3 =	vperm.xlane v3, v2  }
0x80: {  	[hbm4b:s3+s2] =	stream.indirect_vreg.scatter [tilespmem:s1], [sflag:$0x1], $0x80, v4, vm0, $0xb8;
	[tilespmem:$0x1A080] =	vst v63  }
0x81: {  	s14 =	rddreg [dreg:$0x1b];
	v3 =	vadd.s32 v1, v3  }
0x82: {  	[hbm4b:s5+s2] =	stream.indirect_vreg.scatter [tilespmem:s14], [sflag:$0x1], $0x80, v4, vm0, $0xb8;
	[tilespmem:$0x1A080] =	vst v63  }
0x83: {  	s1 =	rddreg [dreg:$0x1c]  }
0x84: {  	[hbm4b:s6+s2] =	stream.indirect_vreg.scatter [tilespmem:s1], [sflag:$0x1], $0x80, v4, vm0, $0xb8;
	[tilespmem:$0x1A080] =	vst v63  }
0x85: {  	s14 =	rddreg [dreg:$0x1d]  }
0x86: {  	[hbm4b:s3+s2] =	stream.indirect_vreg.scatter [tilespmem:s14], [sflag:$0x1], $0x80, v3, vm0, $0xb8;
	[tilespmem:$0x1A080] =	vst v63  }
0x87: {  	s1 =	rddreg [dreg:$0x1e]  }
0x88: {  	[hbm4b:s5+s2] =	stream.indirect_vreg.scatter [tilespmem:s1], [sflag:$0x1], $0x80, v3, vm0, $0xb8;
	[tilespmem:$0x1A080] =	vst v63  }
0x89: {  	s14 =	rddreg [dreg:$0x1f]  }
0x8a: {  	[hbm4b:s6+s2] =	stream.indirect_vreg.scatter [tilespmem:s14], [sflag:$0x1], $0x80, v3, vm0, $0xb8;
	[tilespmem:$0x1A080] =	vst v63  }
0x8b: {  	v3 =	vld [tilespmem:$0x0];
	_ =	sdelay $0x4  }
0x8c: {  	v60 =	vshrl.u32 v3, $0x3  }
0x8d: {  	v4 =	vmul.u32 $0x30, v60  }
0x8e: {  	v3 =	vand.u32 $0x7, v3  }
0x8f: {  	v3 =	vor.u32 v3, v4  }
0x90: {  	v4 =	vperm.xlane v3, v0;
	_ =	sdelay $0x1  }
0x91: {  	v4 =	vadd.s32 v1, v4;
	_ =	sdelay $0x3  }
0x92: {  	s1 =	sld [smem:$0x7F5];
	v3 =	vperm.xlane v3, v2  }
0x93: {  	[hbm4b:s4+s2] =	stream.indirect_vreg.scatter [tilespmem:s12], [sflag:$0x2], $0x80, v4, vm0, $0xb8;
	[tilespmem:$0x1A080] =	vst v63  }
0x94: {  	s14 =	sld [smem:$0x7F6];
	v3 =	vadd.s32 v1, v3  }
0x95: {  	[hbm4b:s7+s2] =	stream.indirect_vreg.scatter [tilespmem:s1], [sflag:$0x2], $0x80, v4, vm0, $0xb8;
	[tilespmem:$0x1A080] =	vst v63  }
0x96: {  	s1 =	sld [smem:$0x7F7]  }
0x97: {  	[hbm4b:s8+s2] =	stream.indirect_vreg.scatter [tilespmem:s14], [sflag:$0x2], $0x80, v4, vm0, $0xb8;
	[tilespmem:$0x1A080] =	vst v63  }
0x98: {  	s14 =	sld [smem:$0x7F8]  }
0x99: {  	[hbm4b:s4+s2] =	stream.indirect_vreg.scatter [tilespmem:s1], [sflag:$0x2], $0x80, v3, vm0, $0xb8;
	[tilespmem:$0x1A080] =	vst v63  }
0x9a: {  	s1 =	sld [smem:$0x7F9]  }
0x9b: {  	[hbm4b:s7+s2] =	stream.indirect_vreg.scatter [tilespmem:s14], [sflag:$0x2], $0x80, v3, vm0, $0xb8;
	[tilespmem:$0x1A080] =	vst v63  }
0x9c: {  	_ = 	snop  }
0x9d: {  	[hbm4b:s8+s2] =	stream.indirect_vreg.scatter [tilespmem:s1], [sflag:$0x2], $0x80, v3, vm0, $0xb8;
	[tilespmem:$0x1A080] =	vst v63  }
0x9e: {  	v3 =	vld [tilespmem:$0x10];
	_ =	sdelay $0x4  }
0x9f: {  	v61 =	vshrl.u32 v3, $0x3  }
0xa0: {  	v4 =	vmul.u32 $0x30, v61  }
0xa1: {  	v3 =	vand.u32 $0x7, v3  }
0xa2: {  	v3 =	vor.u32 v3, v4  }
0xa3: {  	v4 =	vperm.xlane v3, v0;
	_ =	sdelay $0x1  }
0xa4: {  	v4 =	vadd.s32 v1, v4;
	_ =	sdelay $0x1  }
0xa5: {  	s1 =	sld [smem:$0x7FA];
	_ =	sdelay $0x1  }
0xa6: {  	s14 =	sld [smem:$0x7FB];
	v3 =	vperm.xlane v3, v2  }
0xa7: {  	[hbm4b:s4+s2] =	stream.indirect_vreg.scatter [tilespmem:s1], [sflag:$0x2], $0x80, v4, vm0, $0xb8;
	[tilespmem:$0x1A080] =	vst v63  }
0xa8: {  	v3 =	vadd.s32 v1, v3;
	s1 =	sld [smem:$0x7FC]  }
0xa9: {  	[hbm4b:s7+s2] =	stream.indirect_vreg.scatter [tilespmem:s14], [sflag:$0x2], $0x80, v4, vm0, $0xb8;
	[tilespmem:$0x1A080] =	vst v63  }
0xaa: {  	s14 =	sld [smem:$0x7FD]  }
0xab: {  	[hbm4b:s8+s2] =	stream.indirect_vreg.scatter [tilespmem:s1], [sflag:$0x2], $0x80, v4, vm0, $0xb8;
	[tilespmem:$0x1A080] =	vst v63  }
0xac: {  	_ = 	snop  }
0xad: {  	[hbm4b:s4+s2] =	stream.indirect_vreg.scatter [tilespmem:s14], [sflag:$0x2], $0x80, v3, vm0, $0xb8;
	[tilespmem:$0x1A080] =	vst v63  }
0xae: {  	s14 =	simm.s32 $0x11080  }
0xaf: {  	[hbm4b:s7+s2] =	stream.indirect_vreg.scatter [tilespmem:s14], [sflag:$0x2], $0x80, v3, vm0, $0xb8;
	[tilespmem:$0x1A080] =	vst v63  }
0xb0: {  	_ = 	snop  }
0xb1: {  	[hbm4b:s8+s2] =	stream.indirect_vreg.scatter [tilespmem:s15], [sflag:$0x2], $0x80, v3, vm0, $0xb8;
	[tilespmem:$0x1A080] =	vst v63  }
0xb2: {  	v3 =	vld [tilespmem:$0x20];
	_ =	sdelay $0x4  }
0xb3: {  	v62 =	vshrl.u32 v3, $0x3  }
0xb4: {  	v4 =	vmul.u32 $0x30, v62  }
0xb5: {  	v3 =	vand.u32 $0x7, v3  }
0xb6: {  	v3 =	vor.u32 v3, v4  }
0xb7: {  	v4 =	vperm.xlane v3, v0;
	_ =	sdelay $0x1  }
0xb8: {  	v4 =	vadd.s32 v1, v4;
	_ =	sdelay $0x3  }
0xb9: {  	v3 =	vperm.xlane v3, v2  }
0xba: {  	[hbm4b:s4+s2] =	stream.indirect_vreg.scatter [tilespmem:s16], [sflag:$0x2], $0x80, v4, vm0, $0xb8;
	[tilespmem:$0x1A080] =	vst v63  }
0xbb: {  	v3 =	vadd.s32 v1, v3  }
0xbc: {  	[hbm4b:s7+s2] =	stream.indirect_vreg.scatter [tilespmem:s17], [sflag:$0x2], $0x80, v4, vm0, $0xb8;
	[tilespmem:$0x1A080] =	vst v63  }
0xbd: {  	_ = 	snop  }
0xbe: {  	[hbm4b:s8+s2] =	stream.indirect_vreg.scatter [tilespmem:s18], [sflag:$0x2], $0x80, v4, vm0, $0xb8;
	[tilespmem:$0x1A080] =	vst v63  }
0xbf: {  	_ = 	snop  }
0xc0: {  	[hbm4b:s4+s2] =	stream.indirect_vreg.scatter [tilespmem:s19], [sflag:$0x2], $0x80, v3, vm0, $0xb8;
	[tilespmem:$0x1A080] =	vst v63  }
0xc1: {  	_ = 	snop  }
0xc2: {  	[hbm4b:s7+s2] =	stream.indirect_vreg.scatter [tilespmem:s20], [sflag:$0x2], $0x80, v3, vm0, $0xb8;
	[tilespmem:$0x1A080] =	vst v63  }
0xc3: {  	_ = 	snop  }
0xc4: {  	[hbm4b:s8+s2] =	stream.indirect_vreg.scatter [tilespmem:s21], [sflag:$0x2], $0x80, v3, vm0, $0xb8;
	[tilespmem:$0x1A080] =	vst v63  }
0xc5: {  	v3 =	vld [tilespmem:$0x30];
	_ =	sdelay $0x4  }
0xc6: {  	v63 =	vshrl.u32 v3, $0x3  }
0xc7: {  	v4 =	vmul.u32 $0x30, v63  }
0xc8: {  	v3 =	vand.u32 $0x7, v3  }
0xc9: {  	v3 =	vor.u32 v3, v4  }
0xca: {  	v4 =	vperm.xlane v3, v0;
	_ =	sdelay $0x1  }
0xcb: {  	v4 =	vadd.s32 v1, v4;
	_ =	sdelay $0x3  }
0xcc: {  	v3 =	vperm.xlane v3, v2  }
0xcd: {  	[hbm4b:s4+s2] =	stream.indirect_vreg.scatter [tilespmem:s22], [sflag:$0x2], $0x80, v4, vm0, $0xb8;
	[tilespmem:$0x1A080] =	vst v63  }
0xce: {  	v3 =	vadd.s32 v1, v3  }
0xcf: {  	[hbm4b:s7+s2] =	stream.indirect_vreg.scatter [tilespmem:s23], [sflag:$0x2], $0x80, v4, vm0, $0xb8;
	[tilespmem:$0x1A080] =	vst v63  }
0xd0: {  	_ = 	snop  }
0xd1: {  	[hbm4b:s8+s2] =	stream.indirect_vreg.scatter [tilespmem:s24], [sflag:$0x2], $0x80, v4, vm0, $0xb8;
	[tilespmem:$0x1A080] =	vst v63  }
0xd2: {  	_ = 	snop  }
0xd3: {  	[hbm4b:s4+s2] =	stream.indirect_vreg.scatter [tilespmem:s25], [sflag:$0x2], $0x80, v3, vm0, $0xb8;
	[tilespmem:$0x1A080] =	vst v63  }
0xd4: {  	_ = 	snop  }
0xd5: {  	[hbm4b:s7+s2] =	stream.indirect_vreg.scatter [tilespmem:s26], [sflag:$0x2], $0x80, v3, vm0, $0xb8;
	[tilespmem:$0x1A080] =	vst v63  }
0xd6: {  	_ = 	snop  }
0xd7: {  	[hbm4b:s8+s2] =	stream.indirect_vreg.scatter [tilespmem:s28], [sflag:$0x2], $0x80, v3, vm0, $0xb8;
	[tilespmem:$0x1A080] =	vst v63  }
0xd8: {  	s14 =	rddreg [dreg:$0x4]  }
0xd9: {  	[hbm4b:s14+s29] =	stream.indirect.scatter [tilespmem:s13], [sflag:$0x3], $0x80, s2, s29, $0xb8;
	[tilespmem:$0x1A080] =	vst v63  }
0xda: {  	_ =	swait.ge [sflag:s30], $0xC000  }
0xdb: {  	[sflag:s30] =	ssyncset.done $0x0  }
0xdc: {  	[sflag:s30] =	ssyncadd.s32 $0xFFFF4000  }
0xdd: {  	p0 =	sne.s32 s9, $0x1;
	_ =	swait.ge [sflag:s31], $0xC000  }
.Ltmp0:
0xde: {  	[sflag:s31] =	ssyncset.done $0x0;
	(pc) =	sbr.rel @p0 .LBB2_1-.Ltmp0, $4  }
0xdf: {  	[sflag:s31] =	ssyncadd.s32 $0xFFFF4000  }
0xe0: {  	_ =	swait.ge [sflag:s0], $0x2000  }
0xe1: {  	[sflag:s0] =	ssyncset.done $0x0  }
0xe2: {  	s9 =	sadd.s32 $0xFFFFFFFF, s9;
	[sflag:s0] =	ssyncadd.s32 $0xFFFFE000  }
0xe3: {  	_ =	sfence.sel $0x180000  }
0xe4: {  	[bflag:$0x0] =	sbarrier.arrive $0xFFFF  }
0xe5: {  	_ =	strace $0x90000047  }
0xe6: {  	s0 =	stileid.u32;
	[bflag:$0x2] =	sbarrier.arrive $0xFFFF  }
0xe7: {  	p0 =	sne.s32 s0, $0x0;
	s0 =	rddreg [dreg:$0x3]  }
0xe8: {  	s0 =	sadd.s32 @!p0 $0x100000, s0  }
0xe9: {  	[sflag:s0] =	ssyncadd.tile.s32 @!p0 $0x1;
	_ =	shalt  }
.Lfunc_end2:
_tile_overlayer_lowered:
.L_overlay_start_2:
0xea: {  	(tag) =	ssettag $0x2  }
0xeb: {  	s0 =	rddreg [dreg:$0x0];
	s2 =	stileid.u32  }
0xec: {  	s1 =	rddreg [dreg:$0x1];
	p0 =	sne.s32 s2, $0x0  }
0xed: {  	s3 =	rddreg [dreg:$0x2];
	[bflag:$0x3] =	sbarrier.arrive $0xFFFF;
	s2 =	simm.s32 @!p0 $0x1C04  }
0xee: {  	[timem:s3], [sflag:s2] =	dma.local @!p0 [hbm:s0], s1  }
0xef: {  	s0 =	simm.s32 @!p0 $0x4  }
0xf0: {  	_ =	swait.ge @!p0 [sflag:s0], s1  }
0xf1: {  	s1 =	ssub.s32 @!p0 $0x0, s1;
	[sflag:s0] =	ssyncset.done @!p0 $0x0  }
0xf2: {  	[sflag:s0] =	ssyncadd.s32 @!p0 s1  }
0xf3: {  	[bflag:$0x3] =	sbarrier.arrive $0xFFFF  }
0xf4: {  	_ =	shalt  }

// kernel: kernel.9.cloned.1.call-start
scs
__scs_entry_jumppad:
0x0: {  	(pc) =	sbr.rel $0x88, $3  }
0x1: {  	(tag) =	ssettag $0x0;
	lr =	simm.s32 $0x1  }
0x2: {  	[smem:$0x3F93] =	sst lr;
	_ =	strace $0xD0000000  }
0x3: {  	_ = 	snop  }
0x4: {  	_ = 	snop  }
0x5: {  	_ = 	snop  }
0x6: {  	_ = 	snop  }
0x7: {  	_ = 	snop  }
__scs_overlays_trampoline_lowered:
0x8: {  	[smem:$0x3FA2] =	sst s0  }
0x9: {  	[smem:$0x3FA3] =	sst s1  }
0xa: {  	[smem:$0x3FA4] =	sst s2  }
0xb: {  	[smem:$0x3FA5] =	sst s3  }
0xc: {  	[smem:$0x3FA6] =	sst s4  }
0xd: {  	[smem:$0x3FA7] =	sst s5  }
0xe: {  	[smem:$0x3FA8] =	sst s6  }
0xf: {  	[smem:$0x3FA9] =	sst s7  }
0x10: {  	[smem:$0x3FAA] =	sst s8  }
0x11: {  	[smem:$0x3FAB] =	sst s9;
	s0 =	simm.s32 @!p0 $0x0  }
0x12: {  	s1 =	sld [smem:$0x3F91];
	s0 =	simm.s32 @p0 $0x1  }
0x13: {  	[smem:$0x3FAC] =	sst s0;
	s0 =	simm.s32 @!p1 $0x0  }
0x14: {  	s2 =	sld [smem:$0x3F90];
	s0 =	simm.s32 @p1 $0x1  }
0x15: {  	[smem:$0x3FAD] =	sst s0;
	s0 =	simm.s32 @!p2 $0x0  }
0x16: {  	s3 =	sld [smem:$0x3FDB];
	s0 =	simm.s32 @p2 $0x1  }
0x17: {  	s4 =	simm.s32 $0x1BF5;
	[smem:$0x3FAF] =	sst s0  }
0x18: {  	s0 =	sld [smem:$0x3F92];
	_ =	swait.ge [sflag:s4], $0x0  }
0x19: {  	s7 =	sld [smem:$0x3F93]  }
0x1a: {  	s8 =	sadd.s32 $0xFFFFE003, lr  }
0x1b: {  	s9 =	sadd.s32 $0xFFFFFEF7, lr;
	s5 =	simm.s32 $0xFFFFFFFF;
	p2 =	slt.u32 s8, $0xFFFFF086  }
0x1c: {  	p1 =	slt.u32 s9, $0xF7A;
	s5 =	simm.s32 @!p2 $0x0  }
0x1d: {  	s5 =	simm.s32 @p1 $0x1;
	p0 =	seq.s32 s7, s2  }
0x1e: {  	s7 =	smul.u32 @!p0 $0xF7A, s2;
	p2 =	seq.s32 @!p0 s5, $0x0  }
0x1f: {  	s9 =	smul.u32 $0xF7A, s1;
	s8 =	simm.s32 @!p0 $0x1BF5;
	p2 =	por !p2, p0  }
0x20: {  	[sflag:s8] =	ssyncset.s32 @!p0 $0xFFFFF086;
	s6 =	sadd.s32 @!p0 s3, s7;
	s7 =	simm.s32 @!p0 $0x108  }
0x21: {  	s3 =	sadd.s32 s3, s9;
	s6 =	sadd.s32 @!p0 $0x88, s6;
	s7 =	simm.s32 @p2 $0x1082  }
0x22: {  	[simem:s7], [sflag:s8] =	dma.local @!p0 [hbm:s6], $0xF7A  }
0x23: {  	s9 =	sor.u32 $0xD0000000, s2;
	s6 =	simm.s32 $0x108;
	_ =	swait.ge @!p0 [sflag:s8], $0x0  }
0x24: {  	s3 =	sadd.s32 $0x88, s3;
	s6 =	simm.s32 @!p1 $0x1082;
	[sflag:s4] =	ssyncset.s32 $0xFFFFF086  }
0x25: {  	[simem:s6], [sflag:s4] =	dma.local [hbm:s3], $0xF7A  }
0x26: {  	[smem:$0x3F93] =	sst s1;
	(tag) =	ssettag s2;
	_ =	strace s9  }
0x27: {  	s1 =	sld [smem:$0x3FA3]  }
0x28: {  	s2 =	sld [smem:$0x3FA4]  }
0x29: {  	s4 =	sld [smem:$0x3FA6]  }
0x2a: {  	p0 =	seq.s32 s5, $0x0;
	s5 =	sld [smem:$0x3FA7]  }
0x2b: {  	s6 =	sld [smem:$0x3FA8]  }
0x2c: {  	s7 =	sld [smem:$0x3FA9]  }
0x2d: {  	s3 =	simm.s32 $0x108;
	s8 =	sld [smem:$0x3FAA]  }
0x2e: {  	s3 =	simm.s32 @!p0 $0x1082;
	s9 =	sld [smem:$0x3FAB]  }
0x2f: {  	lr =	sadd.s32 s0, s3;
	s0 =	sld [smem:$0x3FA2]  }
0x30: {  	s3 =	sld [smem:$0x3FA5]  }
0x31: {  	[smem:$0x3FAE] =	sst s10  }
0x32: {  	s10 =	sld [smem:$0x3FAC];
	_ =	sdelay $0x3  }
0x33: {  	p0 =	seq.s32 s10, $0x1;
	s10 =	sld [smem:$0x3FAE];
	_ =	sdelay $0x3  }
0x34: {  	[smem:$0x3FAE] =	sst s10  }
0x35: {  	s10 =	sld [smem:$0x3FAD];
	_ =	sdelay $0x3  }
0x36: {  	p1 =	seq.s32 s10, $0x1;
	s10 =	sld [smem:$0x3FAE];
	_ =	sdelay $0x3  }
0x37: {  	[smem:$0x3FAE] =	sst s10  }
0x38: {  	s10 =	sld [smem:$0x3FAF]  }
0x39: {  	_ = 	snop;
	(pc) =	sbr.ind lr, $3  }
0x3a: {  	_ = 	snop  }
0x3b: {  	_ = 	snop  }
0x3c: {  	p2 =	seq.s32 s10, $0x1;
	s10 =	sld [smem:$0x3FAE]  }
0x3d: {  	_ =	shalt  }
0x3e: {  	_ =	shalt  }
0x3f: {  	_ =	shalt  }
0x40: {  	_ =	shalt  }
0x41: {  	_ =	shalt  }
0x42: {  	_ =	shalt  }
0x43: {  	_ =	shalt  }
0x44: {  	_ =	shalt  }
0x45: {  	_ =	shalt  }
0x46: {  	_ =	shalt  }
0x47: {  	_ =	shalt  }
0x48: {  	_ =	shalt  }
0x49: {  	_ =	shalt  }
0x4a: {  	_ =	shalt  }
0x4b: {  	_ =	shalt  }
0x4c: {  	_ =	shalt  }
0x4d: {  	_ =	shalt  }
0x4e: {  	_ =	shalt  }
0x4f: {  	_ =	shalt  }
0x50: {  	_ =	shalt  }
0x51: {  	_ =	shalt  }
0x52: {  	_ =	shalt  }
0x53: {  	_ =	shalt  }
0x54: {  	_ =	shalt  }
0x55: {  	_ =	shalt  }
0x56: {  	_ =	shalt  }
0x57: {  	_ =	shalt  }
0x58: {  	_ =	shalt  }
0x59: {  	_ =	shalt  }
0x5a: {  	_ =	shalt  }
0x5b: {  	_ =	shalt  }
0x5c: {  	_ =	shalt  }
0x5d: {  	_ =	shalt  }
0x5e: {  	_ =	shalt  }
0x5f: {  	_ =	shalt  }
0x60: {  	_ =	shalt  }
0x61: {  	_ =	shalt  }
0x62: {  	_ =	shalt  }
0x63: {  	_ =	shalt  }
0x64: {  	_ =	shalt  }
0x65: {  	_ =	shalt  }
0x66: {  	_ =	shalt  }
0x67: {  	_ =	shalt  }
0x68: {  	_ =	shalt  }
0x69: {  	_ =	shalt  }
0x6a: {  	_ =	shalt  }
0x6b: {  	_ =	shalt  }
0x6c: {  	_ =	shalt  }
0x6d: {  	_ =	shalt  }
0x6e: {  	_ =	shalt  }
0x6f: {  	_ =	shalt  }
0x70: {  	_ =	shalt  }
0x71: {  	_ =	shalt  }
0x72: {  	_ =	shalt  }
0x73: {  	_ =	shalt  }
0x74: {  	_ =	shalt  }
0x75: {  	_ =	shalt  }
0x76: {  	_ =	shalt  }
0x77: {  	_ =	shalt  }
0x78: {  	_ =	shalt  }
0x79: {  	_ =	shalt  }
0x7a: {  	_ =	shalt  }
0x7b: {  	_ =	shalt  }
0x7c: {  	_ =	shalt  }
0x7d: {  	_ =	shalt  }
0x7e: {  	_ =	shalt  }
0x7f: {  	_ =	shalt  }
0x80: {  	_ =	shalt  }
0x81: {  	_ =	shalt  }
0x82: {  	_ =	shalt  }
0x83: {  	_ =	shalt  }
0x84: {  	_ =	shalt  }
0x85: {  	_ =	shalt  }
0x86: {  	_ =	shalt  }
0x87: {  	_ =	shalt  }
.Lfunc_end0:
.L_simem_size_0:
called_computation.1_lowered:
.L_overlay_start_0:
0x88: {  	s2 =	sld [smem:$0x3FD9]  }
0x89: {  	s3 =	sld [smem:$0x3FFE];
	_ =	sdelay $0x1  }
0x8a: {  	s1 =	srdreg.scid  }
0x8b: {  	s0 =	sand.u32 $0x1, s1  }
0x8c: {  	s17 =	sshll.u32 s0, $0xA;
	s2 =	sadd.s32 s3, s2  }
0x8d: {  	s2 =	sadd.s32 s2, s17  }
0x8e: {  	[smem:$0x3FBA] =	sst s2  }
0x8f: {  	_ = 	snop  }
0x90: {  	s2 =	sld [smem:$0x3FD0];
	(tm) =	ssettm $0x1  }
0x91: {  	s18 =	sld [smem:$0x3FFB];
	_ =	sdelay $0x3  }
0x92: {  	_ =	strace s18  }
0x93: {  	s3 =	sld [smem:$0x3FFC];
	_ =	sdelay $0x3  }
0x94: {  	_ =	strace s3  }
0x95: {  	s3 =	sld [smem:$0x3FFD];
	_ =	sdelay $0x3  }
0x96: {  	_ =	strace s3  }
0x97: {  	_ =	strace $0x8FFFFFFF  }
0x98: {  	s19 =	sld [smem:$0x3FDB];
	_ =	sdelay $0x1  }
0x99: {  	s4 =	simm.s32 $_scs_section_size  }
0x9a: {  	s5 =	simm.s32 $_size__tile_overlayer_lowered;
	s6 =	simm.s32 $_tile_overlayer_lowered  }
0x9b: {  	s22 =	simm.s32 $0x1BFF;
	s21 =	sshll.u32 s6, $0x1;
	s3 =	sadd.s32 s4, s19  }
0x9c: {  	s7 =	simm.s32 $0x0;
	s20 =	sshll.u32 s5, $0x1;
	s5 =	sadd.s32 s21, s3  }
0x9d: {  	[timem:s7], [sflag:s22] =	dma.local [hbm:s5], s20  }
0x9e: {  	_ =	swait.ge [sflag:s22], s20  }
0x9f: {  	s4 =	ssub.s32 $0x0, s20;
	[sflag:s22] =	ssyncset.done $0x0  }
0xa0: {  	[sflag:s22] =	ssyncadd.s32 s4;
	_ =	sdelay $0x1  }
0xa1: {  	s23 =	simm.s32 $0x1B8B  }
0xa2: {  	_ =	swait.ge [sflag:s23], $0x1  }
0xa3: {  	[sflag:s23] =	ssyncset.done $0x0  }
0xa4: {  	s25 =	simm.s32 $0x1B8E;
	s24 =	sld [smem:$0x3FFE];
	[sflag:s23] =	ssyncadd.s32 $0xFFFFFFFF  }
0xa5: {  	s26 =	simm.s32 $execute0_lowered;
	[smem:$0x3FD2] =	sst s25  }
0xa6: {  	s5 =	sshll.u32 s26, $0x1;
	_ =	strace $0x80000049;
	[dreg:$0x1] =	wrdreg $0xFFFFFFFF  }
0xa7: {  	s28 =	simm.s32 $_size_execute0_lowered;
	s3 =	sadd.s32 s3, s5;
	[dreg:$0x0] =	wrdreg $0x0  }
0xa8: {  	s5 =	sshll.u32 s28, $0x1;
	[dreg:$0x2] =	wrdreg s3  }
0xa9: {  	[dreg:$0x3] =	wrdreg s5  }
0xaa: {  	[dreg:$0x4] =	wrdreg $0xC0  }
0xab: {  	_ =	task [dreg:s7], $0x5FFFF  }
0xac: {  	[dreg:$0x1] =	wrdreg $0xFFFFFFFF  }
0xad: {  	[dreg:$0x0] =	wrdreg $0x60  }
0xae: {  	[dreg:$0x2] =	wrdreg s24  }
0xaf: {  	[dreg:$0x3] =	wrdreg s2  }
0xb0: {  	[dreg:$0x4] =	wrdreg $0x9  }
0xb1: {  	_ =	task.clear_ibuf [dreg:s7], $0x5FFFF;
	_ =	strace $0x90000049  }
0xb2: {  	s29 =	simm.s32 $0x9;
	_ =	strace $0x8000004B  }
0xb3: {  	_ =	swait.ge [sflag:s29], $0x1  }
0xb4: {  	[sflag:s29] =	ssyncadd.s32 $0xFFFFFFFF  }
0xb5: {  	_ =	strace $0x9000004B  }
0xb6: {  	_ =	sfence  }
0xb7: {  	s30 =	sld [smem:$0x0];
	_ =	sdelay $0x2  }
0xb8: {  	s31 =	sshll.u32 s1, $0xD;
	s1 =	sshrl.u32 s1, $0x2  }
0xb9: {  	s3 =	sand.u32 $0x4000, s31;
	s1 =	sadd.s32 s1, s30  }
0xba: {  	s0 =	sor.u32 s3, s0;
	s1 =	sshll.u32 s1, $0x11  }
0xbb: {  	s0 =	sor.u32 s1, s0  }
0xbc: {  	s0 =	sadd.s32 $0x8F2B, s0  }
0xbd: {  	[sflag:s0] =	ssyncadd.remote.s32 $0x1  }
0xbe: {  	_ =	sfence.sel $0xFFFF  }
0xbf: {  	[dreg:$0x0] =	wrdreg $0xFFFFFFFF;
	(pc) =	sbr.abs _section_cstart, $3  }
0xc0: {  	[dreg:$0x1] =	wrdreg $0xFFFFFFFF  }
0xc1: {  	_ =	task.clear_ibuf [dreg:s7], $0x2FFFF;
	_ =	strace $0x9FFFFFFF  }
0xc2: {  	(tm) =	ssettm $0x7FFFFFFF  }
0xc3: {  	_ =	shalt  }
tec
execute0_lowered:
.L_overlay_start_1:
0x0: {  	(tag) =	ssettag $0x1  }
0x1: {  	s0 =	rddreg [dreg:$0x0]  }
0x2: {  	s5 =	rddreg [dreg:$0x1];
	s3 =	srdreg.scid  }
0x3: {  	s1 =	stileid.u32;
	s2 =	simm.s32 $0x0;
	s26 =	simm.s32 $0x880  }
0x4: {  	s10 =	simm.s32 $0x1880;
	s11 =	simm.s32 $0x2080;
	s12 =	simm.s32 $0x2880  }
0x5: {  	s13 =	simm.s32 $0x3080;
	s14 =	simm.s32 $0x3880;
	s15 =	simm.s32 $0x4080  }
0x6: {  	s16 =	simm.s32 $0x4880;
	s17 =	simm.s32 $0x5080;
	s18 =	simm.s32 $0x5880  }
0x7: {  	s19 =	simm.s32 $0x6080;
	s20 =	simm.s32 $0x6880;
	s21 =	simm.s32 $0x7080  }
0x8: {  	s22 =	simm.s32 $0x7880;
	s23 =	simm.s32 $0x8080;
	s28 =	simm.s32 $0xA080  }
0x9: {  	s29 =	simm.s32 $0xA880;
	s30 =	simm.s32 $0xB080;
	s31 =	simm.s32 $0xB880  }
0xa: {  	s3 =	sand.u32 $0x1, s3;
	s4 =	sshll.u32 s1, $0x1;
	[smem:$0x7FF] =	sst s2  }
0xb: {  	s4 =	sor.u32 s3, s4;
	_ =	strace $0x8000004A;
	s7 =	ssub.s32 $0x2, s3  }
0xc: {  	s3 =	sadd.s32 $0xB000, s0;
	[dreg:$0x5] =	wrdreg s26;
	s26 =	simm.s32 $0x9880  }
0xd: {  	s6 =	sshll.u32 s4, $0x4;
	s8 =	sshrl.u32 s7, $0x1;
	s9 =	smul.u32 $0x1800, s4  }
0xe: {  	s4 =	sadd.s32 $0xB100, s0;
	s6 =	sadd.s32 s6, s0;
	s7 =	ssub.s32 s7, s8  }
0xf: {  	s8 =	simm.s32 $0x80;
	s24 =	sadd.s32 $0xAE00, s6;
	s25 =	sadd.s32 s5, s9  }
0x10: {  	v2 =	vlaneseq.u32;
	s5 =	sadd.s32 $0xB200, s0;
	s6 =	smax.u32 s7, $0x1;
	s7 =	simm.s32 $0x2  }
0x11: {  	vm0 =	vmmov $0xffff;
	v1 =	vshrl.u32 v2, $0x3;
	s9 =	simm.s32 $0x1080;
	s0 =	simm.s32 $0x1;
	[dreg:$0x3] =	wrdreg s24  }
0x12: {  	v0 =	vand.u32 $0x7, v2;
	v2 =	vor.u32 $0x8, v2;
	v1 =	vmul.u32 $0x8, v1;
	[dreg:$0x4] =	wrdreg s25;
	s24 =	simm.s32 $0x8880;
	s25 =	simm.s32 $0x9080  }
.LBB2_1:
0x13: {  	s1 =	rddreg [dreg:$0x3]  }
0x14: {  	[tilespmem:s2], [sflag:$0x2] =	stream.linear.gather [hbm4b:s1+s2], $0x80, $0x38;
	[tilespmem:$0xC080] =	vst v63  }
0x15: {  	_ =	swait.ge [sflag:s7], $0x80  }
0x16: {  	[sflag:s7] =	ssyncset.done $0x0  }
0x17: {  	[sflag:s7] =	ssyncadd.s32 $0xFFFFFF80  }
0x18: {  	v3 =	vld [tilespmem:$0x0];
	_ =	sdelay $0x4  }
0x19: {  	v4 =	vshrl.u32 v3, $0x3  }
0x1a: {  	v4 =	vmul.u32 $0x30, v4  }
0x1b: {  	v3 =	vand.u32 $0x7, v3  }
0x1c: {  	v3 =	vor.u32 v3, v4  }
0x1d: {  	v4 =	vperm.xlane v3, v0;
	_ =	sdelay $0x1  }
0x1e: {  	v4 =	vadd.s32 v1, v4;
	_ =	sdelay $0x3  }
0x1f: {  	v3 =	vperm.xlane v3, v2  }
0x20: {  	[tilespmem:s8], [sflag:$0x1] =	stream.indirect_vreg.gather [hbm4b:s3+s2], $0x80, v4, vm0, $0xb8;
	[tilespmem:$0xC080] =	vst v63  }
0x21: {  	s1 =	rddreg [dreg:$0x5];
	v3 =	vadd.s32 v1, v3  }
0x22: {  	[tilespmem:s1], [sflag:$0x1] =	stream.indirect_vreg.gather [hbm4b:s4+s2], $0x80, v4, vm0, $0xb8;
	[tilespmem:$0xC080] =	vst v63  }
0x23: {  	_ = 	snop  }
0x24: {  	[tilespmem:s9], [sflag:$0x1] =	stream.indirect_vreg.gather [hbm4b:s5+s2], $0x80, v4, vm0, $0xb8;
	[tilespmem:$0xC080] =	vst v63  }
0x25: {  	_ = 	snop  }
0x26: {  	[tilespmem:s10], [sflag:$0x1] =	stream.indirect_vreg.gather [hbm4b:s3+s2], $0x80, v3, vm0, $0xb8;
	[tilespmem:$0xC080] =	vst v63  }
0x27: {  	_ = 	snop  }
0x28: {  	[tilespmem:s11], [sflag:$0x1] =	stream.indirect_vreg.gather [hbm4b:s4+s2], $0x80, v3, vm0, $0xb8;
	[tilespmem:$0xC080] =	vst v63  }
0x29: {  	_ = 	snop  }
0x2a: {  	[tilespmem:s12], [sflag:$0x1] =	stream.indirect_vreg.gather [hbm4b:s5+s2], $0x80, v3, vm0, $0xb8;
	[tilespmem:$0xC080] =	vst v63  }
0x2b: {  	v3 =	vld [tilespmem:$0x10];
	_ =	sdelay $0x4  }
0x2c: {  	v61 =	vshrl.u32 v3, $0x3  }
0x2d: {  	v4 =	vmul.u32 $0x30, v61  }
0x2e: {  	v3 =	vand.u32 $0x7, v3  }
0x2f: {  	v3 =	vor.u32 v3, v4  }
0x30: {  	v4 =	vperm.xlane v3, v0;
	_ =	sdelay $0x1  }
0x31: {  	v4 =	vadd.s32 v1, v4;
	_ =	sdelay $0x3  }
0x32: {  	v3 =	vperm.xlane v3, v2  }
0x33: {  	[tilespmem:s13], [sflag:$0x1] =	stream.indirect_vreg.gather [hbm4b:s3+s2], $0x80, v4, vm0, $0xb8;
	[tilespmem:$0xC080] =	vst v63  }
0x34: {  	v3 =	vadd.s32 v1, v3  }
0x35: {  	[tilespmem:s14], [sflag:$0x1] =	stream.indirect_vreg.gather [hbm4b:s4+s2], $0x80, v4, vm0, $0xb8;
	[tilespmem:$0xC080] =	vst v63  }
0x36: {  	_ = 	snop  }
0x37: {  	[tilespmem:s15], [sflag:$0x1] =	stream.indirect_vreg.gather [hbm4b:s5+s2], $0x80, v4, vm0, $0xb8;
	[tilespmem:$0xC080] =	vst v63  }
0x38: {  	_ = 	snop  }
0x39: {  	[tilespmem:s16], [sflag:$0x1] =	stream.indirect_vreg.gather [hbm4b:s3+s2], $0x80, v3, vm0, $0xb8;
	[tilespmem:$0xC080] =	vst v63  }
0x3a: {  	_ = 	snop  }
0x3b: {  	[tilespmem:s17], [sflag:$0x1] =	stream.indirect_vreg.gather [hbm4b:s4+s2], $0x80, v3, vm0, $0xb8;
	[tilespmem:$0xC080] =	vst v63  }
0x3c: {  	_ = 	snop  }
0x3d: {  	[tilespmem:s18], [sflag:$0x1] =	stream.indirect_vreg.gather [hbm4b:s5+s2], $0x80, v3, vm0, $0xb8;
	[tilespmem:$0xC080] =	vst v63  }
0x3e: {  	v3 =	vld [tilespmem:$0x20];
	_ =	sdelay $0x4  }
0x3f: {  	v62 =	vshrl.u32 v3, $0x3  }
0x40: {  	v4 =	vmul.u32 $0x30, v62  }
0x41: {  	v3 =	vand.u32 $0x7, v3  }
0x42: {  	v3 =	vor.u32 v3, v4  }
0x43: {  	v4 =	vperm.xlane v3, v0;
	_ =	sdelay $0x1  }
0x44: {  	v4 =	vadd.s32 v1, v4;
	_ =	sdelay $0x3  }
0x45: {  	v3 =	vperm.xlane v3, v2  }
0x46: {  	[tilespmem:s19], [sflag:$0x1] =	stream.indirect_vreg.gather [hbm4b:s3+s2], $0x80, v4, vm0, $0xb8;
	[tilespmem:$0xC080] =	vst v63  }
0x47: {  	v3 =	vadd.s32 v1, v3  }
0x48: {  	[tilespmem:s20], [sflag:$0x1] =	stream.indirect_vreg.gather [hbm4b:s4+s2], $0x80, v4, vm0, $0xb8;
	[tilespmem:$0xC080] =	vst v63  }
0x49: {  	_ = 	snop  }
0x4a: {  	[tilespmem:s21], [sflag:$0x1] =	stream.indirect_vreg.gather [hbm4b:s5+s2], $0x80, v4, vm0, $0xb8;
	[tilespmem:$0xC080] =	vst v63  }
0x4b: {  	_ = 	snop  }
0x4c: {  	[tilespmem:s22], [sflag:$0x1] =	stream.indirect_vreg.gather [hbm4b:s3+s2], $0x80, v3, vm0, $0xb8;
	[tilespmem:$0xC080] =	vst v63  }
0x4d: {  	_ = 	snop  }
0x4e: {  	[tilespmem:s23], [sflag:$0x1] =	stream.indirect_vreg.gather [hbm4b:s4+s2], $0x80, v3, vm0, $0xb8;
	[tilespmem:$0xC080] =	vst v63  }
0x4f: {  	_ = 	snop  }
0x50: {  	[tilespmem:s24], [sflag:$0x1] =	stream.indirect_vreg.gather [hbm4b:s5+s2], $0x80, v3, vm0, $0xb8;
	[tilespmem:$0xC080] =	vst v63  }
0x51: {  	v3 =	vld [tilespmem:$0x30];
	_ =	sdelay $0x4  }
0x52: {  	v63 =	vshrl.u32 v3, $0x3  }
0x53: {  	v4 =	vmul.u32 $0x30, v63  }
0x54: {  	v3 =	vand.u32 $0x7, v3  }
0x55: {  	v3 =	vor.u32 v3, v4  }
0x56: {  	v4 =	vperm.xlane v3, v0;
	_ =	sdelay $0x1  }
0x57: {  	v4 =	vadd.s32 v1, v4;
	_ =	sdelay $0x3  }
0x58: {  	v3 =	vperm.xlane v3, v2  }
0x59: {  	[tilespmem:s25], [sflag:$0x1] =	stream.indirect_vreg.gather [hbm4b:s3+s2], $0x80, v4, vm0, $0xb8;
	[tilespmem:$0xC080] =	vst v63  }
0x5a: {  	v3 =	vadd.s32 v1, v3  }
0x5b: {  	[tilespmem:s26], [sflag:$0x1] =	stream.indirect_vreg.gather [hbm4b:s4+s2], $0x80, v4, vm0, $0xb8;
	[tilespmem:$0xC080] =	vst v63  }
0x5c: {  	_ = 	snop  }
0x5d: {  	[tilespmem:s28], [sflag:$0x1] =	stream.indirect_vreg.gather [hbm4b:s5+s2], $0x80, v4, vm0, $0xb8;
	[tilespmem:$0xC080] =	vst v63  }
0x5e: {  	_ = 	snop  }
0x5f: {  	[tilespmem:s29], [sflag:$0x1] =	stream.indirect_vreg.gather [hbm4b:s3+s2], $0x80, v3, vm0, $0xb8;
	[tilespmem:$0xC080] =	vst v63  }
0x60: {  	_ = 	snop  }
0x61: {  	[tilespmem:s30], [sflag:$0x1] =	stream.indirect_vreg.gather [hbm4b:s4+s2], $0x80, v3, vm0, $0xb8;
	[tilespmem:$0xC080] =	vst v63  }
0x62: {  	_ = 	snop  }
0x63: {  	[tilespmem:s31], [sflag:$0x1] =	stream.indirect_vreg.gather [hbm4b:s5+s2], $0x80, v3, vm0, $0xb8;
	[tilespmem:$0xC080] =	vst v63  }
0x64: {  	_ =	swait.ge [sflag:s0], $0xC000  }
0x65: {  	p0 =	sne.s32 s6, $0x1;
	[sflag:s0] =	ssyncset.done $0x0  }
.Ltmp0:
0x66: {  	s1 =	rddreg [dreg:$0x4];
	[sflag:s0] =	ssyncadd.s32 $0xFFFF4000;
	(pc) =	sbr.rel @p0 .LBB2_1-.Ltmp0, $4  }
0x67: {  	[hbm4b:s1+s2] =	stream.linear.scatter [tilespmem:s8], [sflag:$0x2], $0xC000, $0x38;
	[tilespmem:$0xC080] =	vst v63  }
0x68: {  	_ =	swait.ge [sflag:s7], $0xC000  }
0x69: {  	[sflag:s7] =	ssyncset.done $0x0  }
0x6a: {  	s6 =	sadd.s32 $0xFFFFFFFF, s6;
	[sflag:s7] =	ssyncadd.s32 $0xFFFF4000  }
0x6b: {  	_ =	sfence.sel $0x180000  }
0x6c: {  	[bflag:$0x0] =	sbarrier.arrive $0xFFFF  }
0x6d: {  	_ =	strace $0x9000004A  }
0x6e: {  	s0 =	stileid.u32;
	[bflag:$0x2] =	sbarrier.arrive $0xFFFF  }
0x6f: {  	p0 =	sne.s32 s0, $0x0;
	s0 =	rddreg [dreg:$0x2]  }
0x70: {  	s0 =	sadd.s32 @!p0 $0x100000, s0  }
0x71: {  	[sflag:s0] =	ssyncadd.tile.s32 @!p0 $0x1;
	_ =	shalt  }
.Lfunc_end2:
_tile_overlayer_lowered:
.L_overlay_start_2:
0x72: {  	(tag) =	ssettag $0x2  }
0x73: {  	s0 =	rddreg [dreg:$0x0];
	s2 =	stileid.u32  }
0x74: {  	s1 =	rddreg [dreg:$0x1];
	p0 =	sne.s32 s2, $0x0  }
0x75: {  	s3 =	rddreg [dreg:$0x2];
	[bflag:$0x3] =	sbarrier.arrive $0xFFFF;
	s2 =	simm.s32 @!p0 $0x1C02  }
0x76: {  	[timem:s3], [sflag:s2] =	dma.local @!p0 [hbm:s0], s1  }
0x77: {  	s0 =	simm.s32 @!p0 $0x2  }
0x78: {  	_ =	swait.ge @!p0 [sflag:s0], s1  }
0x79: {  	s1 =	ssub.s32 @!p0 $0x0, s1;
	[sflag:s0] =	ssyncset.done @!p0 $0x0  }
0x7a: {  	[sflag:s0] =	ssyncadd.s32 @!p0 s1  }
0x7b: {  	[bflag:$0x3] =	sbarrier.arrive $0xFFFF  }
0x7c: {  	_ =	shalt  }

</sc_bundles>
